<compile_context>
chip_gen: v7x
topology: tpu7x:2x2x1
jax: 0.10.2.dev20260603
libtpu: 0.0.44.dev20260713+nightly
codegen_flags: <defaults>
</compile_context>

<pallas_src>
import jax
import jax.numpy as jnp
from jax import lax
from jax.experimental import pallas as pl
from jax.experimental.pallas import tpu as pltpu
from jax.experimental.pallas import tpu_sc as plsc

N = 20
IN_CH = 4
HID = 32
E = 380

NP = 32
EP = 384
EG = EP // 16
INVS = float(1.0 / (1.0 + 1e-5) ** 0.5)

GATES = (0, 1, 4, 5, 6, 7)

OFF_X = 0
OFF_EW = 96
OFF_W1 = OFF_EW + 384
OFF_W2 = OFF_W1 + 128
OFF_WL = OFF_W2 + 1024
OFF_BL = OFF_WL + 80
OFF_B1 = OFF_BL + 16
OFF_G1 = OFF_B1 + HID
OFF_BE1 = OFF_G1 + HID
OFF_B2 = OFF_BE1 + HID
OFF_G2 = OFF_B2 + HID
OFF_BE2 = OFF_G2 + HID
OFF_BIH1 = OFF_BE2 + HID
OFF_BHH1 = OFF_BIH1 + 128
OFF_BIH2 = OFF_BHH1 + 128
OFF_BHH2 = OFF_BIH2 + 128
PTOT = OFF_BHH2 + 128


def _sigmoid(v):
    return 1.0 / (1.0 + jnp.exp(-v))


def _tanh(v):
    return 2.0 / (1.0 + jnp.exp(-2.0 * v)) - 1.0


def _bcast(v, k):
    idx = jnp.full((16, 1), 0, jnp.int32) + k
    return lax.gather(
        v, idx,
        dimension_numbers=lax.GatherDimensionNumbers(
            offset_dims=(), collapsed_slice_dims=(0,), start_index_map=(0,)),
        slice_sizes=(1,), mode=lax.GatherScatterMode.PROMISE_IN_BOUNDS)


def _rsqrt(d):
    i = plsc.bitcast(d, jnp.int32)
    y = plsc.bitcast(jnp.int32(0x5F3759DF) - (i >> 1), jnp.float32)
    for _ in range(3):
        y = y * (1.5 - 0.5 * d * y * y)
    return y


def _body(pk_h, ei_h, wc_h,
          out_hbm,
          pv, evv, wcv,
          dv, av, xwv, h1v, obv, sem, semw):
    wid = lax.axis_index("s") * 2 + lax.axis_index("c")

    @pl.when(wid < N)
    def _():
        hw = pltpu.async_copy(wc_h, wcv, semw)
        handles = [pltpu.async_copy(pk_h, pv, sem),
                   pltpu.async_copy(ei_h, evv, sem)]

        zero = jnp.zeros((16,), jnp.float32)
        one = jnp.full((16,), 1.0, jnp.float32)
        lane = lax.iota(jnp.int32, 16)

        for i in range(NP * NP // 16):
            av[pl.ds(i * 16, 16)] = zero
        dv[pl.ds(0, 16)] = zero
        dv[pl.ds(16, 16)] = zero

        for h in handles:
            h.wait()

        def degb(g, c):
            cvec = evv[pl.ds(EP + g * 16, 16)]
            wvec = pv[pl.ds(OFF_EW + g * 16, 16)]
            plsc.addupdate_scatter(dv, [cvec], wvec)
            return c
        lax.fori_loop(0, EG, degb, 0)

        dv[pl.ds(0, 16)] = dv[pl.ds(0, 16)] + one
        dv[pl.ds(16, 16)] = dv[pl.ds(16, 16)] + jnp.where(lane < (N - 16), 1.0, 0.0)

        for ch in range(2):
            d = dv[pl.ds(ch * 16, 16)]
            dv[pl.ds(ch * 16, 16)] = jnp.where(d > 0, _rsqrt(d), 0.0)

        def adjb(g, c):
            rvec = evv[pl.ds(g * 16, 16)]
            cvec = evv[pl.ds(EP + g * 16, 16)]
            wvec = pv[pl.ds(OFF_EW + g * 16, 16)]
            dr = plsc.load_gather(dv, [rvec])
            dc = plsc.load_gather(dv, [cvec])
            plsc.addupdate_scatter(av, [cvec * NP + rvec], dr * wvec * dc)
            return c
        lax.fori_loop(0, EG, adjb, 0)

        d0 = dv[pl.ds(0, 16)]
        plsc.addupdate_scatter(av, [lane * (NP + 1)], d0 * d0)
        d1 = dv[pl.ds(16, 16)]
        plsc.addupdate_scatter(av, [(lane + 16) * (NP + 1)], d1 * d1)

        def xmat(src_ref, src_stride, src_off, k_dim, w_off, dst_ref):
            def nb(bi, c):
                n = bi * 2
                accs = [zero] * 4
                sv = [[src_ref[pl.ds(src_off + (n + j) * src_stride + q * 16, 16)]
                       for q in range((k_dim + 15) // 16)] for j in range(2)]
                for k in range(k_dim):
                    wr0 = pv[pl.ds(w_off + k * HID, 16)]
                    wr1 = pv[pl.ds(w_off + k * HID + 16, 16)]
                    for j in range(2):
                        s = sv[j][k // 16][k % 16]
                        accs[2 * j] = accs[2 * j] + s * wr0
                        accs[2 * j + 1] = accs[2 * j + 1] + s * wr1
                for j in range(2):
                    dst_ref[pl.ds((n + j) * HID, 16)] = accs[2 * j]
                    dst_ref[pl.ds((n + j) * HID + 16, 16)] = accs[2 * j + 1]
                return c
            lax.fori_loop(0, N // 2, nb, 0)

        def aggregate(b_off, g_off, be_off, dst_ref):
            gm0 = pv[pl.ds(g_off, 16)] * INVS
            gm1 = pv[pl.ds(g_off + 16, 16)] * INVS
            bt0 = pv[pl.ds(be_off, 16)]
            bt1 = pv[pl.ds(be_off + 16, 16)]
            ib0 = pv[pl.ds(b_off, 16)]
            ib1 = pv[pl.ds(b_off + 16, 16)]
            def cb(bi, c):
                cc = bi * 2
                accs = [ib0, ib1, ib0, ib1]
                ar = [[av[pl.ds((cc + j) * NP, 16)],
                       av[pl.ds((cc + j) * NP + 16, 16)]] for j in range(2)]
                for r in range(N):
                    x0 = xwv[pl.ds(r * HID, 16)]
                    x1 = xwv[pl.ds(r * HID + 16, 16)]
                    for j in range(2):
                        s = ar[j][r // 16][r % 16]
                        accs[2 * j] = accs[2 * j] + s * x0
                        accs[2 * j + 1] = accs[2 * j + 1] + s * x1
                for j in range(2):
                    dst_ref[pl.ds((cc + j) * HID, 16)] = (
                        jnp.maximum(accs[2 * j], 0.0) * gm0 + bt0)
                    dst_ref[pl.ds((cc + j) * HID + 16, 16)] = (
                        jnp.maximum(accs[2 * j + 1], 0.0) * gm1 + bt1)
                return c
            lax.fori_loop(0, N // 2, cb, 0)

        xmat(pv, IN_CH, OFF_X, IN_CH, OFF_W1, xwv)
        aggregate(OFF_B1, OFF_G1, OFF_BE1, h1v)

        n = wid
        ar0 = av[pl.ds(n * NP, 16)]
        ar1 = av[pl.ds(n * NP + 16, 16)]
        def yb(r, carry):
            y0, y1 = carry
            s = _bcast(ar0, r)
            return (y0 + s * h1v[pl.ds(r * HID, 16)],
                    y1 + s * h1v[pl.ds(r * HID + 16, 16)])
        y0, y1 = lax.fori_loop(0, 16, yb, (zero, zero))
        for r in range(16, N):
            s = ar1[r % 16]
            y0 = y0 + s * h1v[pl.ds(r * HID, 16)]
            y1 = y1 + s * h1v[pl.ds(r * HID + 16, 16)]
        def wb(k, carry):
            a0, a1 = carry
            s0 = _bcast(y0, k)
            s1 = _bcast(y1, k)
            a0 = a0 + s0 * pv[pl.ds(OFF_W2 + k * HID, 16)]
            a1 = a1 + s0 * pv[pl.ds(OFF_W2 + k * HID + 16, 16)]
            a0 = a0 + s1 * pv[pl.ds(OFF_W2 + (k + 16) * HID, 16)]
            a1 = a1 + s1 * pv[pl.ds(OFF_W2 + (k + 16) * HID + 16, 16)]
            return (a0, a1)
        a20, a21 = lax.fori_loop(
            0, 16, wb, (pv[pl.ds(OFF_B2, 16)], pv[pl.ds(OFF_B2 + 16, 16)]))
        h2a = jnp.maximum(a20, 0.0) * (pv[pl.ds(OFF_G2, 16)] * INVS) \
            + pv[pl.ds(OFF_BE2, 16)]
        h2b = jnp.maximum(a21, 0.0) * (pv[pl.ds(OFF_G2 + 16, 16)] * INVS) \
            + pv[pl.ds(OFF_BE2 + 16, 16)]

        def lstm(srcs, w_off, bih_off, bhh_off):
            acc0 = tuple(
                pv[pl.ds(bih_off + ch * 16, 16)] + pv[pl.ds(bhh_off + ch * 16, 16)]
                for ch in GATES)
            def kb(ki, carry):
                acc = list(carry)
                for q, svec in enumerate(srcs):
                    sv = _bcast(svec, ki)
                    for j, ch in enumerate(GATES):
                        acc[j] = acc[j] + sv * wcv[
                            pl.ds(w_off + q * 2048 + ki * 128 + ch * 16, 16)]
                return tuple(acc)
            acc = list(lax.fori_loop(0, 16, kb, acc0))
            i0, i1 = _sigmoid(acc[0]), _sigmoid(acc[1])
            g0, g1 = _tanh(acc[2]), _tanh(acc[3])
            o0, o1 = _sigmoid(acc[4]), _sigmoid(acc[5])
            return o0 * _tanh(i0 * g0), o1 * _tanh(i1 * g1)

        hw.wait()
        h1a = h1v[pl.ds(n * HID, 16)]
        h1b = h1v[pl.ds(n * HID + 16, 16)]
        H1a, H1b = lstm([h1a, h1b, h2a, h2b], 0, OFF_BIH1, OFF_BHH1)
        H2a, H2b = lstm([H1a, H1b], 64 * 128, OFF_BIH2, OFF_BHH2)

        xrow = pv[pl.ds(OFF_X + n * IN_CH, 16)]
        v = (jnp.maximum(H1a, 0.0) * pv[pl.ds(OFF_WL, 16)]
             + jnp.maximum(H1b, 0.0) * pv[pl.ds(OFF_WL + 16, 16)]
             + jnp.maximum(H2a, 0.0) * pv[pl.ds(OFF_WL + 32, 16)]
             + jnp.maximum(H2b, 0.0) * pv[pl.ds(OFF_WL + 48, 16)]
             + jnp.where(lane < IN_CH,
                         jnp.maximum(xrow, 0.0) * pv[pl.ds(OFF_WL + 64, 16)], 0.0))
        tot = jnp.sum(v) + pv[pl.ds(OFF_BL, 16)][0]
        obv[...] = jnp.full((16,), 0.0, jnp.float32) + tot
        pltpu.sync_copy(obv, out_hbm.at[n])


@jax.jit
def kernel(x, edge_index, edge_weight, W1, b1, gamma1, beta1, W2, b2, gamma2,
           beta2, W_ih1, W_hh1, b_ih1, b_hh1, W_ih2, W_hh2, b_ih2, b_hh2, Wl, bl):
    f32 = jnp.float32
    edges = jnp.pad(edge_index.astype(jnp.int32), ((0, 0), (0, EP - E))).reshape(-1)
    wi1t = W_ih1.astype(f32).T.reshape(-1)
    wi2t = W_ih2.astype(f32).T.reshape(-1)
    z16 = jnp.zeros((16,), f32)
    wcat = jnp.concatenate([wi1t, wi2t])
    pack = jnp.concatenate([
        x.astype(f32).reshape(-1), z16,
        edge_weight.astype(f32), jnp.zeros((EP - E,), f32),
        W1.astype(f32).reshape(-1),
        W2.astype(f32).reshape(-1),
        Wl.astype(f32).reshape(-1), jnp.zeros((12,), f32),
        bl.astype(f32), jnp.zeros((15,), f32),
        b1.astype(f32), gamma1.astype(f32), beta1.astype(f32),
        b2.astype(f32), gamma2.astype(f32), beta2.astype(f32),
        b_ih1.astype(f32), b_hh1.astype(f32),
        b_ih2.astype(f32), b_hh2.astype(f32),
    ])

    mesh = plsc.VectorSubcoreMesh(core_axis_name="c", subcore_axis_name="s")
    out = pl.kernel(
        _body,
        out_type=jax.ShapeDtypeStruct((N, 16), f32),
        mesh=mesh,
        compiler_params=pltpu.CompilerParams(needs_layout_passes=False),
        scratch_types=[
            pltpu.VMEM((PTOT,), f32),
            pltpu.VMEM((2 * EP,), jnp.int32),
            pltpu.VMEM((96 * 128,), f32),
            pltpu.VMEM((NP,), f32),
            pltpu.VMEM((NP * NP,), f32),
            pltpu.VMEM((N * HID,), f32),
            pltpu.VMEM((N * HID,), f32),
            pltpu.VMEM((16,), f32),
            pltpu.SemaphoreType.DMA,
            pltpu.SemaphoreType.DMA,
        ],
    )(pack, edges, wcat)
    return out[:, :1]

# --- scband reference (transcript-rebuilt; emitter-appended) ---
"""Pipeline reference for scband-recurrent-gcn-73555609911748 (READ-ONLY COPY).

The authoritative reference and input builder live on the scoring server;
editing this copy changes nothing except your own understanding.
"""

import jax, jax.numpy as jnp
import numpy as np

N = 20
IN_CH = 4
HID = 32
E = 380


def _gcn(x, row, col, ew, W, b):
    loop = jnp.arange(N)
    r = jnp.concatenate([row, loop])
    c = jnp.concatenate([col, loop])
    w = jnp.concatenate([ew, jnp.ones((N,), x.dtype)])
    deg = jnp.zeros((N,), x.dtype).at[c].add(w)
    dinv = jnp.where(deg > 0, 1.0 / jnp.sqrt(deg), 0.0)
    norm = dinv[r] * w * dinv[c]
    xw = x @ W
    msg = xw[r] * norm[:, None]
    out = jnp.zeros((N, W.shape[1]), x.dtype).at[c].add(msg)
    return out + b


def _bn_eval(h, gamma, beta):
    # BatchNorm1d in eval mode with running_mean=0, running_var=1
    return h / jnp.sqrt(1.0 + 1e-5) * gamma + beta


def _lstm_step(x, W_ih, W_hh, b_ih, b_hh):
    # single-step LSTM with zero initial hidden/cell state (window=1)
    g = x @ W_ih.T + b_ih + b_hh  # h0 = 0 so W_hh contributes nothing
    i = jax.nn.sigmoid(g[:, :HID])
    f = jax.nn.sigmoid(g[:, HID:2 * HID])
    gg = jnp.tanh(g[:, 2 * HID:3 * HID])
    o = jax.nn.sigmoid(g[:, 3 * HID:4 * HID])
    c = i * gg  # f * c0 = 0
    return o * jnp.tanh(c)


def setup_inputs(seed: int = 0):
    key = jax.random.key(seed)
    ks = jax.random.split(key, 24)
    inp = {}
    inp['x'] = jax.random.normal(ks[0], (N, IN_CH), dtype=jnp.float32)
    inp['edge_index'] = jax.random.randint(ks[1], (2, E), 0, N)
    inp['edge_weight'] = jax.random.uniform(ks[2], (E,), dtype=jnp.float32)
    # GCNConv 1: in=4 -> hid=32
    inp['W1'] = jax.random.normal(ks[3], (IN_CH, HID), dtype=jnp.float32) * 0.1
    inp['b1'] = jnp.zeros((HID,), jnp.float32)
    inp['gamma1'] = jnp.ones((HID,), jnp.float32)
    inp['beta1'] = jnp.zeros((HID,), jnp.float32)
    # GCNConv 2: hid -> hid
    inp['W2'] = jax.random.normal(ks[4], (HID, HID), dtype=jnp.float32) * 0.1
    inp['b2'] = jnp.zeros((HID,), jnp.float32)
    inp['gamma2'] = jnp.ones((HID,), jnp.float32)
    inp['beta2'] = jnp.zeros((HID,), jnp.float32)
    # LSTM 1: input = 2*hid = 64 -> hid
    inp['W_ih1'] = jax.random.normal(ks[5], (4 * HID, 2 * HID), dtype=jnp.float32) * 0.1
    inp['W_hh1'] = jax.random.normal(ks[6], (4 * HID, HID), dtype=jnp.float32) * 0.1
    inp['b_ih1'] = jnp.zeros((4 * HID,), jnp.float32)
    inp['b_hh1'] = jnp.zeros((4 * HID,), jnp.float32)
    # LSTM 2: hid -> hid
    inp['W_ih2'] = jax.random.normal(ks[7], (4 * HID, HID), dtype=jnp.float32) * 0.1
    inp['W_hh2'] = jax.random.normal(ks[8], (4 * HID, HID), dtype=jnp.float32) * 0.1
    inp['b_ih2'] = jnp.zeros((4 * HID,), jnp.float32)
    inp['b_hh2'] = jnp.zeros((4 * HID,), jnp.float32)
    # final linear: 2*hid + in = 68 -> 1
    inp['Wl'] = jax.random.normal(ks[9], (2 * HID + IN_CH, 1), dtype=jnp.float32) * 0.1
    inp['bl'] = jnp.zeros((1,), jnp.float32)
    return inp


def reference(x, edge_index, edge_weight, W1, b1, gamma1, beta1, W2, b2, gamma2, beta2, W_ih1, W_hh1, b_ih1, b_hh1, W_ih2, W_hh2, b_ih2, b_hh2, Wl, bl):
    row, col = edge_index[0], edge_index[1]
    h1 = _bn_eval(jax.nn.relu(_gcn(x, row, col, edge_weight, W1, b1)), gamma1, beta1)
    h2 = _bn_eval(jax.nn.relu(_gcn(h1, row, col, edge_weight, W2, b2)), gamma2, beta2)
    feat = jnp.concatenate([h1, h2], axis=1)  # [N, 2*HID]
    H1 = _lstm_step(feat, W_ih1, W_hh1, b_ih1, b_hh1)
    H2 = _lstm_step(H1, W_ih2, W_hh2, b_ih2, b_hh2)
    Hcat = jnp.concatenate([H1, H2, x], axis=1)  # [N, 2*HID + IN_CH]
    h = jax.nn.relu(Hcat)
    return h @ Wl + bl

if __name__ == "__main__":
    import jax
    _d = setup_inputs()
    print(jax.jit(kernel)(*tuple(_d.values())))

</pallas_src>

<mosaic_0001>
#map = affine_map<(d0, d1) -> (0)>
#map1 = affine_map<(d0, d1) -> (0, 0)>
module attributes {stable_mosaic.version = 14 : i64} {
  func.func @_body(%arg0: i32, %arg1: i32, %arg2: memref<2432xf32, #tpu.memory_space<hbm>>, %arg3: memref<768xi32, #tpu.memory_space<hbm>>, %arg4: memref<12288xf32, #tpu.memory_space<hbm>>, %arg5: memref<20x16xf32, #tpu.memory_space<hbm>>, %arg6: memref<2432xf32, #tpu.memory_space<vmem>>, %arg7: memref<768xi32, #tpu.memory_space<vmem>>, %arg8: memref<12288xf32, #tpu.memory_space<vmem>>, %arg9: memref<32xf32, #tpu.memory_space<vmem>>, %arg10: memref<1024xf32, #tpu.memory_space<vmem>>, %arg11: memref<640xf32, #tpu.memory_space<vmem>>, %arg12: memref<640xf32, #tpu.memory_space<vmem>>, %arg13: memref<16xf32, #tpu.memory_space<vmem>>, %arg14: memref<!tpu.dma_semaphore, #tpu.memory_space<semaphore_mem>>, %arg15: memref<!tpu.dma_semaphore, #tpu.memory_space<semaphore_mem>>) attributes {dimension_semantics = [#tpu.dimension_semantics<core_parallel>, #tpu.dimension_semantics<subcore_parallel>], iteration_bounds = array<i64: 2, 16>, scalar_prefetch = 0 : i64, scratch_operands = 10 : i64, tpu.core_type = #tpu.core_type<sc_vector_subcore>, window_params = [{transform_indices = #map}, {transform_indices = #map}, {transform_indices = #map}, {transform_indices = #map1}]} {
    %mul3A = arith.constant 2 : i32
    %mul3A_0 = arith.muli %arg1, %mul3A : i32
    %add3A = arith.addi %mul3A_0, %arg0 : i32
    %lt3A = arith.constant 20 : i32
    %lt3A_1 = arith.cmpi slt, %add3A, %lt3A : i32
    %convert_element_type3A = arith.extui %lt3A_1 : i1 to i32
    %cond3A = arith.constant 0 : i32
    %cond3A_2 = arith.cmpi ne, %convert_element_type3A, %cond3A : i32
    scf.if %cond3A_2 {
      tpu.enqueue_dma source(%arg4 : memref<12288xf32, #tpu.memory_space<hbm>>) target(%arg8 : memref<12288xf32, #tpu.memory_space<vmem>>) target_semaphore(%arg15 : memref<!tpu.dma_semaphore, #tpu.memory_space<semaphore_mem>>)
      tpu.enqueue_dma source(%arg2 : memref<2432xf32, #tpu.memory_space<hbm>>) target(%arg6 : memref<2432xf32, #tpu.memory_space<vmem>>) target_semaphore(%arg14 : memref<!tpu.dma_semaphore, #tpu.memory_space<semaphore_mem>>)
      tpu.enqueue_dma source(%arg3 : memref<768xi32, #tpu.memory_space<hbm>>) target(%arg7 : memref<768xi32, #tpu.memory_space<vmem>>) target_semaphore(%arg14 : memref<!tpu.dma_semaphore, #tpu.memory_space<semaphore_mem>>)
      %broadcast_in_dim3A = arith.constant 0.000000e+00 : f32
      %broadcast_in_dim3A_3 = vector.broadcast %broadcast_in_dim3A : f32 to vector<16xf32>
      %broadcast_in_dim3A_4 = arith.constant 1.000000e+00 : f32
      %broadcast_in_dim3A_5 = vector.broadcast %broadcast_in_dim3A_4 : f32 to vector<16xf32>
      %iota3A = tpu.iota {dimensions = array<i32: 0>} : vector<16xi32>
      %swap3A = arith.constant 0 : index
      %swap3A_6 = tpu.vector_load %arg10[%swap3A] {strides = array<i32>} : memref<1024xf32, #tpu.memory_space<vmem>>, vector<16xf32>,
      tpu.vector_store %arg10[%swap3A], %broadcast_in_dim3A_3 {strides = array<i32>} : memref<1024xf32, #tpu.memory_space<vmem>>, vector<16xf32>,
      %swap3A_7 = arith.constant 16 : index
      %swap3A_8 = tpu.vector_load %arg10[%swap3A_7] {strides = array<i32>} : memref<1024xf32, #tpu.memory_space<vmem>>, vector<16xf32>,
      tpu.vector_store %arg10[%swap3A_7], %broadcast_in_dim3A_3 {strides = array<i32>} : memref<1024xf32, #tpu.memory_space<vmem>>, vector<16xf32>,
      %swap3A_9 = arith.constant 32 : index
      %swap3A_10 = tpu.vector_load %arg10[%swap3A_9] {strides = array<i32>} : memref<1024xf32, #tpu.memory_space<vmem>>, vector<16xf32>,
      tpu.vector_store %arg10[%swap3A_9], %broadcast_in_dim3A_3 {strides = array<i32>} : memref<1024xf32, #tpu.memory_space<vmem>>, vector<16xf32>,
      %swap3A_11 = arith.constant 48 : index
      %swap3A_12 = tpu.vector_load %arg10[%swap3A_11] {strides = array<i32>} : memref<1024xf32, #tpu.memory_space<vmem>>, vector<16xf32>,
      tpu.vector_store %arg10[%swap3A_11], %broadcast_in_dim3A_3 {strides = array<i32>} : memref<1024xf32, #tpu.memory_space<vmem>>, vector<16xf32>,
      %swap3A_13 = arith.constant 64 : index
      %swap3A_14 = tpu.vector_load %arg10[%swap3A_13] {strides = array<i32>} : memref<1024xf32, #tpu.memory_space<vmem>>, vector<16xf32>,
      tpu.vector_store %arg10[%swap3A_13], %broadcast_in_dim3A_3 {strides = array<i32>} : memref<1024xf32, #tpu.memory_space<vmem>>, vector<16xf32>,
      %swap3A_15 = arith.constant 80 : index
      %swap3A_16 = tpu.vector_load %arg10[%swap3A_15] {strides = array<i32>} : memref<1024xf32, #tpu.memory_space<vmem>>, vector<16xf32>,
      tpu.vector_store %arg10[%swap3A_15], %broadcast_in_dim3A_3 {strides = array<i32>} : memref<1024xf32, #tpu.memory_space<vmem>>, vector<16xf32>,
      %swap3A_17 = arith.constant 96 : index
      %swap3A_18 = tpu.vector_load %arg10[%swap3A_17] {strides = array<i32>} : memref<1024xf32, #tpu.memory_space<vmem>>, vector<16xf32>,
      tpu.vector_store %arg10[%swap3A_17], %broadcast_in_dim3A_3 {strides = array<i32>} : memref<1024xf32, #tpu.memory_space<vmem>>, vector<16xf32>,
      %swap3A_19 = arith.constant 112 : index
      %swap3A_20 = tpu.vector_load %arg10[%swap3A_19] {strides = array<i32>} : memref<1024xf32, #tpu.memory_space<vmem>>, vector<16xf32>,
      tpu.vector_store %arg10[%swap3A_19], %broadcast_in_dim3A_3 {strides = array<i32>} : memref<1024xf32, #tpu.memory_space<vmem>>, vector<16xf32>,
      %swap3A_21 = arith.constant 128 : index
      %swap3A_22 = tpu.vector_load %arg10[%swap3A_21] {strides = array<i32>} : memref<1024xf32, #tpu.memory_space<vmem>>, vector<16xf32>,
      tpu.vector_store %arg10[%swap3A_21], %broadcast_in_dim3A_3 {strides = array<i32>} : memref<1024xf32, #tpu.memory_space<vmem>>, vector<16xf32>,
      %swap3A_23 = arith.constant 144 : index
      %swap3A_24 = tpu.vector_load %arg10[%swap3A_23] {strides = array<i32>} : memref<1024xf32, #tpu.memory_space<vmem>>, vector<16xf32>,
      tpu.vector_store %arg10[%swap3A_23], %broadcast_in_dim3A_3 {strides = array<i32>} : memref<1024xf32, #tpu.memory_space<vmem>>, vector<16xf32>,
      %swap3A_25 = arith.constant 160 : index
      %swap3A_26 = tpu.vector_load %arg10[%swap3A_25] {strides = array<i32>} : memref<1024xf32, #tpu.memory_space<vmem>>, vector<16xf32>,
      tpu.vector_store %arg10[%swap3A_25], %broadcast_in_dim3A_3 {strides = array<i32>} : memref<1024xf32, #tpu.memory_space<vmem>>, vector<16xf32>,
      %swap3A_27 = arith.constant 176 : index
      %swap3A_28 = tpu.vector_load %arg10[%swap3A_27] {strides = array<i32>} : memref<1024xf32, #tpu.memory_space<vmem>>, vector<16xf32>,
      tpu.vector_store %arg10[%swap3A_27], %broadcast_in_dim3A_3 {strides = array<i32>} : memref<1024xf32, #tpu.memory_space<vmem>>, vector<16xf32>,
      %swap3A_29 = arith.constant 192 : index
      %swap3A_30 = tpu.vector_load %arg10[%swap3A_29] {strides = array<i32>} : memref<1024xf32, #tpu.memory_space<vmem>>, vector<16xf32>,
      tpu.vector_store %arg10[%swap3A_29], %broadcast_in_dim3A_3 {strides = array<i32>} : memref<1024xf32, #tpu.memory_space<vmem>>, vector<16xf32>,
      %swap3A_31 = arith.constant 208 : index
      %swap3A_32 = tpu.vector_load %arg10[%swap3A_31] {strides = array<i32>} : memref<1024xf32, #tpu.memory_space<vmem>>, vector<16xf32>,
      tpu.vector_store %arg10[%swap3A_31], %broadcast_in_dim3A_3 {strides = array<i32>} : memref<1024xf32, #tpu.memory_space<vmem>>, vector<16xf32>,
      %swap3A_33 = arith.constant 224 : index
      %swap3A_34 = tpu.vector_load %arg10[%swap3A_33] {strides = array<i32>} : memref<1024xf32, #tpu.memory_space<vmem>>, vector<16xf32>,
      tpu.vector_store %arg10[%swap3A_33], %broadcast_in_dim3A_3 {strides = array<i32>} : memref<1024xf32, #tpu.memory_space<vmem>>, vector<16xf32>,
      %swap3A_35 = arith.constant 240 : index
      %swap3A_36 = tpu.vector_load %arg10[%swap3A_35] {strides = array<i32>} : memref<1024xf32, #tpu.memory_space<vmem>>, vector<16xf32>,
      tpu.vector_store %arg10[%swap3A_35], %broadcast_in_dim3A_3 {strides = array<i32>} : memref<1024xf32, #tpu.memory_space<vmem>>, vector<16xf32>,
      %swap3A_37 = arith.constant 256 : index
      %swap3A_38 = tpu.vector_load %arg10[%swap3A_37] {strides = array<i32>} : memref<1024xf32, #tpu.memory_space<vmem>>, vector<16xf32>,
      tpu.vector_store %arg10[%swap3A_37], %broadcast_in_dim3A_3 {strides = array<i32>} : memref<1024xf32, #tpu.memory_space<vmem>>, vector<16xf32>,
      %swap3A_39 = arith.constant 272 : index
      %swap3A_40 = tpu.vector_load %arg10[%swap3A_39] {strides = array<i32>} : memref<1024xf32, #tpu.memory_space<vmem>>, vector<16xf32>,
      tpu.vector_store %arg10[%swap3A_39], %broadcast_in_dim3A_3 {strides = array<i32>} : memref<1024xf32, #tpu.memory_space<vmem>>, vector<16xf32>,
      %swap3A_41 = arith.constant 288 : index
      %swap3A_42 = tpu.vector_load %arg10[%swap3A_41] {strides = array<i32>} : memref<1024xf32, #tpu.memory_space<vmem>>, vector<16xf32>,
      tpu.vector_store %arg10[%swap3A_41], %broadcast_in_dim3A_3 {strides = array<i32>} : memref<1024xf32, #tpu.memory_space<vmem>>, vector<16xf32>,
      %swap3A_43 = arith.constant 304 : index
      %swap3A_44 = tpu.vector_load %arg10[%swap3A_43] {strides = array<i32>} : memref<1024xf32, #tpu.memory_space<vmem>>, vector<16xf32>,
      tpu.vector_store %arg10[%swap3A_43], %broadcast_in_dim3A_3 {strides = array<i32>} : memref<1024xf32, #tpu.memory_space<vmem>>, vector<16xf32>,
      %swap3A_45 = arith.constant 320 : index
      %swap3A_46 = tpu.vector_load %arg10[%swap3A_45] {strides = array<i32>} : memref<1024xf32, #tpu.memory_space<vmem>>, vector<16xf32>,
      tpu.vector_store %arg10[%swap3A_45], %broadcast_in_dim3A_3 {strides = array<i32>} : memref<1024xf32, #tpu.memory_space<vmem>>, vector<16xf32>,
      %swap3A_47 = arith.constant 336 : index
      %swap3A_48 = tpu.vector_load %arg10[%swap3A_47] {strides = array<i32>} : memref<1024xf32, #tpu.memory_space<vmem>>, vector<16xf32>,
      tpu.vector_store %arg10[%swap3A_47], %broadcast_in_dim3A_3 {strides = array<i32>} : memref<1024xf32, #tpu.memory_space<vmem>>, vector<16xf32>,
      %swap3A_49 = arith.constant 352 : index
      %swap3A_50 = tpu.vector_load %arg10[%swap3A_49] {strides = array<i32>} : memref<1024xf32, #tpu.memory_space<vmem>>, vector<16xf32>,
      tpu.vector_store %arg10[%swap3A_49], %broadcast_in_dim3A_3 {strides = array<i32>} : memref<1024xf32, #tpu.memory_space<vmem>>, vector<16xf32>,
      %swap3A_51 = arith.constant 368 : index
      %swap3A_52 = tpu.vector_load %arg10[%swap3A_51] {strides = array<i32>} : memref<1024xf32, #tpu.memory_space<vmem>>, vector<16xf32>,
      tpu.vector_store %arg10[%swap3A_51], %broadcast_in_dim3A_3 {strides = array<i32>} : memref<1024xf32, #tpu.memory_space<vmem>>, vector<16xf32>,
      %swap3A_53 = arith.constant 384 : index
      %swap3A_54 = tpu.vector_load %arg10[%swap3A_53] {strides = array<i32>} : memref<1024xf32, #tpu.memory_space<vmem>>, vector<16xf32>,
      tpu.vector_store %arg10[%swap3A_53], %broadcast_in_dim3A_3 {strides = array<i32>} : memref<1024xf32, #tpu.memory_space<vmem>>, vector<16xf32>,
      %swap3A_55 = arith.constant 400 : index
      %swap3A_56 = tpu.vector_load %arg10[%swap3A_55] {strides = array<i32>} : memref<1024xf32, #tpu.memory_space<vmem>>, vector<16xf32>,
      tpu.vector_store %arg10[%swap3A_55], %broadcast_in_dim3A_3 {strides = array<i32>} : memref<1024xf32, #tpu.memory_space<vmem>>, vector<16xf32>,
      %swap3A_57 = arith.constant 416 : index
      %swap3A_58 = tpu.vector_load %arg10[%swap3A_57] {strides = array<i32>} : memref<1024xf32, #tpu.memory_space<vmem>>, vector<16xf32>,
      tpu.vector_store %arg10[%swap3A_57], %broadcast_in_dim3A_3 {strides = array<i32>} : memref<1024xf32, #tpu.memory_space<vmem>>, vector<16xf32>,
      %swap3A_59 = arith.constant 432 : index
      %swap3A_60 = tpu.vector_load %arg10[%swap3A_59] {strides = array<i32>} : memref<1024xf32, #tpu.memory_space<vmem>>, vector<16xf32>,
      tpu.vector_store %arg10[%swap3A_59], %broadcast_in_dim3A_3 {strides = array<i32>} : memref<1024xf32, #tpu.memory_space<vmem>>, vector<16xf32>,
      %swap3A_61 = arith.constant 448 : index
      %swap3A_62 = tpu.vector_load %arg10[%swap3A_61] {strides = array<i32>} : memref<1024xf32, #tpu.memory_space<vmem>>, vector<16xf32>,
      tpu.vector_store %arg10[%swap3A_61], %broadcast_in_dim3A_3 {strides = array<i32>} : memref<1024xf32, #tpu.memory_space<vmem>>, vector<16xf32>,
      %swap3A_63 = arith.constant 464 : index
      %swap3A_64 = tpu.vector_load %arg10[%swap3A_63] {strides = array<i32>} : memref<1024xf32, #tpu.memory_space<vmem>>, vector<16xf32>,
      tpu.vector_store %arg10[%swap3A_63], %broadcast_in_dim3A_3 {strides = array<i32>} : memref<1024xf32, #tpu.memory_space<vmem>>, vector<16xf32>,
      %swap3A_65 = arith.constant 480 : index
      %swap3A_66 = tpu.vector_load %arg10[%swap3A_65] {strides = array<i32>} : memref<1024xf32, #tpu.memory_space<vmem>>, vector<16xf32>,
      tpu.vector_store %arg10[%swap3A_65], %broadcast_in_dim3A_3 {strides = array<i32>} : memref<1024xf32, #tpu.memory_space<vmem>>, vector<16xf32>,
      %swap3A_67 = arith.constant 496 : index
      %swap3A_68 = tpu.vector_load %arg10[%swap3A_67] {strides = array<i32>} : memref<1024xf32, #tpu.memory_space<vmem>>, vector<16xf32>,
      tpu.vector_store %arg10[%swap3A_67], %broadcast_in_dim3A_3 {strides = array<i32>} : memref<1024xf32, #tpu.memory_space<vmem>>, vector<16xf32>,
      %swap3A_69 = arith.constant 512 : index
      %swap3A_70 = tpu.vector_load %arg10[%swap3A_69] {strides = array<i32>} : memref<1024xf32, #tpu.memory_space<vmem>>, vector<16xf32>,
      tpu.vector_store %arg10[%swap3A_69], %broadcast_in_dim3A_3 {strides = array<i32>} : memref<1024xf32, #tpu.memory_space<vmem>>, vector<16xf32>,
      %swap3A_71 = arith.constant 528 : index
      %swap3A_72 = tpu.vector_load %arg10[%swap3A_71] {strides = array<i32>} : memref<1024xf32, #tpu.memory_space<vmem>>, vector<16xf32>,
      tpu.vector_store %arg10[%swap3A_71], %broadcast_in_dim3A_3 {strides = array<i32>} : memref<1024xf32, #tpu.memory_space<vmem>>, vector<16xf32>,
      %swap3A_73 = arith.constant 544 : index
      %swap3A_74 = tpu.vector_load %arg10[%swap3A_73] {strides = array<i32>} : memref<1024xf32, #tpu.memory_space<vmem>>, vector<16xf32>,
      tpu.vector_store %arg10[%swap3A_73], %broadcast_in_dim3A_3 {strides = array<i32>} : memref<1024xf32, #tpu.memory_space<vmem>>, vector<16xf32>,
      %swap3A_75 = arith.constant 560 : index
      %swap3A_76 = tpu.vector_load %arg10[%swap3A_75] {strides = array<i32>} : memref<1024xf32, #tpu.memory_space<vmem>>, vector<16xf32>,
      tpu.vector_store %arg10[%swap3A_75], %broadcast_in_dim3A_3 {strides = array<i32>} : memref<1024xf32, #tpu.memory_space<vmem>>, vector<16xf32>,
      %swap3A_77 = arith.constant 576 : index
      %swap3A_78 = tpu.vector_load %arg10[%swap3A_77] {strides = array<i32>} : memref<1024xf32, #tpu.memory_space<vmem>>, vector<16xf32>,
      tpu.vector_store %arg10[%swap3A_77], %broadcast_in_dim3A_3 {strides = array<i32>} : memref<1024xf32, #tpu.memory_space<vmem>>, vector<16xf32>,
      %swap3A_79 = arith.constant 592 : index
      %swap3A_80 = tpu.vector_load %arg10[%swap3A_79] {strides = array<i32>} : memref<1024xf32, #tpu.memory_space<vmem>>, vector<16xf32>,
      tpu.vector_store %arg10[%swap3A_79], %broadcast_in_dim3A_3 {strides = array<i32>} : memref<1024xf32, #tpu.memory_space<vmem>>, vector<16xf32>,
      %swap3A_81 = arith.constant 608 : index
      %swap3A_82 = tpu.vector_load %arg10[%swap3A_81] {strides = array<i32>} : memref<1024xf32, #tpu.memory_space<vmem>>, vector<16xf32>,
      tpu.vector_store %arg10[%swap3A_81], %broadcast_in_dim3A_3 {strides = array<i32>} : memref<1024xf32, #tpu.memory_space<vmem>>, vector<16xf32>,
      %swap3A_83 = arith.constant 624 : index
      %swap3A_84 = tpu.vector_load %arg10[%swap3A_83] {strides = array<i32>} : memref<1024xf32, #tpu.memory_space<vmem>>, vector<16xf32>,
      tpu.vector_store %arg10[%swap3A_83], %broadcast_in_dim3A_3 {strides = array<i32>} : memref<1024xf32, #tpu.memory_space<vmem>>, vector<16xf32>,
      %swap3A_85 = arith.constant 640 : index
      %swap3A_86 = tpu.vector_load %arg10[%swap3A_85] {strides = array<i32>} : memref<1024xf32, #tpu.memory_space<vmem>>, vector<16xf32>,
      tpu.vector_store %arg10[%swap3A_85], %broadcast_in_dim3A_3 {strides = array<i32>} : memref<1024xf32, #tpu.memory_space<vmem>>, vector<16xf32>,
      %swap3A_87 = arith.constant 656 : index
      %swap3A_88 = tpu.vector_load %arg10[%swap3A_87] {strides = array<i32>} : memref<1024xf32, #tpu.memory_space<vmem>>, vector<16xf32>,
      tpu.vector_store %arg10[%swap3A_87], %broadcast_in_dim3A_3 {strides = array<i32>} : memref<1024xf32, #tpu.memory_space<vmem>>, vector<16xf32>,
      %swap3A_89 = arith.constant 672 : index
      %swap3A_90 = tpu.vector_load %arg10[%swap3A_89] {strides = array<i32>} : memref<1024xf32, #tpu.memory_space<vmem>>, vector<16xf32>,
      tpu.vector_store %arg10[%swap3A_89], %broadcast_in_dim3A_3 {strides = array<i32>} : memref<1024xf32, #tpu.memory_space<vmem>>, vector<16xf32>,
      %swap3A_91 = arith.constant 688 : index
      %swap3A_92 = tpu.vector_load %arg10[%swap3A_91] {strides = array<i32>} : memref<1024xf32, #tpu.memory_space<vmem>>, vector<16xf32>,
      tpu.vector_store %arg10[%swap3A_91], %broadcast_in_dim3A_3 {strides = array<i32>} : memref<1024xf32, #tpu.memory_space<vmem>>, vector<16xf32>,
      %swap3A_93 = arith.constant 704 : index
      %swap3A_94 = tpu.vector_load %arg10[%swap3A_93] {strides = array<i32>} : memref<1024xf32, #tpu.memory_space<vmem>>, vector<16xf32>,
      tpu.vector_store %arg10[%swap3A_93], %broadcast_in_dim3A_3 {strides = array<i32>} : memref<1024xf32, #tpu.memory_space<vmem>>, vector<16xf32>,
      %swap3A_95 = arith.constant 720 : index
      %swap3A_96 = tpu.vector_load %arg10[%swap3A_95] {strides = array<i32>} : memref<1024xf32, #tpu.memory_space<vmem>>, vector<16xf32>,
      tpu.vector_store %arg10[%swap3A_95], %broadcast_in_dim3A_3 {strides = array<i32>} : memref<1024xf32, #tpu.memory_space<vmem>>, vector<16xf32>,
      %swap3A_97 = arith.constant 736 : index
      %swap3A_98 = tpu.vector_load %arg10[%swap3A_97] {strides = array<i32>} : memref<1024xf32, #tpu.memory_space<vmem>>, vector<16xf32>,
      tpu.vector_store %arg10[%swap3A_97], %broadcast_in_dim3A_3 {strides = array<i32>} : memref<1024xf32, #tpu.memory_space<vmem>>, vector<16xf32>,
      %swap3A_99 = arith.constant 752 : index
      %swap3A_100 = tpu.vector_load %arg10[%swap3A_99] {strides = array<i32>} : memref<1024xf32, #tpu.memory_space<vmem>>, vector<16xf32>,
      tpu.vector_store %arg10[%swap3A_99], %broadcast_in_dim3A_3 {strides = array<i32>} : memref<1024xf32, #tpu.memory_space<vmem>>, vector<16xf32>,
      %swap3A_101 = arith.constant 768 : index
      %swap3A_102 = tpu.vector_load %arg10[%swap3A_101] {strides = array<i32>} : memref<1024xf32, #tpu.memory_space<vmem>>, vector<16xf32>,
      tpu.vector_store %arg10[%swap3A_101], %broadcast_in_dim3A_3 {strides = array<i32>} : memref<1024xf32, #tpu.memory_space<vmem>>, vector<16xf32>,
      %swap3A_103 = arith.constant 784 : index
      %swap3A_104 = tpu.vector_load %arg10[%swap3A_103] {strides = array<i32>} : memref<1024xf32, #tpu.memory_space<vmem>>, vector<16xf32>,
      tpu.vector_store %arg10[%swap3A_103], %broadcast_in_dim3A_3 {strides = array<i32>} : memref<1024xf32, #tpu.memory_space<vmem>>, vector<16xf32>,
      %swap3A_105 = arith.constant 800 : index
      %swap3A_106 = tpu.vector_load %arg10[%swap3A_105] {strides = array<i32>} : memref<1024xf32, #tpu.memory_space<vmem>>, vector<16xf32>,
      tpu.vector_store %arg10[%swap3A_105], %broadcast_in_dim3A_3 {strides = array<i32>} : memref<1024xf32, #tpu.memory_space<vmem>>, vector<16xf32>,
      %swap3A_107 = arith.constant 816 : index
      %swap3A_108 = tpu.vector_load %arg10[%swap3A_107] {strides = array<i32>} : memref<1024xf32, #tpu.memory_space<vmem>>, vector<16xf32>,
      tpu.vector_store %arg10[%swap3A_107], %broadcast_in_dim3A_3 {strides = array<i32>} : memref<1024xf32, #tpu.memory_space<vmem>>, vector<16xf32>,
      %swap3A_109 = arith.constant 832 : index
      %swap3A_110 = tpu.vector_load %arg10[%swap3A_109] {strides = array<i32>} : memref<1024xf32, #tpu.memory_space<vmem>>, vector<16xf32>,
      tpu.vector_store %arg10[%swap3A_109], %broadcast_in_dim3A_3 {strides = array<i32>} : memref<1024xf32, #tpu.memory_space<vmem>>, vector<16xf32>,
      %swap3A_111 = arith.constant 848 : index
      %swap3A_112 = tpu.vector_load %arg10[%swap3A_111] {strides = array<i32>} : memref<1024xf32, #tpu.memory_space<vmem>>, vector<16xf32>,
      tpu.vector_store %arg10[%swap3A_111], %broadcast_in_dim3A_3 {strides = array<i32>} : memref<1024xf32, #tpu.memory_space<vmem>>, vector<16xf32>,
      %swap3A_113 = arith.constant 864 : index
      %swap3A_114 = tpu.vector_load %arg10[%swap3A_113] {strides = array<i32>} : memref<1024xf32, #tpu.memory_space<vmem>>, vector<16xf32>,
      tpu.vector_store %arg10[%swap3A_113], %broadcast_in_dim3A_3 {strides = array<i32>} : memref<1024xf32, #tpu.memory_space<vmem>>, vector<16xf32>,
      %swap3A_115 = arith.constant 880 : index
      %swap3A_116 = tpu.vector_load %arg10[%swap3A_115] {strides = array<i32>} : memref<1024xf32, #tpu.memory_space<vmem>>, vector<16xf32>,
      tpu.vector_store %arg10[%swap3A_115], %broadcast_in_dim3A_3 {strides = array<i32>} : memref<1024xf32, #tpu.memory_space<vmem>>, vector<16xf32>,
      %swap3A_117 = arith.constant 896 : index
      %swap3A_118 = tpu.vector_load %arg10[%swap3A_117] {strides = array<i32>} : memref<1024xf32, #tpu.memory_space<vmem>>, vector<16xf32>,
      tpu.vector_store %arg10[%swap3A_117], %broadcast_in_dim3A_3 {strides = array<i32>} : memref<1024xf32, #tpu.memory_space<vmem>>, vector<16xf32>,
      %swap3A_119 = arith.constant 912 : index
      %swap3A_120 = tpu.vector_load %arg10[%swap3A_119] {strides = array<i32>} : memref<1024xf32, #tpu.memory_space<vmem>>, vector<16xf32>,
      tpu.vector_store %arg10[%swap3A_119], %broadcast_in_dim3A_3 {strides = array<i32>} : memref<1024xf32, #tpu.memory_space<vmem>>, vector<16xf32>,
      %swap3A_121 = arith.constant 928 : index
      %swap3A_122 = tpu.vector_load %arg10[%swap3A_121] {strides = array<i32>} : memref<1024xf32, #tpu.memory_space<vmem>>, vector<16xf32>,
      tpu.vector_store %arg10[%swap3A_121], %broadcast_in_dim3A_3 {strides = array<i32>} : memref<1024xf32, #tpu.memory_space<vmem>>, vector<16xf32>,
      %swap3A_123 = arith.constant 944 : index
      %swap3A_124 = tpu.vector_load %arg10[%swap3A_123] {strides = array<i32>} : memref<1024xf32, #tpu.memory_space<vmem>>, vector<16xf32>,
      tpu.vector_store %arg10[%swap3A_123], %broadcast_in_dim3A_3 {strides = array<i32>} : memref<1024xf32, #tpu.memory_space<vmem>>, vector<16xf32>,
      %swap3A_125 = arith.constant 960 : index
      %swap3A_126 = tpu.vector_load %arg10[%swap3A_125] {strides = array<i32>} : memref<1024xf32, #tpu.memory_space<vmem>>, vector<16xf32>,
      tpu.vector_store %arg10[%swap3A_125], %broadcast_in_dim3A_3 {strides = array<i32>} : memref<1024xf32, #tpu.memory_space<vmem>>, vector<16xf32>,
      %swap3A_127 = arith.constant 976 : index
      %swap3A_128 = tpu.vector_load %arg10[%swap3A_127] {strides = array<i32>} : memref<1024xf32, #tpu.memory_space<vmem>>, vector<16xf32>,
      tpu.vector_store %arg10[%swap3A_127], %broadcast_in_dim3A_3 {strides = array<i32>} : memref<1024xf32, #tpu.memory_space<vmem>>, vector<16xf32>,
      %swap3A_129 = arith.constant 992 : index
      %swap3A_130 = tpu.vector_load %arg10[%swap3A_129] {strides = array<i32>} : memref<1024xf32, #tpu.memory_space<vmem>>, vector<16xf32>,
      tpu.vector_store %arg10[%swap3A_129], %broadcast_in_dim3A_3 {strides = array<i32>} : memref<1024xf32, #tpu.memory_space<vmem>>, vector<16xf32>,
      %swap3A_131 = arith.constant 1008 : index
      %swap3A_132 = tpu.vector_load %arg10[%swap3A_131] {strides = array<i32>} : memref<1024xf32, #tpu.memory_space<vmem>>, vector<16xf32>,
      tpu.vector_store %arg10[%swap3A_131], %broadcast_in_dim3A_3 {strides = array<i32>} : memref<1024xf32, #tpu.memory_space<vmem>>, vector<16xf32>,
      %swap3A_133 = arith.constant 0 : index
      %swap3A_134 = tpu.vector_load %arg9[%swap3A_133] {strides = array<i32>} : memref<32xf32, #tpu.memory_space<vmem>>, vector<16xf32>,
      tpu.vector_store %arg9[%swap3A_133], %broadcast_in_dim3A_3 {strides = array<i32>} : memref<32xf32, #tpu.memory_space<vmem>>, vector<16xf32>,
      %swap3A_135 = arith.constant 16 : index
      %swap3A_136 = tpu.vector_load %arg9[%swap3A_135] {strides = array<i32>} : memref<32xf32, #tpu.memory_space<vmem>>, vector<16xf32>,
      tpu.vector_store %arg9[%swap3A_135], %broadcast_in_dim3A_3 {strides = array<i32>} : memref<32xf32, #tpu.memory_space<vmem>>, vector<16xf32>,
      tpu.wait_dma2 semaphore(%arg14 : memref<!tpu.dma_semaphore, #tpu.memory_space<semaphore_mem>>) src(%arg2 : memref<2432xf32, #tpu.memory_space<hbm>>) dst(%arg6 : memref<2432xf32, #tpu.memory_space<vmem>>)
      tpu.wait_dma2 semaphore(%arg14 : memref<!tpu.dma_semaphore, #tpu.memory_space<semaphore_mem>>) src(%arg3 : memref<768xi32, #tpu.memory_space<hbm>>) dst(%arg7 : memref<768xi32, #tpu.memory_space<vmem>>)
      %scan3A = arith.constant 0 : i32
      %scan3A_137 = arith.constant 0 : i32
      %scan3A_138 = arith.constant 24 : i32
      %scan3A_139 = arith.addi %scan3A_137, %scan3A_138 : i32
      %scan3A_140 = arith.constant 1 : i32
      scf.for %scan3A_720 = %scan3A_137 to %scan3A_139 step %scan3A_140  : i32 {
        %mul3A_721 = arith.constant 16 : i32
        %mul3A_722 = arith.muli %scan3A_720, %mul3A_721 : i32
        %add3A_723 = arith.constant 384 : i32
        %add3A_724 = arith.addi %add3A_723, %mul3A_722 : i32
        %get3A_725 = arith.index_cast %add3A_724 : i32 to index
        %get3A_726 = tpu.vector_load %arg7[%get3A_725] {strides = array<i32>} : memref<768xi32, #tpu.memory_space<vmem>>, vector<16xi32>,
        %mul3A_727 = arith.constant 16 : i32
        %mul3A_728 = arith.muli %scan3A_720, %mul3A_727 : i32
        %add3A_729 = arith.constant 96 : i32
        %add3A_730 = arith.addi %add3A_729, %mul3A_728 : i32
        %get3A_731 = arith.index_cast %add3A_730 : i32 to index
        %get3A_732 = tpu.vector_load %arg6[%get3A_731] {strides = array<i32>} : memref<2432xf32, #tpu.memory_space<vmem>>, vector<16xf32>,
        tpu.vector_store_idx %arg9[%get3A_726], %get3A_732 {add = true} : memref<32xf32, #tpu.memory_space<vmem>>[vector<16xi32>], vector<16xf32>,
      }
      %scan3A_141 = arith.constant 24 : i32
      %get3A = arith.constant 0 : index
      %get3A_142 = tpu.vector_load %arg9[%get3A] {strides = array<i32>} : memref<32xf32, #tpu.memory_space<vmem>>, vector<16xf32>,
      %add3A_143 = arith.addf %get3A_142, %broadcast_in_dim3A_5 : vector<16xf32>
      %swap3A_144 = arith.constant 0 : index
      %swap3A_145 = tpu.vector_load %arg9[%swap3A_144] {strides = array<i32>} : memref<32xf32, #tpu.memory_space<vmem>>, vector<16xf32>,
      tpu.vector_store %arg9[%swap3A_144], %add3A_143 {strides = array<i32>} : memref<32xf32, #tpu.memory_space<vmem>>, vector<16xf32>,
      %get3A_146 = arith.constant 16 : index
      %get3A_147 = tpu.vector_load %arg9[%get3A_146] {strides = array<i32>} : memref<32xf32, #tpu.memory_space<vmem>>, vector<16xf32>,
      %lt3A_148 = arith.constant 4 : i32
      %lt3A_149 = vector.broadcast %lt3A_148 : i32 to vector<16xi32>
      %lt3A_150 = arith.cmpi slt, %iota3A, %lt3A_149 : vector<16xi32>
      %jit3A = arith.constant 1.000000e+00 : f32
      %jit3A_151 = arith.constant 0.000000e+00 : f32
      %broadcast_in_dim3A_152 = vector.broadcast %jit3A : f32 to vector<16xf32>
      %broadcast_in_dim3A_153 = vector.broadcast %jit3A_151 : f32 to vector<16xf32>
      %select_n3A = arith.select %lt3A_150, %broadcast_in_dim3A_152, %broadcast_in_dim3A_153 : vector<16xi1>, vector<16xf32>
      %add3A_154 = arith.addf %get3A_147, %select_n3A : vector<16xf32>
      %swap3A_155 = arith.constant 16 : index
      %swap3A_156 = tpu.vector_load %arg9[%swap3A_155] {strides = array<i32>} : memref<32xf32, #tpu.memory_space<vmem>>, vector<16xf32>,
      tpu.vector_store %arg9[%swap3A_155], %add3A_154 {strides = array<i32>} : memref<32xf32, #tpu.memory_space<vmem>>, vector<16xf32>,
      %get3A_157 = arith.constant 0 : index
      %get3A_158 = tpu.vector_load %arg9[%get3A_157] {strides = array<i32>} : memref<32xf32, #tpu.memory_space<vmem>>, vector<16xf32>,
      %gt3A = arith.constant 0.000000e+00 : f32
      %gt3A_159 = vector.broadcast %gt3A : f32 to vector<16xf32>
      %gt3A_160 = arith.cmpf ogt, %get3A_158, %gt3A_159 : vector<16xf32>
      %bitcast3A = vector.bitcast %get3A_158 : vector<16xf32> to vector<16xi32>
      %shift_right_arithmetic3A = arith.constant 1 : i32
      %shift_right_arithmetic3A_161 = vector.broadcast %shift_right_arithmetic3A : i32 to vector<16xi32>
      %shift_right_arithmetic3A_162 = arith.shrsi %bitcast3A, %shift_right_arithmetic3A_161 : vector<16xi32>
      %sub3A = arith.constant 1597463007 : i32
      %sub3A_163 = vector.broadcast %sub3A : i32 to vector<16xi32>
      %sub3A_164 = arith.subi %sub3A_163, %shift_right_arithmetic3A_162 : vector<16xi32>
      %bitcast3A_165 = vector.bitcast %sub3A_164 : vector<16xi32> to vector<16xf32>
      %mul3A_166 = arith.constant 5.000000e-01 : f32
      %mul3A_167 = vector.broadcast %mul3A_166 : f32 to vector<16xf32>
      %mul3A_168 = arith.mulf %mul3A_167, %get3A_158 : vector<16xf32>
      %mul3A_169 = arith.mulf %mul3A_168, %bitcast3A_165 : vector<16xf32>
      %mul3A_170 = arith.mulf %mul3A_169, %bitcast3A_165 : vector<16xf32>
      %sub3A_171 = arith.constant 1.500000e+00 : f32
      %sub3A_172 = vector.broadcast %sub3A_171 : f32 to vector<16xf32>
      %sub3A_173 = arith.subf %sub3A_172, %mul3A_170 : vector<16xf32>
      %mul3A_174 = arith.mulf %bitcast3A_165, %sub3A_173 : vector<16xf32>
      %mul3A_175 = arith.constant 5.000000e-01 : f32
      %mul3A_176 = vector.broadcast %mul3A_175 : f32 to vector<16xf32>
      %mul3A_177 = arith.mulf %mul3A_176, %get3A_158 : vector<16xf32>
      %mul3A_178 = arith.mulf %mul3A_177, %mul3A_174 : vector<16xf32>
      %mul3A_179 = arith.mulf %mul3A_178, %mul3A_174 : vector<16xf32>
      %sub3A_180 = arith.constant 1.500000e+00 : f32
      %sub3A_181 = vector.broadcast %sub3A_180 : f32 to vector<16xf32>
      %sub3A_182 = arith.subf %sub3A_181, %mul3A_179 : vector<16xf32>
      %mul3A_183 = arith.mulf %mul3A_174, %sub3A_182 : vector<16xf32>
      %mul3A_184 = arith.constant 5.000000e-01 : f32
      %mul3A_185 = vector.broadcast %mul3A_184 : f32 to vector<16xf32>
      %mul3A_186 = arith.mulf %mul3A_185, %get3A_158 : vector<16xf32>
      %mul3A_187 = arith.mulf %mul3A_186, %mul3A_183 : vector<16xf32>
      %mul3A_188 = arith.mulf %mul3A_187, %mul3A_183 : vector<16xf32>
      %sub3A_189 = arith.constant 1.500000e+00 : f32
      %sub3A_190 = vector.broadcast %sub3A_189 : f32 to vector<16xf32>
      %sub3A_191 = arith.subf %sub3A_190, %mul3A_188 : vector<16xf32>
      %mul3A_192 = arith.mulf %mul3A_183, %sub3A_191 : vector<16xf32>
      %jit3A_193 = arith.constant 0.000000e+00 : f32
      %broadcast_in_dim3A_194 = vector.broadcast %jit3A_193 : f32 to vector<16xf32>
      %select_n3A_195 = arith.select %gt3A_160, %mul3A_192, %broadcast_in_dim3A_194 : vector<16xi1>, vector<16xf32>
      %swap3A_196 = arith.constant 0 : index
      %swap3A_197 = tpu.vector_load %arg9[%swap3A_196] {strides = array<i32>} : memref<32xf32, #tpu.memory_space<vmem>>, vector<16xf32>,
      tpu.vector_store %arg9[%swap3A_196], %select_n3A_195 {strides = array<i32>} : memref<32xf32, #tpu.memory_space<vmem>>, vector<16xf32>,
      %get3A_198 = arith.constant 16 : index
      %get3A_199 = tpu.vector_load %arg9[%get3A_198] {strides = array<i32>} : memref<32xf32, #tpu.memory_space<vmem>>, vector<16xf32>,
      %gt3A_200 = arith.constant 0.000000e+00 : f32
      %gt3A_201 = vector.broadcast %gt3A_200 : f32 to vector<16xf32>
      %gt3A_202 = arith.cmpf ogt, %get3A_199, %gt3A_201 : vector<16xf32>
      %bitcast3A_203 = vector.bitcast %get3A_199 : vector<16xf32> to vector<16xi32>
      %shift_right_arithmetic3A_204 = arith.constant 1 : i32
      %shift_right_arithmetic3A_205 = vector.broadcast %shift_right_arithmetic3A_204 : i32 to vector<16xi32>
      %shift_right_arithmetic3A_206 = arith.shrsi %bitcast3A_203, %shift_right_arithmetic3A_205 : vector<16xi32>
      %sub3A_207 = arith.constant 1597463007 : i32
      %sub3A_208 = vector.broadcast %sub3A_207 : i32 to vector<16xi32>
      %sub3A_209 = arith.subi %sub3A_208, %shift_right_arithmetic3A_206 : vector<16xi32>
      %bitcast3A_210 = vector.bitcast %sub3A_209 : vector<16xi32> to vector<16xf32>
      %mul3A_211 = arith.constant 5.000000e-01 : f32
      %mul3A_212 = vector.broadcast %mul3A_211 : f32 to vector<16xf32>
      %mul3A_213 = arith.mulf %mul3A_212, %get3A_199 : vector<16xf32>
      %mul3A_214 = arith.mulf %mul3A_213, %bitcast3A_210 : vector<16xf32>
      %mul3A_215 = arith.mulf %mul3A_214, %bitcast3A_210 : vector<16xf32>
      %sub3A_216 = arith.constant 1.500000e+00 : f32
      %sub3A_217 = vector.broadcast %sub3A_216 : f32 to vector<16xf32>
      %sub3A_218 = arith.subf %sub3A_217, %mul3A_215 : vector<16xf32>
      %mul3A_219 = arith.mulf %bitcast3A_210, %sub3A_218 : vector<16xf32>
      %mul3A_220 = arith.constant 5.000000e-01 : f32
      %mul3A_221 = vector.broadcast %mul3A_220 : f32 to vector<16xf32>
      %mul3A_222 = arith.mulf %mul3A_221, %get3A_199 : vector<16xf32>
      %mul3A_223 = arith.mulf %mul3A_222, %mul3A_219 : vector<16xf32>
      %mul3A_224 = arith.mulf %mul3A_223, %mul3A_219 : vector<16xf32>
      %sub3A_225 = arith.constant 1.500000e+00 : f32
      %sub3A_226 = vector.broadcast %sub3A_225 : f32 to vector<16xf32>
      %sub3A_227 = arith.subf %sub3A_226, %mul3A_224 : vector<16xf32>
      %mul3A_228 = arith.mulf %mul3A_219, %sub3A_227 : vector<16xf32>
      %mul3A_229 = arith.constant 5.000000e-01 : f32
      %mul3A_230 = vector.broadcast %mul3A_229 : f32 to vector<16xf32>
      %mul3A_231 = arith.mulf %mul3A_230, %get3A_199 : vector<16xf32>
      %mul3A_232 = arith.mulf %mul3A_231, %mul3A_228 : vector<16xf32>
      %mul3A_233 = arith.mulf %mul3A_232, %mul3A_228 : vector<16xf32>
      %sub3A_234 = arith.constant 1.500000e+00 : f32
      %sub3A_235 = vector.broadcast %sub3A_234 : f32 to vector<16xf32>
      %sub3A_236 = arith.subf %sub3A_235, %mul3A_233 : vector<16xf32>
      %mul3A_237 = arith.mulf %mul3A_228, %sub3A_236 : vector<16xf32>
      %jit3A_238 = arith.constant 0.000000e+00 : f32
      %broadcast_in_dim3A_239 = vector.broadcast %jit3A_238 : f32 to vector<16xf32>
      %select_n3A_240 = arith.select %gt3A_202, %mul3A_237, %broadcast_in_dim3A_239 : vector<16xi1>, vector<16xf32>
      %swap3A_241 = arith.constant 16 : index
      %swap3A_242 = tpu.vector_load %arg9[%swap3A_241] {strides = array<i32>} : memref<32xf32, #tpu.memory_space<vmem>>, vector<16xf32>,
      tpu.vector_store %arg9[%swap3A_241], %select_n3A_240 {strides = array<i32>} : memref<32xf32, #tpu.memory_space<vmem>>, vector<16xf32>,
      %scan3A_243 = arith.constant 0 : i32
      %scan3A_244 = arith.constant 0 : i32
      %scan3A_245 = arith.constant 24 : i32
      %scan3A_246 = arith.addi %scan3A_244, %scan3A_245 : i32
      %scan3A_247 = arith.constant 1 : i32
      scf.for %scan3A_720 = %scan3A_244 to %scan3A_246 step %scan3A_247  : i32 {
        %mul3A_721 = arith.constant 16 : i32
        %mul3A_722 = arith.muli %scan3A_720, %mul3A_721 : i32
        %get3A_723 = arith.index_cast %mul3A_722 : i32 to index
        %get3A_724 = tpu.vector_load %arg7[%get3A_723] {strides = array<i32>} : memref<768xi32, #tpu.memory_space<vmem>>, vector<16xi32>,
        %mul3A_725 = arith.constant 16 : i32
        %mul3A_726 = arith.muli %scan3A_720, %mul3A_725 : i32
        %add3A_727 = arith.constant 384 : i32
        %add3A_728 = arith.addi %add3A_727, %mul3A_726 : i32
        %get3A_729 = arith.index_cast %add3A_728 : i32 to index
        %get3A_730 = tpu.vector_load %arg7[%get3A_729] {strides = array<i32>} : memref<768xi32, #tpu.memory_space<vmem>>, vector<16xi32>,
        %mul3A_731 = arith.constant 16 : i32
        %mul3A_732 = arith.muli %scan3A_720, %mul3A_731 : i32
        %add3A_733 = arith.constant 96 : i32
        %add3A_734 = arith.addi %add3A_733, %mul3A_732 : i32
        %get3A_735 = arith.index_cast %add3A_734 : i32 to index
        %get3A_736 = tpu.vector_load %arg6[%get3A_735] {strides = array<i32>} : memref<2432xf32, #tpu.memory_space<vmem>>, vector<16xf32>,
        %gather3A = tpu.vector_load_idx %arg9[%get3A_724] : memref<32xf32, #tpu.memory_space<vmem>>[vector<16xi32>], vector<16xf32>,
        %gather3A_737 = tpu.vector_load_idx %arg9[%get3A_730] : memref<32xf32, #tpu.memory_space<vmem>>[vector<16xi32>], vector<16xf32>,
        %mul3A_738 = arith.constant 32 : i32
        %mul3A_739 = vector.broadcast %mul3A_738 : i32 to vector<16xi32>
        %mul3A_740 = arith.muli %get3A_730, %mul3A_739 : vector<16xi32>
        %add3A_741 = arith.addi %mul3A_740, %get3A_724 : vector<16xi32>
        %mul3A_742 = arith.mulf %gather3A, %get3A_736 : vector<16xf32>
        %mul3A_743 = arith.mulf %mul3A_742, %gather3A_737 : vector<16xf32>
        tpu.vector_store_idx %arg10[%add3A_741], %mul3A_743 {add = true} : memref<1024xf32, #tpu.memory_space<vmem>>[vector<16xi32>], vector<16xf32>,
      }
      %scan3A_248 = arith.constant 24 : i32
      %get3A_249 = arith.constant 0 : index
      %get3A_250 = tpu.vector_load %arg9[%get3A_249] {strides = array<i32>} : memref<32xf32, #tpu.memory_space<vmem>>, vector<16xf32>,
      %mul3A_251 = arith.constant 33 : i32
      %mul3A_252 = vector.broadcast %mul3A_251 : i32 to vector<16xi32>
      %mul3A_253 = arith.muli %iota3A, %mul3A_252 : vector<16xi32>
      %mul3A_254 = arith.mulf %get3A_250, %get3A_250 : vector<16xf32>
      tpu.vector_store_idx %arg10[%mul3A_253], %mul3A_254 {add = true} : memref<1024xf32, #tpu.memory_space<vmem>>[vector<16xi32>], vector<16xf32>,
      %get3A_255 = arith.constant 16 : index
      %get3A_256 = tpu.vector_load %arg9[%get3A_255] {strides = array<i32>} : memref<32xf32, #tpu.memory_space<vmem>>, vector<16xf32>,
      %add3A_257 = arith.constant 16 : i32
      %add3A_258 = vector.broadcast %add3A_257 : i32 to vector<16xi32>
      %add3A_259 = arith.addi %iota3A, %add3A_258 : vector<16xi32>
      %mul3A_260 = arith.constant 33 : i32
      %mul3A_261 = vector.broadcast %mul3A_260 : i32 to vector<16xi32>
      %mul3A_262 = arith.muli %add3A_259, %mul3A_261 : vector<16xi32>
      %mul3A_263 = arith.mulf %get3A_256, %get3A_256 : vector<16xf32>
      tpu.vector_store_idx %arg10[%mul3A_262], %mul3A_263 {add = true} : memref<1024xf32, #tpu.memory_space<vmem>>[vector<16xi32>], vector<16xf32>,
      %scan3A_264 = arith.constant 0 : i32
      %scan3A_265 = arith.constant 0 : i32
      %scan3A_266 = arith.constant 10 : i32
      %scan3A_267 = arith.addi %scan3A_265, %scan3A_266 : i32
      %scan3A_268 = arith.constant 1 : i32
      scf.for %scan3A_720 = %scan3A_265 to %scan3A_267 step %scan3A_268  : i32 {
        %mul3A_721 = arith.constant 2 : i32
        %mul3A_722 = arith.muli %scan3A_720, %mul3A_721 : i32
        %add3A_723 = arith.constant 0 : i32
        %add3A_724 = arith.addi %mul3A_722, %add3A_723 : i32
        %mul3A_725 = arith.constant 4 : i32
        %mul3A_726 = arith.muli %add3A_724, %mul3A_725 : i32
        %add3A_727 = arith.constant 0 : i32
        %add3A_728 = arith.addi %add3A_727, %mul3A_726 : i32
        %add3A_729 = arith.constant 0 : i32
        %add3A_730 = arith.addi %add3A_728, %add3A_729 : i32
        %get3A_731 = arith.index_cast %add3A_730 : i32 to index
        %get3A_732 = tpu.vector_load %arg6[%get3A_731] {strides = array<i32>} : memref<2432xf32, #tpu.memory_space<vmem>>, vector<16xf32>,
        %add3A_733 = arith.constant 1 : i32
        %add3A_734 = arith.addi %mul3A_722, %add3A_733 : i32
        %mul3A_735 = arith.constant 4 : i32
        %mul3A_736 = arith.muli %add3A_734, %mul3A_735 : i32
        %add3A_737 = arith.constant 0 : i32
        %add3A_738 = arith.addi %add3A_737, %mul3A_736 : i32
        %add3A_739 = arith.constant 0 : i32
        %add3A_740 = arith.addi %add3A_738, %add3A_739 : i32
        %get3A_741 = arith.index_cast %add3A_740 : i32 to index
        %get3A_742 = tpu.vector_load %arg6[%get3A_741] {strides = array<i32>} : memref<2432xf32, #tpu.memory_space<vmem>>, vector<16xf32>,
        %get3A_743 = arith.constant 480 : index
        %get3A_744 = tpu.vector_load %arg6[%get3A_743] {strides = array<i32>} : memref<2432xf32, #tpu.memory_space<vmem>>, vector<16xf32>,
        %get3A_745 = arith.constant 496 : index
        %get3A_746 = tpu.vector_load %arg6[%get3A_745] {strides = array<i32>} : memref<2432xf32, #tpu.memory_space<vmem>>, vector<16xf32>,
        %slice3A_747 = vector.extract_strided_slice %get3A_732 {offsets = [0], sizes = [1], strides = [1]} : vector<16xf32> to vector<1xf32>
        %squeeze3A_748 = vector.extract %slice3A_747[0] : f32 from vector<1xf32>
        %mul3A_749 = vector.broadcast %squeeze3A_748 : f32 to vector<16xf32>
        %mul3A_750 = arith.mulf %mul3A_749, %get3A_744 : vector<16xf32>
        %add3A_751 = arith.addf %broadcast_in_dim3A_3, %mul3A_750 : vector<16xf32>
        %mul3A_752 = vector.broadcast %squeeze3A_748 : f32 to vector<16xf32>
        %mul3A_753 = arith.mulf %mul3A_752, %get3A_746 : vector<16xf32>
        %add3A_754 = arith.addf %broadcast_in_dim3A_3, %mul3A_753 : vector<16xf32>
        %slice3A_755 = vector.extract_strided_slice %get3A_742 {offsets = [0], sizes = [1], strides = [1]} : vector<16xf32> to vector<1xf32>
        %squeeze3A_756 = vector.extract %slice3A_755[0] : f32 from vector<1xf32>
        %mul3A_757 = vector.broadcast %squeeze3A_756 : f32 to vector<16xf32>
        %mul3A_758 = arith.mulf %mul3A_757, %get3A_744 : vector<16xf32>
        %add3A_759 = arith.addf %broadcast_in_dim3A_3, %mul3A_758 : vector<16xf32>
        %mul3A_760 = vector.broadcast %squeeze3A_756 : f32 to vector<16xf32>
        %mul3A_761 = arith.mulf %mul3A_760, %get3A_746 : vector<16xf32>
        %add3A_762 = arith.addf %broadcast_in_dim3A_3, %mul3A_761 : vector<16xf32>
        %get3A_763 = arith.constant 512 : index
        %get3A_764 = tpu.vector_load %arg6[%get3A_763] {strides = array<i32>} : memref<2432xf32, #tpu.memory_space<vmem>>, vector<16xf32>,
        %get3A_765 = arith.constant 528 : index
        %get3A_766 = tpu.vector_load %arg6[%get3A_765] {strides = array<i32>} : memref<2432xf32, #tpu.memory_space<vmem>>, vector<16xf32>,
        %slice3A_767 = vector.extract_strided_slice %get3A_732 {offsets = [1], sizes = [1], strides = [1]} : vector<16xf32> to vector<1xf32>
        %squeeze3A_768 = vector.extract %slice3A_767[0] : f32 from vector<1xf32>
        %mul3A_769 = vector.broadcast %squeeze3A_768 : f32 to vector<16xf32>
        %mul3A_770 = arith.mulf %mul3A_769, %get3A_764 : vector<16xf32>
        %add3A_771 = arith.addf %add3A_751, %mul3A_770 : vector<16xf32>
        %mul3A_772 = vector.broadcast %squeeze3A_768 : f32 to vector<16xf32>
        %mul3A_773 = arith.mulf %mul3A_772, %get3A_766 : vector<16xf32>
        %add3A_774 = arith.addf %add3A_754, %mul3A_773 : vector<16xf32>
        %slice3A_775 = vector.extract_strided_slice %get3A_742 {offsets = [1], sizes = [1], strides = [1]} : vector<16xf32> to vector<1xf32>
        %squeeze3A_776 = vector.extract %slice3A_775[0] : f32 from vector<1xf32>
        %mul3A_777 = vector.broadcast %squeeze3A_776 : f32 to vector<16xf32>
        %mul3A_778 = arith.mulf %mul3A_777, %get3A_764 : vector<16xf32>
        %add3A_779 = arith.addf %add3A_759, %mul3A_778 : vector<16xf32>
        %mul3A_780 = vector.broadcast %squeeze3A_776 : f32 to vector<16xf32>
        %mul3A_781 = arith.mulf %mul3A_780, %get3A_766 : vector<16xf32>
        %add3A_782 = arith.addf %add3A_762, %mul3A_781 : vector<16xf32>
        %get3A_783 = arith.constant 544 : index
        %get3A_784 = tpu.vector_load %arg6[%get3A_783] {strides = array<i32>} : memref<2432xf32, #tpu.memory_space<vmem>>, vector<16xf32>,
        %get3A_785 = arith.constant 560 : index
        %get3A_786 = tpu.vector_load %arg6[%get3A_785] {strides = array<i32>} : memref<2432xf32, #tpu.memory_space<vmem>>, vector<16xf32>,
        %slice3A_787 = vector.extract_strided_slice %get3A_732 {offsets = [2], sizes = [1], strides = [1]} : vector<16xf32> to vector<1xf32>
        %squeeze3A_788 = vector.extract %slice3A_787[0] : f32 from vector<1xf32>
        %mul3A_789 = vector.broadcast %squeeze3A_788 : f32 to vector<16xf32>
        %mul3A_790 = arith.mulf %mul3A_789, %get3A_784 : vector<16xf32>
        %add3A_791 = arith.addf %add3A_771, %mul3A_790 : vector<16xf32>
        %mul3A_792 = vector.broadcast %squeeze3A_788 : f32 to vector<16xf32>
        %mul3A_793 = arith.mulf %mul3A_792, %get3A_786 : vector<16xf32>
        %add3A_794 = arith.addf %add3A_774, %mul3A_793 : vector<16xf32>
        %slice3A_795 = vector.extract_strided_slice %get3A_742 {offsets = [2], sizes = [1], strides = [1]} : vector<16xf32> to vector<1xf32>
        %squeeze3A_796 = vector.extract %slice3A_795[0] : f32 from vector<1xf32>
        %mul3A_797 = vector.broadcast %squeeze3A_796 : f32 to vector<16xf32>
        %mul3A_798 = arith.mulf %mul3A_797, %get3A_784 : vector<16xf32>
        %add3A_799 = arith.addf %add3A_779, %mul3A_798 : vector<16xf32>
        %mul3A_800 = vector.broadcast %squeeze3A_796 : f32 to vector<16xf32>
        %mul3A_801 = arith.mulf %mul3A_800, %get3A_786 : vector<16xf32>
        %add3A_802 = arith.addf %add3A_782, %mul3A_801 : vector<16xf32>
        %get3A_803 = arith.constant 576 : index
        %get3A_804 = tpu.vector_load %arg6[%get3A_803] {strides = array<i32>} : memref<2432xf32, #tpu.memory_space<vmem>>, vector<16xf32>,
        %get3A_805 = arith.constant 592 : index
        %get3A_806 = tpu.vector_load %arg6[%get3A_805] {strides = array<i32>} : memref<2432xf32, #tpu.memory_space<vmem>>, vector<16xf32>,
        %slice3A_807 = vector.extract_strided_slice %get3A_732 {offsets = [3], sizes = [1], strides = [1]} : vector<16xf32> to vector<1xf32>
        %squeeze3A_808 = vector.extract %slice3A_807[0] : f32 from vector<1xf32>
        %mul3A_809 = vector.broadcast %squeeze3A_808 : f32 to vector<16xf32>
        %mul3A_810 = arith.mulf %mul3A_809, %get3A_804 : vector<16xf32>
        %add3A_811 = arith.addf %add3A_791, %mul3A_810 : vector<16xf32>
        %mul3A_812 = vector.broadcast %squeeze3A_808 : f32 to vector<16xf32>
        %mul3A_813 = arith.mulf %mul3A_812, %get3A_806 : vector<16xf32>
        %add3A_814 = arith.addf %add3A_794, %mul3A_813 : vector<16xf32>
        %slice3A_815 = vector.extract_strided_slice %get3A_742 {offsets = [3], sizes = [1], strides = [1]} : vector<16xf32> to vector<1xf32>
        %squeeze3A_816 = vector.extract %slice3A_815[0] : f32 from vector<1xf32>
        %mul3A_817 = vector.broadcast %squeeze3A_816 : f32 to vector<16xf32>
        %mul3A_818 = arith.mulf %mul3A_817, %get3A_804 : vector<16xf32>
        %add3A_819 = arith.addf %add3A_799, %mul3A_818 : vector<16xf32>
        %mul3A_820 = vector.broadcast %squeeze3A_816 : f32 to vector<16xf32>
        %mul3A_821 = arith.mulf %mul3A_820, %get3A_806 : vector<16xf32>
        %add3A_822 = arith.addf %add3A_802, %mul3A_821 : vector<16xf32>
        %add3A_823 = arith.constant 0 : i32
        %add3A_824 = arith.addi %mul3A_722, %add3A_823 : i32
        %mul3A_825 = arith.constant 32 : i32
        %mul3A_826 = arith.muli %add3A_824, %mul3A_825 : i32
        %swap3A_827 = arith.index_cast %mul3A_826 : i32 to index
        %swap3A_828 = tpu.vector_load %arg11[%swap3A_827] {strides = array<i32>} : memref<640xf32, #tpu.memory_space<vmem>>, vector<16xf32>,
        tpu.vector_store %arg11[%swap3A_827], %add3A_811 {strides = array<i32>} : memref<640xf32, #tpu.memory_space<vmem>>, vector<16xf32>,
        %add3A_829 = arith.constant 0 : i32
        %add3A_830 = arith.addi %mul3A_722, %add3A_829 : i32
        %mul3A_831 = arith.constant 32 : i32
        %mul3A_832 = arith.muli %add3A_830, %mul3A_831 : i32
        %add3A_833 = arith.constant 16 : i32
        %add3A_834 = arith.addi %mul3A_832, %add3A_833 : i32
        %swap3A_835 = arith.index_cast %add3A_834 : i32 to index
        %swap3A_836 = tpu.vector_load %arg11[%swap3A_835] {strides = array<i32>} : memref<640xf32, #tpu.memory_space<vmem>>, vector<16xf32>,
        tpu.vector_store %arg11[%swap3A_835], %add3A_814 {strides = array<i32>} : memref<640xf32, #tpu.memory_space<vmem>>, vector<16xf32>,
        %add3A_837 = arith.constant 1 : i32
        %add3A_838 = arith.addi %mul3A_722, %add3A_837 : i32
        %mul3A_839 = arith.constant 32 : i32
        %mul3A_840 = arith.muli %add3A_838, %mul3A_839 : i32
        %swap3A_841 = arith.index_cast %mul3A_840 : i32 to index
        %swap3A_842 = tpu.vector_load %arg11[%swap3A_841] {strides = array<i32>} : memref<640xf32, #tpu.memory_space<vmem>>, vector<16xf32>,
        tpu.vector_store %arg11[%swap3A_841], %add3A_819 {strides = array<i32>} : memref<640xf32, #tpu.memory_space<vmem>>, vector<16xf32>,
        %add3A_843 = arith.constant 1 : i32
        %add3A_844 = arith.addi %mul3A_722, %add3A_843 : i32
        %mul3A_845 = arith.constant 32 : i32
        %mul3A_846 = arith.muli %add3A_844, %mul3A_845 : i32
        %add3A_847 = arith.constant 16 : i32
        %add3A_848 = arith.addi %mul3A_846, %add3A_847 : i32
        %swap3A_849 = arith.index_cast %add3A_848 : i32 to index
        %swap3A_850 = tpu.vector_load %arg11[%swap3A_849] {strides = array<i32>} : memref<640xf32, #tpu.memory_space<vmem>>, vector<16xf32>,
        tpu.vector_store %arg11[%swap3A_849], %add3A_822 {strides = array<i32>} : memref<640xf32, #tpu.memory_space<vmem>>, vector<16xf32>,
      }
      %scan3A_269 = arith.constant 10 : i32
      %get3A_270 = arith.constant 1760 : index
      %get3A_271 = tpu.vector_load %arg6[%get3A_270] {strides = array<i32>} : memref<2432xf32, #tpu.memory_space<vmem>>, vector<16xf32>,
      %mul3A_272 = arith.constant 0.999994993 : f32
      %mul3A_273 = vector.broadcast %mul3A_272 : f32 to vector<16xf32>
      %mul3A_274 = arith.mulf %get3A_271, %mul3A_273 : vector<16xf32>
      %get3A_275 = arith.constant 1776 : index
      %get3A_276 = tpu.vector_load %arg6[%get3A_275] {strides = array<i32>} : memref<2432xf32, #tpu.memory_space<vmem>>, vector<16xf32>,
      %mul3A_277 = arith.constant 0.999994993 : f32
      %mul3A_278 = vector.broadcast %mul3A_277 : f32 to vector<16xf32>
      %mul3A_279 = arith.mulf %get3A_276, %mul3A_278 : vector<16xf32>
      %get3A_280 = arith.constant 1792 : index
      %get3A_281 = tpu.vector_load %arg6[%get3A_280] {strides = array<i32>} : memref<2432xf32, #tpu.memory_space<vmem>>, vector<16xf32>,
      %get3A_282 = arith.constant 1808 : index
      %get3A_283 = tpu.vector_load %arg6[%get3A_282] {strides = array<i32>} : memref<2432xf32, #tpu.memory_space<vmem>>, vector<16xf32>,
      %get3A_284 = arith.constant 1728 : index
      %get3A_285 = tpu.vector_load %arg6[%get3A_284] {strides = array<i32>} : memref<2432xf32, #tpu.memory_space<vmem>>, vector<16xf32>,
      %get3A_286 = arith.constant 1744 : index
      %get3A_287 = tpu.vector_load %arg6[%get3A_286] {strides = array<i32>} : memref<2432xf32, #tpu.memory_space<vmem>>, vector<16xf32>,
      %scan3A_288 = arith.constant 0 : i32
      %scan3A_289 = arith.constant 0 : i32
      %scan3A_290 = arith.constant 10 : i32
      %scan3A_291 = arith.addi %scan3A_289, %scan3A_290 : i32
      %scan3A_292 = arith.constant 1 : i32
      scf.for %scan3A_720 = %scan3A_289 to %scan3A_291 step %scan3A_292  : i32 {
        %mul3A_721 = arith.constant 2 : i32
        %mul3A_722 = arith.muli %scan3A_720, %mul3A_721 : i32
        %add3A_723 = arith.constant 0 : i32
        %add3A_724 = arith.addi %mul3A_722, %add3A_723 : i32
        %mul3A_725 = arith.constant 32 : i32
        %mul3A_726 = arith.muli %add3A_724, %mul3A_725 : i32
        %get3A_727 = arith.index_cast %mul3A_726 : i32 to index
        %get3A_728 = tpu.vector_load %arg10[%get3A_727] {strides = array<i32>} : memref<1024xf32, #tpu.memory_space<vmem>>, vector<16xf32>,
        %add3A_729 = arith.constant 0 : i32
        %add3A_730 = arith.addi %mul3A_722, %add3A_729 : i32
        %mul3A_731 = arith.constant 32 : i32
        %mul3A_732 = arith.muli %add3A_730, %mul3A_731 : i32
        %add3A_733 = arith.constant 16 : i32
        %add3A_734 = arith.addi %mul3A_732, %add3A_733 : i32
        %get3A_735 = arith.index_cast %add3A_734 : i32 to index
        %get3A_736 = tpu.vector_load %arg10[%get3A_735] {strides = array<i32>} : memref<1024xf32, #tpu.memory_space<vmem>>, vector<16xf32>,
        %add3A_737 = arith.constant 1 : i32
        %add3A_738 = arith.addi %mul3A_722, %add3A_737 : i32
        %mul3A_739 = arith.constant 32 : i32
        %mul3A_740 = arith.muli %add3A_738, %mul3A_739 : i32
        %get3A_741 = arith.index_cast %mul3A_740 : i32 to index
        %get3A_742 = tpu.vector_load %arg10[%get3A_741] {strides = array<i32>} : memref<1024xf32, #tpu.memory_space<vmem>>, vector<16xf32>,
        %add3A_743 = arith.constant 1 : i32
        %add3A_744 = arith.addi %mul3A_722, %add3A_743 : i32
        %mul3A_745 = arith.constant 32 : i32
        %mul3A_746 = arith.muli %add3A_744, %mul3A_745 : i32
        %add3A_747 = arith.constant 16 : i32
        %add3A_748 = arith.addi %mul3A_746, %add3A_747 : i32
        %get3A_749 = arith.index_cast %add3A_748 : i32 to index
        %get3A_750 = tpu.vector_load %arg10[%get3A_749] {strides = array<i32>} : memref<1024xf32, #tpu.memory_space<vmem>>, vector<16xf32>,
        %get3A_751 = arith.constant 0 : index
        %get3A_752 = tpu.vector_load %arg11[%get3A_751] {strides = array<i32>} : memref<640xf32, #tpu.memory_space<vmem>>, vector<16xf32>,
        %get3A_753 = arith.constant 16 : index
        %get3A_754 = tpu.vector_load %arg11[%get3A_753] {strides = array<i32>} : memref<640xf32, #tpu.memory_space<vmem>>, vector<16xf32>,
        %slice3A_755 = vector.extract_strided_slice %get3A_728 {offsets = [0], sizes = [1], strides = [1]} : vector<16xf32> to vector<1xf32>
        %squeeze3A_756 = vector.extract %slice3A_755[0] : f32 from vector<1xf32>
        %mul3A_757 = vector.broadcast %squeeze3A_756 : f32 to vector<16xf32>
        %mul3A_758 = arith.mulf %mul3A_757, %get3A_752 : vector<16xf32>
        %add3A_759 = arith.addf %get3A_285, %mul3A_758 : vector<16xf32>
        %mul3A_760 = vector.broadcast %squeeze3A_756 : f32 to vector<16xf32>
        %mul3A_761 = arith.mulf %mul3A_760, %get3A_754 : vector<16xf32>
        %add3A_762 = arith.addf %get3A_287, %mul3A_761 : vector<16xf32>
        %slice3A_763 = vector.extract_strided_slice %get3A_742 {offsets = [0], sizes = [1], strides = [1]} : vector<16xf32> to vector<1xf32>
        %squeeze3A_764 = vector.extract %slice3A_763[0] : f32 from vector<1xf32>
        %mul3A_765 = vector.broadcast %squeeze3A_764 : f32 to vector<16xf32>
        %mul3A_766 = arith.mulf %mul3A_765, %get3A_752 : vector<16xf32>
        %add3A_767 = arith.addf %get3A_285, %mul3A_766 : vector<16xf32>
        %mul3A_768 = vector.broadcast %squeeze3A_764 : f32 to vector<16xf32>
        %mul3A_769 = arith.mulf %mul3A_768, %get3A_754 : vector<16xf32>
        %add3A_770 = arith.addf %get3A_287, %mul3A_769 : vector<16xf32>
        %get3A_771 = arith.constant 32 : index
        %get3A_772 = tpu.vector_load %arg11[%get3A_771] {strides = array<i32>} : memref<640xf32, #tpu.memory_space<vmem>>, vector<16xf32>,
        %get3A_773 = arith.constant 48 : index
        %get3A_774 = tpu.vector_load %arg11[%get3A_773] {strides = array<i32>} : memref<640xf32, #tpu.memory_space<vmem>>, vector<16xf32>,
        %slice3A_775 = vector.extract_strided_slice %get3A_728 {offsets = [1], sizes = [1], strides = [1]} : vector<16xf32> to vector<1xf32>
        %squeeze3A_776 = vector.extract %slice3A_775[0] : f32 from vector<1xf32>
        %mul3A_777 = vector.broadcast %squeeze3A_776 : f32 to vector<16xf32>
        %mul3A_778 = arith.mulf %mul3A_777, %get3A_772 : vector<16xf32>
        %add3A_779 = arith.addf %add3A_759, %mul3A_778 : vector<16xf32>
        %mul3A_780 = vector.broadcast %squeeze3A_776 : f32 to vector<16xf32>
        %mul3A_781 = arith.mulf %mul3A_780, %get3A_774 : vector<16xf32>
        %add3A_782 = arith.addf %add3A_762, %mul3A_781 : vector<16xf32>
        %slice3A_783 = vector.extract_strided_slice %get3A_742 {offsets = [1], sizes = [1], strides = [1]} : vector<16xf32> to vector<1xf32>
        %squeeze3A_784 = vector.extract %slice3A_783[0] : f32 from vector<1xf32>
        %mul3A_785 = vector.broadcast %squeeze3A_784 : f32 to vector<16xf32>
        %mul3A_786 = arith.mulf %mul3A_785, %get3A_772 : vector<16xf32>
        %add3A_787 = arith.addf %add3A_767, %mul3A_786 : vector<16xf32>
        %mul3A_788 = vector.broadcast %squeeze3A_784 : f32 to vector<16xf32>
        %mul3A_789 = arith.mulf %mul3A_788, %get3A_774 : vector<16xf32>
        %add3A_790 = arith.addf %add3A_770, %mul3A_789 : vector<16xf32>
        %get3A_791 = arith.constant 64 : index
        %get3A_792 = tpu.vector_load %arg11[%get3A_791] {strides = array<i32>} : memref<640xf32, #tpu.memory_space<vmem>>, vector<16xf32>,
        %get3A_793 = arith.constant 80 : index
        %get3A_794 = tpu.vector_load %arg11[%get3A_793] {strides = array<i32>} : memref<640xf32, #tpu.memory_space<vmem>>, vector<16xf32>,
        %slice3A_795 = vector.extract_strided_slice %get3A_728 {offsets = [2], sizes = [1], strides = [1]} : vector<16xf32> to vector<1xf32>
        %squeeze3A_796 = vector.extract %slice3A_795[0] : f32 from vector<1xf32>
        %mul3A_797 = vector.broadcast %squeeze3A_796 : f32 to vector<16xf32>
        %mul3A_798 = arith.mulf %mul3A_797, %get3A_792 : vector<16xf32>
        %add3A_799 = arith.addf %add3A_779, %mul3A_798 : vector<16xf32>
        %mul3A_800 = vector.broadcast %squeeze3A_796 : f32 to vector<16xf32>
        %mul3A_801 = arith.mulf %mul3A_800, %get3A_794 : vector<16xf32>
        %add3A_802 = arith.addf %add3A_782, %mul3A_801 : vector<16xf32>
        %slice3A_803 = vector.extract_strided_slice %get3A_742 {offsets = [2], sizes = [1], strides = [1]} : vector<16xf32> to vector<1xf32>
        %squeeze3A_804 = vector.extract %slice3A_803[0] : f32 from vector<1xf32>
        %mul3A_805 = vector.broadcast %squeeze3A_804 : f32 to vector<16xf32>
        %mul3A_806 = arith.mulf %mul3A_805, %get3A_792 : vector<16xf32>
        %add3A_807 = arith.addf %add3A_787, %mul3A_806 : vector<16xf32>
        %mul3A_808 = vector.broadcast %squeeze3A_804 : f32 to vector<16xf32>
        %mul3A_809 = arith.mulf %mul3A_808, %get3A_794 : vector<16xf32>
        %add3A_810 = arith.addf %add3A_790, %mul3A_809 : vector<16xf32>
        %get3A_811 = arith.constant 96 : index
        %get3A_812 = tpu.vector_load %arg11[%get3A_811] {strides = array<i32>} : memref<640xf32, #tpu.memory_space<vmem>>, vector<16xf32>,
        %get3A_813 = arith.constant 112 : index
        %get3A_814 = tpu.vector_load %arg11[%get3A_813] {strides = array<i32>} : memref<640xf32, #tpu.memory_space<vmem>>, vector<16xf32>,
        %slice3A_815 = vector.extract_strided_slice %get3A_728 {offsets = [3], sizes = [1], strides = [1]} : vector<16xf32> to vector<1xf32>
        %squeeze3A_816 = vector.extract %slice3A_815[0] : f32 from vector<1xf32>
        %mul3A_817 = vector.broadcast %squeeze3A_816 : f32 to vector<16xf32>
        %mul3A_818 = arith.mulf %mul3A_817, %get3A_812 : vector<16xf32>
        %add3A_819 = arith.addf %add3A_799, %mul3A_818 : vector<16xf32>
        %mul3A_820 = vector.broadcast %squeeze3A_816 : f32 to vector<16xf32>
        %mul3A_821 = arith.mulf %mul3A_820, %get3A_814 : vector<16xf32>
        %add3A_822 = arith.addf %add3A_802, %mul3A_821 : vector<16xf32>
        %slice3A_823 = vector.extract_strided_slice %get3A_742 {offsets = [3], sizes = [1], strides = [1]} : vector<16xf32> to vector<1xf32>
        %squeeze3A_824 = vector.extract %slice3A_823[0] : f32 from vector<1xf32>
        %mul3A_825 = vector.broadcast %squeeze3A_824 : f32 to vector<16xf32>
        %mul3A_826 = arith.mulf %mul3A_825, %get3A_812 : vector<16xf32>
        %add3A_827 = arith.addf %add3A_807, %mul3A_826 : vector<16xf32>
        %mul3A_828 = vector.broadcast %squeeze3A_824 : f32 to vector<16xf32>
        %mul3A_829 = arith.mulf %mul3A_828, %get3A_814 : vector<16xf32>
        %add3A_830 = arith.addf %add3A_810, %mul3A_829 : vector<16xf32>
        %get3A_831 = arith.constant 128 : index
        %get3A_832 = tpu.vector_load %arg11[%get3A_831] {strides = array<i32>} : memref<640xf32, #tpu.memory_space<vmem>>, vector<16xf32>,
        %get3A_833 = arith.constant 144 : index
        %get3A_834 = tpu.vector_load %arg11[%get3A_833] {strides = array<i32>} : memref<640xf32, #tpu.memory_space<vmem>>, vector<16xf32>,
        %slice3A_835 = vector.extract_strided_slice %get3A_728 {offsets = [4], sizes = [1], strides = [1]} : vector<16xf32> to vector<1xf32>
        %squeeze3A_836 = vector.extract %slice3A_835[0] : f32 from vector<1xf32>
        %mul3A_837 = vector.broadcast %squeeze3A_836 : f32 to vector<16xf32>
        %mul3A_838 = arith.mulf %mul3A_837, %get3A_832 : vector<16xf32>
        %add3A_839 = arith.addf %add3A_819, %mul3A_838 : vector<16xf32>
        %mul3A_840 = vector.broadcast %squeeze3A_836 : f32 to vector<16xf32>
        %mul3A_841 = arith.mulf %mul3A_840, %get3A_834 : vector<16xf32>
        %add3A_842 = arith.addf %add3A_822, %mul3A_841 : vector<16xf32>
        %slice3A_843 = vector.extract_strided_slice %get3A_742 {offsets = [4], sizes = [1], strides = [1]} : vector<16xf32> to vector<1xf32>
        %squeeze3A_844 = vector.extract %slice3A_843[0] : f32 from vector<1xf32>
        %mul3A_845 = vector.broadcast %squeeze3A_844 : f32 to vector<16xf32>
        %mul3A_846 = arith.mulf %mul3A_845, %get3A_832 : vector<16xf32>
        %add3A_847 = arith.addf %add3A_827, %mul3A_846 : vector<16xf32>
        %mul3A_848 = vector.broadcast %squeeze3A_844 : f32 to vector<16xf32>
        %mul3A_849 = arith.mulf %mul3A_848, %get3A_834 : vector<16xf32>
        %add3A_850 = arith.addf %add3A_830, %mul3A_849 : vector<16xf32>
        %get3A_851 = arith.constant 160 : index
        %get3A_852 = tpu.vector_load %arg11[%get3A_851] {strides = array<i32>} : memref<640xf32, #tpu.memory_space<vmem>>, vector<16xf32>,
        %get3A_853 = arith.constant 176 : index
        %get3A_854 = tpu.vector_load %arg11[%get3A_853] {strides = array<i32>} : memref<640xf32, #tpu.memory_space<vmem>>, vector<16xf32>,
        %slice3A_855 = vector.extract_strided_slice %get3A_728 {offsets = [5], sizes = [1], strides = [1]} : vector<16xf32> to vector<1xf32>
        %squeeze3A_856 = vector.extract %slice3A_855[0] : f32 from vector<1xf32>
        %mul3A_857 = vector.broadcast %squeeze3A_856 : f32 to vector<16xf32>
        %mul3A_858 = arith.mulf %mul3A_857, %get3A_852 : vector<16xf32>
        %add3A_859 = arith.addf %add3A_839, %mul3A_858 : vector<16xf32>
        %mul3A_860 = vector.broadcast %squeeze3A_856 : f32 to vector<16xf32>
        %mul3A_861 = arith.mulf %mul3A_860, %get3A_854 : vector<16xf32>
        %add3A_862 = arith.addf %add3A_842, %mul3A_861 : vector<16xf32>
        %slice3A_863 = vector.extract_strided_slice %get3A_742 {offsets = [5], sizes = [1], strides = [1]} : vector<16xf32> to vector<1xf32>
        %squeeze3A_864 = vector.extract %slice3A_863[0] : f32 from vector<1xf32>
        %mul3A_865 = vector.broadcast %squeeze3A_864 : f32 to vector<16xf32>
        %mul3A_866 = arith.mulf %mul3A_865, %get3A_852 : vector<16xf32>
        %add3A_867 = arith.addf %add3A_847, %mul3A_866 : vector<16xf32>
        %mul3A_868 = vector.broadcast %squeeze3A_864 : f32 to vector<16xf32>
        %mul3A_869 = arith.mulf %mul3A_868, %get3A_854 : vector<16xf32>
        %add3A_870 = arith.addf %add3A_850, %mul3A_869 : vector<16xf32>
        %get3A_871 = arith.constant 192 : index
        %get3A_872 = tpu.vector_load %arg11[%get3A_871] {strides = array<i32>} : memref<640xf32, #tpu.memory_space<vmem>>, vector<16xf32>,
        %get3A_873 = arith.constant 208 : index
        %get3A_874 = tpu.vector_load %arg11[%get3A_873] {strides = array<i32>} : memref<640xf32, #tpu.memory_space<vmem>>, vector<16xf32>,
        %slice3A_875 = vector.extract_strided_slice %get3A_728 {offsets = [6], sizes = [1], strides = [1]} : vector<16xf32> to vector<1xf32>
        %squeeze3A_876 = vector.extract %slice3A_875[0] : f32 from vector<1xf32>
        %mul3A_877 = vector.broadcast %squeeze3A_876 : f32 to vector<16xf32>
        %mul3A_878 = arith.mulf %mul3A_877, %get3A_872 : vector<16xf32>
        %add3A_879 = arith.addf %add3A_859, %mul3A_878 : vector<16xf32>
        %mul3A_880 = vector.broadcast %squeeze3A_876 : f32 to vector<16xf32>
        %mul3A_881 = arith.mulf %mul3A_880, %get3A_874 : vector<16xf32>
        %add3A_882 = arith.addf %add3A_862, %mul3A_881 : vector<16xf32>
        %slice3A_883 = vector.extract_strided_slice %get3A_742 {offsets = [6], sizes = [1], strides = [1]} : vector<16xf32> to vector<1xf32>
        %squeeze3A_884 = vector.extract %slice3A_883[0] : f32 from vector<1xf32>
        %mul3A_885 = vector.broadcast %squeeze3A_884 : f32 to vector<16xf32>
        %mul3A_886 = arith.mulf %mul3A_885, %get3A_872 : vector<16xf32>
        %add3A_887 = arith.addf %add3A_867, %mul3A_886 : vector<16xf32>
        %mul3A_888 = vector.broadcast %squeeze3A_884 : f32 to vector<16xf32>
        %mul3A_889 = arith.mulf %mul3A_888, %get3A_874 : vector<16xf32>
        %add3A_890 = arith.addf %add3A_870, %mul3A_889 : vector<16xf32>
        %get3A_891 = arith.constant 224 : index
        %get3A_892 = tpu.vector_load %arg11[%get3A_891] {strides = array<i32>} : memref<640xf32, #tpu.memory_space<vmem>>, vector<16xf32>,
        %get3A_893 = arith.constant 240 : index
        %get3A_894 = tpu.vector_load %arg11[%get3A_893] {strides = array<i32>} : memref<640xf32, #tpu.memory_space<vmem>>, vector<16xf32>,
        %slice3A_895 = vector.extract_strided_slice %get3A_728 {offsets = [7], sizes = [1], strides = [1]} : vector<16xf32> to vector<1xf32>
        %squeeze3A_896 = vector.extract %slice3A_895[0] : f32 from vector<1xf32>
        %mul3A_897 = vector.broadcast %squeeze3A_896 : f32 to vector<16xf32>
        %mul3A_898 = arith.mulf %mul3A_897, %get3A_892 : vector<16xf32>
        %add3A_899 = arith.addf %add3A_879, %mul3A_898 : vector<16xf32>
        %mul3A_900 = vector.broadcast %squeeze3A_896 : f32 to vector<16xf32>
        %mul3A_901 = arith.mulf %mul3A_900, %get3A_894 : vector<16xf32>
        %add3A_902 = arith.addf %add3A_882, %mul3A_901 : vector<16xf32>
        %slice3A_903 = vector.extract_strided_slice %get3A_742 {offsets = [7], sizes = [1], strides = [1]} : vector<16xf32> to vector<1xf32>
        %squeeze3A_904 = vector.extract %slice3A_903[0] : f32 from vector<1xf32>
        %mul3A_905 = vector.broadcast %squeeze3A_904 : f32 to vector<16xf32>
        %mul3A_906 = arith.mulf %mul3A_905, %get3A_892 : vector<16xf32>
        %add3A_907 = arith.addf %add3A_887, %mul3A_906 : vector<16xf32>
        %mul3A_908 = vector.broadcast %squeeze3A_904 : f32 to vector<16xf32>
        %mul3A_909 = arith.mulf %mul3A_908, %get3A_894 : vector<16xf32>
        %add3A_910 = arith.addf %add3A_890, %mul3A_909 : vector<16xf32>
        %get3A_911 = arith.constant 256 : index
        %get3A_912 = tpu.vector_load %arg11[%get3A_911] {strides = array<i32>} : memref<640xf32, #tpu.memory_space<vmem>>, vector<16xf32>,
        %get3A_913 = arith.constant 272 : index
        %get3A_914 = tpu.vector_load %arg11[%get3A_913] {strides = array<i32>} : memref<640xf32, #tpu.memory_space<vmem>>, vector<16xf32>,
        %slice3A_915 = vector.extract_strided_slice %get3A_728 {offsets = [8], sizes = [1], strides = [1]} : vector<16xf32> to vector<1xf32>
        %squeeze3A_916 = vector.extract %slice3A_915[0] : f32 from vector<1xf32>
        %mul3A_917 = vector.broadcast %squeeze3A_916 : f32 to vector<16xf32>
        %mul3A_918 = arith.mulf %mul3A_917, %get3A_912 : vector<16xf32>
        %add3A_919 = arith.addf %add3A_899, %mul3A_918 : vector<16xf32>
        %mul3A_920 = vector.broadcast %squeeze3A_916 : f32 to vector<16xf32>
        %mul3A_921 = arith.mulf %mul3A_920, %get3A_914 : vector<16xf32>
        %add3A_922 = arith.addf %add3A_902, %mul3A_921 : vector<16xf32>
        %slice3A_923 = vector.extract_strided_slice %get3A_742 {offsets = [8], sizes = [1], strides = [1]} : vector<16xf32> to vector<1xf32>
        %squeeze3A_924 = vector.extract %slice3A_923[0] : f32 from vector<1xf32>
        %mul3A_925 = vector.broadcast %squeeze3A_924 : f32 to vector<16xf32>
        %mul3A_926 = arith.mulf %mul3A_925, %get3A_912 : vector<16xf32>
        %add3A_927 = arith.addf %add3A_907, %mul3A_926 : vector<16xf32>
        %mul3A_928 = vector.broadcast %squeeze3A_924 : f32 to vector<16xf32>
        %mul3A_929 = arith.mulf %mul3A_928, %get3A_914 : vector<16xf32>
        %add3A_930 = arith.addf %add3A_910, %mul3A_929 : vector<16xf32>
        %get3A_931 = arith.constant 288 : index
        %get3A_932 = tpu.vector_load %arg11[%get3A_931] {strides = array<i32>} : memref<640xf32, #tpu.memory_space<vmem>>, vector<16xf32>,
        %get3A_933 = arith.constant 304 : index
        %get3A_934 = tpu.vector_load %arg11[%get3A_933] {strides = array<i32>} : memref<640xf32, #tpu.memory_space<vmem>>, vector<16xf32>,
        %slice3A_935 = vector.extract_strided_slice %get3A_728 {offsets = [9], sizes = [1], strides = [1]} : vector<16xf32> to vector<1xf32>
        %squeeze3A_936 = vector.extract %slice3A_935[0] : f32 from vector<1xf32>
        %mul3A_937 = vector.broadcast %squeeze3A_936 : f32 to vector<16xf32>
        %mul3A_938 = arith.mulf %mul3A_937, %get3A_932 : vector<16xf32>
        %add3A_939 = arith.addf %add3A_919, %mul3A_938 : vector<16xf32>
        %mul3A_940 = vector.broadcast %squeeze3A_936 : f32 to vector<16xf32>
        %mul3A_941 = arith.mulf %mul3A_940, %get3A_934 : vector<16xf32>
        %add3A_942 = arith.addf %add3A_922, %mul3A_941 : vector<16xf32>
        %slice3A_943 = vector.extract_strided_slice %get3A_742 {offsets = [9], sizes = [1], strides = [1]} : vector<16xf32> to vector<1xf32>
        %squeeze3A_944 = vector.extract %slice3A_943[0] : f32 from vector<1xf32>
        %mul3A_945 = vector.broadcast %squeeze3A_944 : f32 to vector<16xf32>
        %mul3A_946 = arith.mulf %mul3A_945, %get3A_932 : vector<16xf32>
        %add3A_947 = arith.addf %add3A_927, %mul3A_946 : vector<16xf32>
        %mul3A_948 = vector.broadcast %squeeze3A_944 : f32 to vector<16xf32>
        %mul3A_949 = arith.mulf %mul3A_948, %get3A_934 : vector<16xf32>
        %add3A_950 = arith.addf %add3A_930, %mul3A_949 : vector<16xf32>
        %get3A_951 = arith.constant 320 : index
        %get3A_952 = tpu.vector_load %arg11[%get3A_951] {strides = array<i32>} : memref<640xf32, #tpu.memory_space<vmem>>, vector<16xf32>,
        %get3A_953 = arith.constant 336 : index
        %get3A_954 = tpu.vector_load %arg11[%get3A_953] {strides = array<i32>} : memref<640xf32, #tpu.memory_space<vmem>>, vector<16xf32>,
        %slice3A_955 = vector.extract_strided_slice %get3A_728 {offsets = [10], sizes = [1], strides = [1]} : vector<16xf32> to vector<1xf32>
        %squeeze3A_956 = vector.extract %slice3A_955[0] : f32 from vector<1xf32>
        %mul3A_957 = vector.broadcast %squeeze3A_956 : f32 to vector<16xf32>
        %mul3A_958 = arith.mulf %mul3A_957, %get3A_952 : vector<16xf32>
        %add3A_959 = arith.addf %add3A_939, %mul3A_958 : vector<16xf32>
        %mul3A_960 = vector.broadcast %squeeze3A_956 : f32 to vector<16xf32>
        %mul3A_961 = arith.mulf %mul3A_960, %get3A_954 : vector<16xf32>
        %add3A_962 = arith.addf %add3A_942, %mul3A_961 : vector<16xf32>
        %slice3A_963 = vector.extract_strided_slice %get3A_742 {offsets = [10], sizes = [1], strides = [1]} : vector<16xf32> to vector<1xf32>
        %squeeze3A_964 = vector.extract %slice3A_963[0] : f32 from vector<1xf32>
        %mul3A_965 = vector.broadcast %squeeze3A_964 : f32 to vector<16xf32>
        %mul3A_966 = arith.mulf %mul3A_965, %get3A_952 : vector<16xf32>
        %add3A_967 = arith.addf %add3A_947, %mul3A_966 : vector<16xf32>
        %mul3A_968 = vector.broadcast %squeeze3A_964 : f32 to vector<16xf32>
        %mul3A_969 = arith.mulf %mul3A_968, %get3A_954 : vector<16xf32>
        %add3A_970 = arith.addf %add3A_950, %mul3A_969 : vector<16xf32>
        %get3A_971 = arith.constant 352 : index
        %get3A_972 = tpu.vector_load %arg11[%get3A_971] {strides = array<i32>} : memref<640xf32, #tpu.memory_space<vmem>>, vector<16xf32>,
        %get3A_973 = arith.constant 368 : index
        %get3A_974 = tpu.vector_load %arg11[%get3A_973] {strides = array<i32>} : memref<640xf32, #tpu.memory_space<vmem>>, vector<16xf32>,
        %slice3A_975 = vector.extract_strided_slice %get3A_728 {offsets = [11], sizes = [1], strides = [1]} : vector<16xf32> to vector<1xf32>
        %squeeze3A_976 = vector.extract %slice3A_975[0] : f32 from vector<1xf32>
        %mul3A_977 = vector.broadcast %squeeze3A_976 : f32 to vector<16xf32>
        %mul3A_978 = arith.mulf %mul3A_977, %get3A_972 : vector<16xf32>
        %add3A_979 = arith.addf %add3A_959, %mul3A_978 : vector<16xf32>
        %mul3A_980 = vector.broadcast %squeeze3A_976 : f32 to vector<16xf32>
        %mul3A_981 = arith.mulf %mul3A_980, %get3A_974 : vector<16xf32>
        %add3A_982 = arith.addf %add3A_962, %mul3A_981 : vector<16xf32>
        %slice3A_983 = vector.extract_strided_slice %get3A_742 {offsets = [11], sizes = [1], strides = [1]} : vector<16xf32> to vector<1xf32>
        %squeeze3A_984 = vector.extract %slice3A_983[0] : f32 from vector<1xf32>
        %mul3A_985 = vector.broadcast %squeeze3A_984 : f32 to vector<16xf32>
        %mul3A_986 = arith.mulf %mul3A_985, %get3A_972 : vector<16xf32>
        %add3A_987 = arith.addf %add3A_967, %mul3A_986 : vector<16xf32>
        %mul3A_988 = vector.broadcast %squeeze3A_984 : f32 to vector<16xf32>
        %mul3A_989 = arith.mulf %mul3A_988, %get3A_974 : vector<16xf32>
        %add3A_990 = arith.addf %add3A_970, %mul3A_989 : vector<16xf32>
        %get3A_991 = arith.constant 384 : index
        %get3A_992 = tpu.vector_load %arg11[%get3A_991] {strides = array<i32>} : memref<640xf32, #tpu.memory_space<vmem>>, vector<16xf32>,
        %get3A_993 = arith.constant 400 : index
        %get3A_994 = tpu.vector_load %arg11[%get3A_993] {strides = array<i32>} : memref<640xf32, #tpu.memory_space<vmem>>, vector<16xf32>,
        %slice3A_995 = vector.extract_strided_slice %get3A_728 {offsets = [12], sizes = [1], strides = [1]} : vector<16xf32> to vector<1xf32>
        %squeeze3A_996 = vector.extract %slice3A_995[0] : f32 from vector<1xf32>
        %mul3A_997 = vector.broadcast %squeeze3A_996 : f32 to vector<16xf32>
        %mul3A_998 = arith.mulf %mul3A_997, %get3A_992 : vector<16xf32>
        %add3A_999 = arith.addf %add3A_979, %mul3A_998 : vector<16xf32>
        %mul3A_1000 = vector.broadcast %squeeze3A_996 : f32 to vector<16xf32>
        %mul3A_1001 = arith.mulf %mul3A_1000, %get3A_994 : vector<16xf32>
        %add3A_1002 = arith.addf %add3A_982, %mul3A_1001 : vector<16xf32>
        %slice3A_1003 = vector.extract_strided_slice %get3A_742 {offsets = [12], sizes = [1], strides = [1]} : vector<16xf32> to vector<1xf32>
        %squeeze3A_1004 = vector.extract %slice3A_1003[0] : f32 from vector<1xf32>
        %mul3A_1005 = vector.broadcast %squeeze3A_1004 : f32 to vector<16xf32>
        %mul3A_1006 = arith.mulf %mul3A_1005, %get3A_992 : vector<16xf32>
        %add3A_1007 = arith.addf %add3A_987, %mul3A_1006 : vector<16xf32>
        %mul3A_1008 = vector.broadcast %squeeze3A_1004 : f32 to vector<16xf32>
        %mul3A_1009 = arith.mulf %mul3A_1008, %get3A_994 : vector<16xf32>
        %add3A_1010 = arith.addf %add3A_990, %mul3A_1009 : vector<16xf32>
        %get3A_1011 = arith.constant 416 : index
        %get3A_1012 = tpu.vector_load %arg11[%get3A_1011] {strides = array<i32>} : memref<640xf32, #tpu.memory_space<vmem>>, vector<16xf32>,
        %get3A_1013 = arith.constant 432 : index
        %get3A_1014 = tpu.vector_load %arg11[%get3A_1013] {strides = array<i32>} : memref<640xf32, #tpu.memory_space<vmem>>, vector<16xf32>,
        %slice3A_1015 = vector.extract_strided_slice %get3A_728 {offsets = [13], sizes = [1], strides = [1]} : vector<16xf32> to vector<1xf32>
        %squeeze3A_1016 = vector.extract %slice3A_1015[0] : f32 from vector<1xf32>
        %mul3A_1017 = vector.broadcast %squeeze3A_1016 : f32 to vector<16xf32>
        %mul3A_1018 = arith.mulf %mul3A_1017, %get3A_1012 : vector<16xf32>
        %add3A_1019 = arith.addf %add3A_999, %mul3A_1018 : vector<16xf32>
        %mul3A_1020 = vector.broadcast %squeeze3A_1016 : f32 to vector<16xf32>
        %mul3A_1021 = arith.mulf %mul3A_1020, %get3A_1014 : vector<16xf32>
        %add3A_1022 = arith.addf %add3A_1002, %mul3A_1021 : vector<16xf32>
        %slice3A_1023 = vector.extract_strided_slice %get3A_742 {offsets = [13], sizes = [1], strides = [1]} : vector<16xf32> to vector<1xf32>
        %squeeze3A_1024 = vector.extract %slice3A_1023[0] : f32 from vector<1xf32>
        %mul3A_1025 = vector.broadcast %squeeze3A_1024 : f32 to vector<16xf32>
        %mul3A_1026 = arith.mulf %mul3A_1025, %get3A_1012 : vector<16xf32>
        %add3A_1027 = arith.addf %add3A_1007, %mul3A_1026 : vector<16xf32>
        %mul3A_1028 = vector.broadcast %squeeze3A_1024 : f32 to vector<16xf32>
        %mul3A_1029 = arith.mulf %mul3A_1028, %get3A_1014 : vector<16xf32>
        %add3A_1030 = arith.addf %add3A_1010, %mul3A_1029 : vector<16xf32>
        %get3A_1031 = arith.constant 448 : index
        %get3A_1032 = tpu.vector_load %arg11[%get3A_1031] {strides = array<i32>} : memref<640xf32, #tpu.memory_space<vmem>>, vector<16xf32>,
        %get3A_1033 = arith.constant 464 : index
        %get3A_1034 = tpu.vector_load %arg11[%get3A_1033] {strides = array<i32>} : memref<640xf32, #tpu.memory_space<vmem>>, vector<16xf32>,
        %slice3A_1035 = vector.extract_strided_slice %get3A_728 {offsets = [14], sizes = [1], strides = [1]} : vector<16xf32> to vector<1xf32>
        %squeeze3A_1036 = vector.extract %slice3A_1035[0] : f32 from vector<1xf32>
        %mul3A_1037 = vector.broadcast %squeeze3A_1036 : f32 to vector<16xf32>
        %mul3A_1038 = arith.mulf %mul3A_1037, %get3A_1032 : vector<16xf32>
        %add3A_1039 = arith.addf %add3A_1019, %mul3A_1038 : vector<16xf32>
        %mul3A_1040 = vector.broadcast %squeeze3A_1036 : f32 to vector<16xf32>
        %mul3A_1041 = arith.mulf %mul3A_1040, %get3A_1034 : vector<16xf32>
        %add3A_1042 = arith.addf %add3A_1022, %mul3A_1041 : vector<16xf32>
        %slice3A_1043 = vector.extract_strided_slice %get3A_742 {offsets = [14], sizes = [1], strides = [1]} : vector<16xf32> to vector<1xf32>
        %squeeze3A_1044 = vector.extract %slice3A_1043[0] : f32 from vector<1xf32>
        %mul3A_1045 = vector.broadcast %squeeze3A_1044 : f32 to vector<16xf32>
        %mul3A_1046 = arith.mulf %mul3A_1045, %get3A_1032 : vector<16xf32>
        %add3A_1047 = arith.addf %add3A_1027, %mul3A_1046 : vector<16xf32>
        %mul3A_1048 = vector.broadcast %squeeze3A_1044 : f32 to vector<16xf32>
        %mul3A_1049 = arith.mulf %mul3A_1048, %get3A_1034 : vector<16xf32>
        %add3A_1050 = arith.addf %add3A_1030, %mul3A_1049 : vector<16xf32>
        %get3A_1051 = arith.constant 480 : index
        %get3A_1052 = tpu.vector_load %arg11[%get3A_1051] {strides = array<i32>} : memref<640xf32, #tpu.memory_space<vmem>>, vector<16xf32>,
        %get3A_1053 = arith.constant 496 : index
        %get3A_1054 = tpu.vector_load %arg11[%get3A_1053] {strides = array<i32>} : memref<640xf32, #tpu.memory_space<vmem>>, vector<16xf32>,
        %slice3A_1055 = vector.extract_strided_slice %get3A_728 {offsets = [15], sizes = [1], strides = [1]} : vector<16xf32> to vector<1xf32>
        %squeeze3A_1056 = vector.extract %slice3A_1055[0] : f32 from vector<1xf32>
        %mul3A_1057 = vector.broadcast %squeeze3A_1056 : f32 to vector<16xf32>
        %mul3A_1058 = arith.mulf %mul3A_1057, %get3A_1052 : vector<16xf32>
        %add3A_1059 = arith.addf %add3A_1039, %mul3A_1058 : vector<16xf32>
        %mul3A_1060 = vector.broadcast %squeeze3A_1056 : f32 to vector<16xf32>
        %mul3A_1061 = arith.mulf %mul3A_1060, %get3A_1054 : vector<16xf32>
        %add3A_1062 = arith.addf %add3A_1042, %mul3A_1061 : vector<16xf32>
        %slice3A_1063 = vector.extract_strided_slice %get3A_742 {offsets = [15], sizes = [1], strides = [1]} : vector<16xf32> to vector<1xf32>
        %squeeze3A_1064 = vector.extract %slice3A_1063[0] : f32 from vector<1xf32>
        %mul3A_1065 = vector.broadcast %squeeze3A_1064 : f32 to vector<16xf32>
        %mul3A_1066 = arith.mulf %mul3A_1065, %get3A_1052 : vector<16xf32>
        %add3A_1067 = arith.addf %add3A_1047, %mul3A_1066 : vector<16xf32>
        %mul3A_1068 = vector.broadcast %squeeze3A_1064 : f32 to vector<16xf32>
        %mul3A_1069 = arith.mulf %mul3A_1068, %get3A_1054 : vector<16xf32>
        %add3A_1070 = arith.addf %add3A_1050, %mul3A_1069 : vector<16xf32>
        %get3A_1071 = arith.constant 512 : index
        %get3A_1072 = tpu.vector_load %arg11[%get3A_1071] {strides = array<i32>} : memref<640xf32, #tpu.memory_space<vmem>>, vector<16xf32>,
        %get3A_1073 = arith.constant 528 : index
        %get3A_1074 = tpu.vector_load %arg11[%get3A_1073] {strides = array<i32>} : memref<640xf32, #tpu.memory_space<vmem>>, vector<16xf32>,
        %slice3A_1075 = vector.extract_strided_slice %get3A_736 {offsets = [0], sizes = [1], strides = [1]} : vector<16xf32> to vector<1xf32>
        %squeeze3A_1076 = vector.extract %slice3A_1075[0] : f32 from vector<1xf32>
        %mul3A_1077 = vector.broadcast %squeeze3A_1076 : f32 to vector<16xf32>
        %mul3A_1078 = arith.mulf %mul3A_1077, %get3A_1072 : vector<16xf32>
        %add3A_1079 = arith.addf %add3A_1059, %mul3A_1078 : vector<16xf32>
        %mul3A_1080 = vector.broadcast %squeeze3A_1076 : f32 to vector<16xf32>
        %mul3A_1081 = arith.mulf %mul3A_1080, %get3A_1074 : vector<16xf32>
        %add3A_1082 = arith.addf %add3A_1062, %mul3A_1081 : vector<16xf32>
        %slice3A_1083 = vector.extract_strided_slice %get3A_750 {offsets = [0], sizes = [1], strides = [1]} : vector<16xf32> to vector<1xf32>
        %squeeze3A_1084 = vector.extract %slice3A_1083[0] : f32 from vector<1xf32>
        %mul3A_1085 = vector.broadcast %squeeze3A_1084 : f32 to vector<16xf32>
        %mul3A_1086 = arith.mulf %mul3A_1085, %get3A_1072 : vector<16xf32>
        %add3A_1087 = arith.addf %add3A_1067, %mul3A_1086 : vector<16xf32>
        %mul3A_1088 = vector.broadcast %squeeze3A_1084 : f32 to vector<16xf32>
        %mul3A_1089 = arith.mulf %mul3A_1088, %get3A_1074 : vector<16xf32>
        %add3A_1090 = arith.addf %add3A_1070, %mul3A_1089 : vector<16xf32>
        %get3A_1091 = arith.constant 544 : index
        %get3A_1092 = tpu.vector_load %arg11[%get3A_1091] {strides = array<i32>} : memref<640xf32, #tpu.memory_space<vmem>>, vector<16xf32>,
        %get3A_1093 = arith.constant 560 : index
        %get3A_1094 = tpu.vector_load %arg11[%get3A_1093] {strides = array<i32>} : memref<640xf32, #tpu.memory_space<vmem>>, vector<16xf32>,
        %slice3A_1095 = vector.extract_strided_slice %get3A_736 {offsets = [1], sizes = [1], strides = [1]} : vector<16xf32> to vector<1xf32>
        %squeeze3A_1096 = vector.extract %slice3A_1095[0] : f32 from vector<1xf32>
        %mul3A_1097 = vector.broadcast %squeeze3A_1096 : f32 to vector<16xf32>
        %mul3A_1098 = arith.mulf %mul3A_1097, %get3A_1092 : vector<16xf32>
        %add3A_1099 = arith.addf %add3A_1079, %mul3A_1098 : vector<16xf32>
        %mul3A_1100 = vector.broadcast %squeeze3A_1096 : f32 to vector<16xf32>
        %mul3A_1101 = arith.mulf %mul3A_1100, %get3A_1094 : vector<16xf32>
        %add3A_1102 = arith.addf %add3A_1082, %mul3A_1101 : vector<16xf32>
        %slice3A_1103 = vector.extract_strided_slice %get3A_750 {offsets = [1], sizes = [1], strides = [1]} : vector<16xf32> to vector<1xf32>
        %squeeze3A_1104 = vector.extract %slice3A_1103[0] : f32 from vector<1xf32>
        %mul3A_1105 = vector.broadcast %squeeze3A_1104 : f32 to vector<16xf32>
        %mul3A_1106 = arith.mulf %mul3A_1105, %get3A_1092 : vector<16xf32>
        %add3A_1107 = arith.addf %add3A_1087, %mul3A_1106 : vector<16xf32>
        %mul3A_1108 = vector.broadcast %squeeze3A_1104 : f32 to vector<16xf32>
        %mul3A_1109 = arith.mulf %mul3A_1108, %get3A_1094 : vector<16xf32>
        %add3A_1110 = arith.addf %add3A_1090, %mul3A_1109 : vector<16xf32>
        %get3A_1111 = arith.constant 576 : index
        %get3A_1112 = tpu.vector_load %arg11[%get3A_1111] {strides = array<i32>} : memref<640xf32, #tpu.memory_space<vmem>>, vector<16xf32>,
        %get3A_1113 = arith.constant 592 : index
        %get3A_1114 = tpu.vector_load %arg11[%get3A_1113] {strides = array<i32>} : memref<640xf32, #tpu.memory_space<vmem>>, vector<16xf32>,
        %slice3A_1115 = vector.extract_strided_slice %get3A_736 {offsets = [2], sizes = [1], strides = [1]} : vector<16xf32> to vector<1xf32>
        %squeeze3A_1116 = vector.extract %slice3A_1115[0] : f32 from vector<1xf32>
        %mul3A_1117 = vector.broadcast %squeeze3A_1116 : f32 to vector<16xf32>
        %mul3A_1118 = arith.mulf %mul3A_1117, %get3A_1112 : vector<16xf32>
        %add3A_1119 = arith.addf %add3A_1099, %mul3A_1118 : vector<16xf32>
        %mul3A_1120 = vector.broadcast %squeeze3A_1116 : f32 to vector<16xf32>
        %mul3A_1121 = arith.mulf %mul3A_1120, %get3A_1114 : vector<16xf32>
        %add3A_1122 = arith.addf %add3A_1102, %mul3A_1121 : vector<16xf32>
        %slice3A_1123 = vector.extract_strided_slice %get3A_750 {offsets = [2], sizes = [1], strides = [1]} : vector<16xf32> to vector<1xf32>
        %squeeze3A_1124 = vector.extract %slice3A_1123[0] : f32 from vector<1xf32>
        %mul3A_1125 = vector.broadcast %squeeze3A_1124 : f32 to vector<16xf32>
        %mul3A_1126 = arith.mulf %mul3A_1125, %get3A_1112 : vector<16xf32>
        %add3A_1127 = arith.addf %add3A_1107, %mul3A_1126 : vector<16xf32>
        %mul3A_1128 = vector.broadcast %squeeze3A_1124 : f32 to vector<16xf32>
        %mul3A_1129 = arith.mulf %mul3A_1128, %get3A_1114 : vector<16xf32>
        %add3A_1130 = arith.addf %add3A_1110, %mul3A_1129 : vector<16xf32>
        %get3A_1131 = arith.constant 608 : index
        %get3A_1132 = tpu.vector_load %arg11[%get3A_1131] {strides = array<i32>} : memref<640xf32, #tpu.memory_space<vmem>>, vector<16xf32>,
        %get3A_1133 = arith.constant 624 : index
        %get3A_1134 = tpu.vector_load %arg11[%get3A_1133] {strides = array<i32>} : memref<640xf32, #tpu.memory_space<vmem>>, vector<16xf32>,
        %slice3A_1135 = vector.extract_strided_slice %get3A_736 {offsets = [3], sizes = [1], strides = [1]} : vector<16xf32> to vector<1xf32>
        %squeeze3A_1136 = vector.extract %slice3A_1135[0] : f32 from vector<1xf32>
        %mul3A_1137 = vector.broadcast %squeeze3A_1136 : f32 to vector<16xf32>
        %mul3A_1138 = arith.mulf %mul3A_1137, %get3A_1132 : vector<16xf32>
        %add3A_1139 = arith.addf %add3A_1119, %mul3A_1138 : vector<16xf32>
        %mul3A_1140 = vector.broadcast %squeeze3A_1136 : f32 to vector<16xf32>
        %mul3A_1141 = arith.mulf %mul3A_1140, %get3A_1134 : vector<16xf32>
        %add3A_1142 = arith.addf %add3A_1122, %mul3A_1141 : vector<16xf32>
        %slice3A_1143 = vector.extract_strided_slice %get3A_750 {offsets = [3], sizes = [1], strides = [1]} : vector<16xf32> to vector<1xf32>
        %squeeze3A_1144 = vector.extract %slice3A_1143[0] : f32 from vector<1xf32>
        %mul3A_1145 = vector.broadcast %squeeze3A_1144 : f32 to vector<16xf32>
        %mul3A_1146 = arith.mulf %mul3A_1145, %get3A_1132 : vector<16xf32>
        %add3A_1147 = arith.addf %add3A_1127, %mul3A_1146 : vector<16xf32>
        %mul3A_1148 = vector.broadcast %squeeze3A_1144 : f32 to vector<16xf32>
        %mul3A_1149 = arith.mulf %mul3A_1148, %get3A_1134 : vector<16xf32>
        %add3A_1150 = arith.addf %add3A_1130, %mul3A_1149 : vector<16xf32>
        %max3A_1151 = arith.constant 0.000000e+00 : f32
        %max3A_1152 = vector.broadcast %max3A_1151 : f32 to vector<16xf32>
        %max3A_1153 = arith.maximumf %add3A_1139, %max3A_1152 : vector<16xf32>
        %mul3A_1154 = arith.mulf %max3A_1153, %mul3A_274 : vector<16xf32>
        %add3A_1155 = arith.addf %mul3A_1154, %get3A_281 : vector<16xf32>
        %add3A_1156 = arith.constant 0 : i32
        %add3A_1157 = arith.addi %mul3A_722, %add3A_1156 : i32
        %mul3A_1158 = arith.constant 32 : i32
        %mul3A_1159 = arith.muli %add3A_1157, %mul3A_1158 : i32
        %swap3A_1160 = arith.index_cast %mul3A_1159 : i32 to index
        %swap3A_1161 = tpu.vector_load %arg12[%swap3A_1160] {strides = array<i32>} : memref<640xf32, #tpu.memory_space<vmem>>, vector<16xf32>,
        tpu.vector_store %arg12[%swap3A_1160], %add3A_1155 {strides = array<i32>} : memref<640xf32, #tpu.memory_space<vmem>>, vector<16xf32>,
        %max3A_1162 = arith.constant 0.000000e+00 : f32
        %max3A_1163 = vector.broadcast %max3A_1162 : f32 to vector<16xf32>
        %max3A_1164 = arith.maximumf %add3A_1142, %max3A_1163 : vector<16xf32>
        %mul3A_1165 = arith.mulf %max3A_1164, %mul3A_279 : vector<16xf32>
        %add3A_1166 = arith.addf %mul3A_1165, %get3A_283 : vector<16xf32>
        %add3A_1167 = arith.constant 0 : i32
        %add3A_1168 = arith.addi %mul3A_722, %add3A_1167 : i32
        %mul3A_1169 = arith.constant 32 : i32
        %mul3A_1170 = arith.muli %add3A_1168, %mul3A_1169 : i32
        %add3A_1171 = arith.constant 16 : i32
        %add3A_1172 = arith.addi %mul3A_1170, %add3A_1171 : i32
        %swap3A_1173 = arith.index_cast %add3A_1172 : i32 to index
        %swap3A_1174 = tpu.vector_load %arg12[%swap3A_1173] {strides = array<i32>} : memref<640xf32, #tpu.memory_space<vmem>>, vector<16xf32>,
        tpu.vector_store %arg12[%swap3A_1173], %add3A_1166 {strides = array<i32>} : memref<640xf32, #tpu.memory_space<vmem>>, vector<16xf32>,
        %max3A_1175 = arith.constant 0.000000e+00 : f32
        %max3A_1176 = vector.broadcast %max3A_1175 : f32 to vector<16xf32>
        %max3A_1177 = arith.maximumf %add3A_1147, %max3A_1176 : vector<16xf32>
        %mul3A_1178 = arith.mulf %max3A_1177, %mul3A_274 : vector<16xf32>
        %add3A_1179 = arith.addf %mul3A_1178, %get3A_281 : vector<16xf32>
        %add3A_1180 = arith.constant 1 : i32
        %add3A_1181 = arith.addi %mul3A_722, %add3A_1180 : i32
        %mul3A_1182 = arith.constant 32 : i32
        %mul3A_1183 = arith.muli %add3A_1181, %mul3A_1182 : i32
        %swap3A_1184 = arith.index_cast %mul3A_1183 : i32 to index
        %swap3A_1185 = tpu.vector_load %arg12[%swap3A_1184] {strides = array<i32>} : memref<640xf32, #tpu.memory_space<vmem>>, vector<16xf32>,
        tpu.vector_store %arg12[%swap3A_1184], %add3A_1179 {strides = array<i32>} : memref<640xf32, #tpu.memory_space<vmem>>, vector<16xf32>,
        %max3A_1186 = arith.constant 0.000000e+00 : f32
        %max3A_1187 = vector.broadcast %max3A_1186 : f32 to vector<16xf32>
        %max3A_1188 = arith.maximumf %add3A_1150, %max3A_1187 : vector<16xf32>
        %mul3A_1189 = arith.mulf %max3A_1188, %mul3A_279 : vector<16xf32>
        %add3A_1190 = arith.addf %mul3A_1189, %get3A_283 : vector<16xf32>
        %add3A_1191 = arith.constant 1 : i32
        %add3A_1192 = arith.addi %mul3A_722, %add3A_1191 : i32
        %mul3A_1193 = arith.constant 32 : i32
        %mul3A_1194 = arith.muli %add3A_1192, %mul3A_1193 : i32
        %add3A_1195 = arith.constant 16 : i32
        %add3A_1196 = arith.addi %mul3A_1194, %add3A_1195 : i32
        %swap3A_1197 = arith.index_cast %add3A_1196 : i32 to index
        %swap3A_1198 = tpu.vector_load %arg12[%swap3A_1197] {strides = array<i32>} : memref<640xf32, #tpu.memory_space<vmem>>, vector<16xf32>,
        tpu.vector_store %arg12[%swap3A_1197], %add3A_1190 {strides = array<i32>} : memref<640xf32, #tpu.memory_space<vmem>>, vector<16xf32>,
      }
      %scan3A_293 = arith.constant 10 : i32
      %mul3A_294 = arith.constant 32 : i32
      %mul3A_295 = arith.muli %add3A, %mul3A_294 : i32
      %get3A_296 = arith.index_cast %mul3A_295 : i32 to index
      %get3A_297 = tpu.vector_load %arg10[%get3A_296] {strides = array<i32>} : memref<1024xf32, #tpu.memory_space<vmem>>, vector<16xf32>,
      %mul3A_298 = arith.constant 32 : i32
      %mul3A_299 = arith.muli %add3A, %mul3A_298 : i32
      %add3A_300 = arith.constant 16 : i32
      %add3A_301 = arith.addi %mul3A_299, %add3A_300 : i32
      %get3A_302 = arith.index_cast %add3A_301 : i32 to index
      %get3A_303 = tpu.vector_load %arg10[%get3A_302] {strides = array<i32>} : memref<1024xf32, #tpu.memory_space<vmem>>, vector<16xf32>,
      %scan3A_304 = arith.constant 0 : i32
      %scan3A_305 = arith.constant 16 : i32
      %scan3A_306 = arith.addi %scan3A_304, %scan3A_305 : i32
      %scan3A_307 = arith.constant 1 : i32
      %scan3A_308:2 = scf.for %scan3A_720 = %scan3A_304 to %scan3A_306 step %scan3A_307 iter_args(%scan3A_721 = %broadcast_in_dim3A_3, %scan3A_722 = %broadcast_in_dim3A_3) -> (vector<16xf32>, vector<16xf32>)  : i32 {
        %broadcast_in_dim3A_723 = arith.constant 0 : i32
        %broadcast_in_dim3A_724 = vector.broadcast %broadcast_in_dim3A_723 : i32 to vector<16x1xi32>
        %add3A_725 = vector.broadcast %scan3A_720 : i32 to vector<16x1xi32>
        %add3A_726 = arith.addi %broadcast_in_dim3A_724, %add3A_725 : vector<16x1xi32>
        %gather3A = vector.shape_cast %add3A_726 : vector<16x1xi32> to vector<16xi32>
        %gather3A_727 = tpu.dynamic_gather %get3A_297[%gather3A] in [0] : vector<16xf32>, vector<16xi32> -> vector<16xf32>
        %mul3A_728 = arith.constant 32 : i32
        %mul3A_729 = arith.muli %scan3A_720, %mul3A_728 : i32
        %get3A_730 = arith.index_cast %mul3A_729 : i32 to index
        %get3A_731 = tpu.vector_load %arg12[%get3A_730] {strides = array<i32>} : memref<640xf32, #tpu.memory_space<vmem>>, vector<16xf32>,
        %mul3A_732 = arith.mulf %gather3A_727, %get3A_731 : vector<16xf32>
        %add3A_733 = arith.addf %scan3A_721, %mul3A_732 : vector<16xf32>
        %mul3A_734 = arith.constant 32 : i32
        %mul3A_735 = arith.muli %scan3A_720, %mul3A_734 : i32
        %add3A_736 = arith.constant 16 : i32
        %add3A_737 = arith.addi %mul3A_735, %add3A_736 : i32
        %get3A_738 = arith.index_cast %add3A_737 : i32 to index
        %get3A_739 = tpu.vector_load %arg12[%get3A_738] {strides = array<i32>} : memref<640xf32, #tpu.memory_space<vmem>>, vector<16xf32>,
        %mul3A_740 = arith.mulf %gather3A_727, %get3A_739 : vector<16xf32>
        %add3A_741 = arith.addf %scan3A_722, %mul3A_740 : vector<16xf32>
        scf.yield %add3A_733, %add3A_741 : vector<16xf32>, vector<16xf32>
      }
      %scan3A_309 = arith.constant 16 : i32
      %slice3A = vector.extract_strided_slice %get3A_303 {offsets = [0], sizes = [1], strides = [1]} : vector<16xf32> to vector<1xf32>
      %squeeze3A = vector.extract %slice3A[0] : f32 from vector<1xf32>
      %get3A_310 = arith.constant 512 : index
      %get3A_311 = tpu.vector_load %arg12[%get3A_310] {strides = array<i32>} : memref<640xf32, #tpu.memory_space<vmem>>, vector<16xf32>,
      %mul3A_312 = vector.broadcast %squeeze3A : f32 to vector<16xf32>
      %mul3A_313 = arith.mulf %mul3A_312, %get3A_311 : vector<16xf32>
      %add3A_314 = arith.addf %scan3A_308#0, %mul3A_313 : vector<16xf32>
      %get3A_315 = arith.constant 528 : index
      %get3A_316 = tpu.vector_load %arg12[%get3A_315] {strides = array<i32>} : memref<640xf32, #tpu.memory_space<vmem>>, vector<16xf32>,
      %mul3A_317 = vector.broadcast %squeeze3A : f32 to vector<16xf32>
      %mul3A_318 = arith.mulf %mul3A_317, %get3A_316 : vector<16xf32>
      %add3A_319 = arith.addf %scan3A_308#1, %mul3A_318 : vector<16xf32>
      %slice3A_320 = vector.extract_strided_slice %get3A_303 {offsets = [1], sizes = [1], strides = [1]} : vector<16xf32> to vector<1xf32>
      %squeeze3A_321 = vector.extract %slice3A_320[0] : f32 from vector<1xf32>
      %get3A_322 = arith.constant 544 : index
      %get3A_323 = tpu.vector_load %arg12[%get3A_322] {strides = array<i32>} : memref<640xf32, #tpu.memory_space<vmem>>, vector<16xf32>,
      %mul3A_324 = vector.broadcast %squeeze3A_321 : f32 to vector<16xf32>
      %mul3A_325 = arith.mulf %mul3A_324, %get3A_323 : vector<16xf32>
      %add3A_326 = arith.addf %add3A_314, %mul3A_325 : vector<16xf32>
      %get3A_327 = arith.constant 560 : index
      %get3A_328 = tpu.vector_load %arg12[%get3A_327] {strides = array<i32>} : memref<640xf32, #tpu.memory_space<vmem>>, vector<16xf32>,
      %mul3A_329 = vector.broadcast %squeeze3A_321 : f32 to vector<16xf32>
      %mul3A_330 = arith.mulf %mul3A_329, %get3A_328 : vector<16xf32>
      %add3A_331 = arith.addf %add3A_319, %mul3A_330 : vector<16xf32>
      %slice3A_332 = vector.extract_strided_slice %get3A_303 {offsets = [2], sizes = [1], strides = [1]} : vector<16xf32> to vector<1xf32>
      %squeeze3A_333 = vector.extract %slice3A_332[0] : f32 from vector<1xf32>
      %get3A_334 = arith.constant 576 : index
      %get3A_335 = tpu.vector_load %arg12[%get3A_334] {strides = array<i32>} : memref<640xf32, #tpu.memory_space<vmem>>, vector<16xf32>,
      %mul3A_336 = vector.broadcast %squeeze3A_333 : f32 to vector<16xf32>
      %mul3A_337 = arith.mulf %mul3A_336, %get3A_335 : vector<16xf32>
      %add3A_338 = arith.addf %add3A_326, %mul3A_337 : vector<16xf32>
      %get3A_339 = arith.constant 592 : index
      %get3A_340 = tpu.vector_load %arg12[%get3A_339] {strides = array<i32>} : memref<640xf32, #tpu.memory_space<vmem>>, vector<16xf32>,
      %mul3A_341 = vector.broadcast %squeeze3A_333 : f32 to vector<16xf32>
      %mul3A_342 = arith.mulf %mul3A_341, %get3A_340 : vector<16xf32>
      %add3A_343 = arith.addf %add3A_331, %mul3A_342 : vector<16xf32>
      %slice3A_344 = vector.extract_strided_slice %get3A_303 {offsets = [3], sizes = [1], strides = [1]} : vector<16xf32> to vector<1xf32>
      %squeeze3A_345 = vector.extract %slice3A_344[0] : f32 from vector<1xf32>
      %get3A_346 = arith.constant 608 : index
      %get3A_347 = tpu.vector_load %arg12[%get3A_346] {strides = array<i32>} : memref<640xf32, #tpu.memory_space<vmem>>, vector<16xf32>,
      %mul3A_348 = vector.broadcast %squeeze3A_345 : f32 to vector<16xf32>
      %mul3A_349 = arith.mulf %mul3A_348, %get3A_347 : vector<16xf32>
      %add3A_350 = arith.addf %add3A_338, %mul3A_349 : vector<16xf32>
      %get3A_351 = arith.constant 624 : index
      %get3A_352 = tpu.vector_load %arg12[%get3A_351] {strides = array<i32>} : memref<640xf32, #tpu.memory_space<vmem>>, vector<16xf32>,
      %mul3A_353 = vector.broadcast %squeeze3A_345 : f32 to vector<16xf32>
      %mul3A_354 = arith.mulf %mul3A_353, %get3A_352 : vector<16xf32>
      %add3A_355 = arith.addf %add3A_343, %mul3A_354 : vector<16xf32>
      %get3A_356 = arith.constant 1824 : index
      %get3A_357 = tpu.vector_load %arg6[%get3A_356] {strides = array<i32>} : memref<2432xf32, #tpu.memory_space<vmem>>, vector<16xf32>,
      %get3A_358 = arith.constant 1840 : index
      %get3A_359 = tpu.vector_load %arg6[%get3A_358] {strides = array<i32>} : memref<2432xf32, #tpu.memory_space<vmem>>, vector<16xf32>,
      %scan3A_360 = arith.constant 0 : i32
      %scan3A_361 = arith.constant 16 : i32
      %scan3A_362 = arith.addi %scan3A_360, %scan3A_361 : i32
      %scan3A_363 = arith.constant 1 : i32
      %scan3A_364:2 = scf.for %scan3A_720 = %scan3A_360 to %scan3A_362 step %scan3A_363 iter_args(%scan3A_721 = %get3A_357, %scan3A_722 = %get3A_359) -> (vector<16xf32>, vector<16xf32>)  : i32 {
        %broadcast_in_dim3A_723 = arith.constant 0 : i32
        %broadcast_in_dim3A_724 = vector.broadcast %broadcast_in_dim3A_723 : i32 to vector<16x1xi32>
        %add3A_725 = vector.broadcast %scan3A_720 : i32 to vector<16x1xi32>
        %add3A_726 = arith.addi %broadcast_in_dim3A_724, %add3A_725 : vector<16x1xi32>
        %gather3A = vector.shape_cast %add3A_726 : vector<16x1xi32> to vector<16xi32>
        %gather3A_727 = tpu.dynamic_gather %add3A_350[%gather3A] in [0] : vector<16xf32>, vector<16xi32> -> vector<16xf32>
        %broadcast_in_dim3A_728 = arith.constant 0 : i32
        %broadcast_in_dim3A_729 = vector.broadcast %broadcast_in_dim3A_728 : i32 to vector<16x1xi32>
        %add3A_730 = vector.broadcast %scan3A_720 : i32 to vector<16x1xi32>
        %add3A_731 = arith.addi %broadcast_in_dim3A_729, %add3A_730 : vector<16x1xi32>
        %gather3A_732 = vector.shape_cast %add3A_731 : vector<16x1xi32> to vector<16xi32>
        %gather3A_733 = tpu.dynamic_gather %add3A_355[%gather3A_732] in [0] : vector<16xf32>, vector<16xi32> -> vector<16xf32>
        %mul3A_734 = arith.constant 32 : i32
        %mul3A_735 = arith.muli %scan3A_720, %mul3A_734 : i32
        %add3A_736 = arith.constant 608 : i32
        %add3A_737 = arith.addi %add3A_736, %mul3A_735 : i32
        %get3A_738 = arith.index_cast %add3A_737 : i32 to index
        %get3A_739 = tpu.vector_load %arg6[%get3A_738] {strides = array<i32>} : memref<2432xf32, #tpu.memory_space<vmem>>, vector<16xf32>,
        %mul3A_740 = arith.mulf %gather3A_727, %get3A_739 : vector<16xf32>
        %add3A_741 = arith.addf %scan3A_721, %mul3A_740 : vector<16xf32>
        %mul3A_742 = arith.constant 32 : i32
        %mul3A_743 = arith.muli %scan3A_720, %mul3A_742 : i32
        %add3A_744 = arith.constant 608 : i32
        %add3A_745 = arith.addi %add3A_744, %mul3A_743 : i32
        %add3A_746 = arith.constant 16 : i32
        %add3A_747 = arith.addi %add3A_745, %add3A_746 : i32
        %get3A_748 = arith.index_cast %add3A_747 : i32 to index
        %get3A_749 = tpu.vector_load %arg6[%get3A_748] {strides = array<i32>} : memref<2432xf32, #tpu.memory_space<vmem>>, vector<16xf32>,
        %mul3A_750 = arith.mulf %gather3A_727, %get3A_749 : vector<16xf32>
        %add3A_751 = arith.addf %scan3A_722, %mul3A_750 : vector<16xf32>
        %add3A_752 = arith.constant 16 : i32
        %add3A_753 = arith.addi %scan3A_720, %add3A_752 : i32
        %mul3A_754 = arith.constant 32 : i32
        %mul3A_755 = arith.muli %add3A_753, %mul3A_754 : i32
        %add3A_756 = arith.constant 608 : i32
        %add3A_757 = arith.addi %add3A_756, %mul3A_755 : i32
        %get3A_758 = arith.index_cast %add3A_757 : i32 to index
        %get3A_759 = tpu.vector_load %arg6[%get3A_758] {strides = array<i32>} : memref<2432xf32, #tpu.memory_space<vmem>>, vector<16xf32>,
        %mul3A_760 = arith.mulf %gather3A_733, %get3A_759 : vector<16xf32>
        %add3A_761 = arith.addf %add3A_741, %mul3A_760 : vector<16xf32>
        %add3A_762 = arith.constant 16 : i32
        %add3A_763 = arith.addi %scan3A_720, %add3A_762 : i32
        %mul3A_764 = arith.constant 32 : i32
        %mul3A_765 = arith.muli %add3A_763, %mul3A_764 : i32
        %add3A_766 = arith.constant 608 : i32
        %add3A_767 = arith.addi %add3A_766, %mul3A_765 : i32
        %add3A_768 = arith.constant 16 : i32
        %add3A_769 = arith.addi %add3A_767, %add3A_768 : i32
        %get3A_770 = arith.index_cast %add3A_769 : i32 to index
        %get3A_771 = tpu.vector_load %arg6[%get3A_770] {strides = array<i32>} : memref<2432xf32, #tpu.memory_space<vmem>>, vector<16xf32>,
        %mul3A_772 = arith.mulf %gather3A_733, %get3A_771 : vector<16xf32>
        %add3A_773 = arith.addf %add3A_751, %mul3A_772 : vector<16xf32>
        scf.yield %add3A_761, %add3A_773 : vector<16xf32>, vector<16xf32>
      }
      %scan3A_365 = arith.constant 16 : i32
      %max3A = arith.constant 0.000000e+00 : f32
      %max3A_366 = vector.broadcast %max3A : f32 to vector<16xf32>
      %max3A_367 = arith.maximumf %scan3A_364#0, %max3A_366 : vector<16xf32>
      %get3A_368 = arith.constant 1856 : index
      %get3A_369 = tpu.vector_load %arg6[%get3A_368] {strides = array<i32>} : memref<2432xf32, #tpu.memory_space<vmem>>, vector<16xf32>,
      %mul3A_370 = arith.constant 0.999994993 : f32
      %mul3A_371 = vector.broadcast %mul3A_370 : f32 to vector<16xf32>
      %mul3A_372 = arith.mulf %get3A_369, %mul3A_371 : vector<16xf32>
      %mul3A_373 = arith.mulf %max3A_367, %mul3A_372 : vector<16xf32>
      %get3A_374 = arith.constant 1888 : index
      %get3A_375 = tpu.vector_load %arg6[%get3A_374] {strides = array<i32>} : memref<2432xf32, #tpu.memory_space<vmem>>, vector<16xf32>,
      %add3A_376 = arith.addf %mul3A_373, %get3A_375 : vector<16xf32>
      %max3A_377 = arith.constant 0.000000e+00 : f32
      %max3A_378 = vector.broadcast %max3A_377 : f32 to vector<16xf32>
      %max3A_379 = arith.maximumf %scan3A_364#1, %max3A_378 : vector<16xf32>
      %get3A_380 = arith.constant 1872 : index
      %get3A_381 = tpu.vector_load %arg6[%get3A_380] {strides = array<i32>} : memref<2432xf32, #tpu.memory_space<vmem>>, vector<16xf32>,
      %mul3A_382 = arith.constant 0.999994993 : f32
      %mul3A_383 = vector.broadcast %mul3A_382 : f32 to vector<16xf32>
      %mul3A_384 = arith.mulf %get3A_381, %mul3A_383 : vector<16xf32>
      %mul3A_385 = arith.mulf %max3A_379, %mul3A_384 : vector<16xf32>
      %get3A_386 = arith.constant 1904 : index
      %get3A_387 = tpu.vector_load %arg6[%get3A_386] {strides = array<i32>} : memref<2432xf32, #tpu.memory_space<vmem>>, vector<16xf32>,
      %add3A_388 = arith.addf %mul3A_385, %get3A_387 : vector<16xf32>
      tpu.wait_dma2 semaphore(%arg15 : memref<!tpu.dma_semaphore, #tpu.memory_space<semaphore_mem>>) src(%arg4 : memref<12288xf32, #tpu.memory_space<hbm>>) dst(%arg8 : memref<12288xf32, #tpu.memory_space<vmem>>)
      %mul3A_389 = arith.constant 32 : i32
      %mul3A_390 = arith.muli %add3A, %mul3A_389 : i32
      %get3A_391 = arith.index_cast %mul3A_390 : i32 to index
      %get3A_392 = tpu.vector_load %arg12[%get3A_391] {strides = array<i32>} : memref<640xf32, #tpu.memory_space<vmem>>, vector<16xf32>,
      %mul3A_393 = arith.constant 32 : i32
      %mul3A_394 = arith.muli %add3A, %mul3A_393 : i32
      %add3A_395 = arith.constant 16 : i32
      %add3A_396 = arith.addi %mul3A_394, %add3A_395 : i32
      %get3A_397 = arith.index_cast %add3A_396 : i32 to index
      %get3A_398 = tpu.vector_load %arg12[%get3A_397] {strides = array<i32>} : memref<640xf32, #tpu.memory_space<vmem>>, vector<16xf32>,
      %get3A_399 = arith.constant 1920 : index
      %get3A_400 = tpu.vector_load %arg6[%get3A_399] {strides = array<i32>} : memref<2432xf32, #tpu.memory_space<vmem>>, vector<16xf32>,
      %get3A_401 = arith.constant 2048 : index
      %get3A_402 = tpu.vector_load %arg6[%get3A_401] {strides = array<i32>} : memref<2432xf32, #tpu.memory_space<vmem>>, vector<16xf32>,
      %add3A_403 = arith.addf %get3A_400, %get3A_402 : vector<16xf32>
      %get3A_404 = arith.constant 1936 : index
      %get3A_405 = tpu.vector_load %arg6[%get3A_404] {strides = array<i32>} : memref<2432xf32, #tpu.memory_space<vmem>>, vector<16xf32>,
      %get3A_406 = arith.constant 2064 : index
      %get3A_407 = tpu.vector_load %arg6[%get3A_406] {strides = array<i32>} : memref<2432xf32, #tpu.memory_space<vmem>>, vector<16xf32>,
      %add3A_408 = arith.addf %get3A_405, %get3A_407 : vector<16xf32>
      %get3A_409 = arith.constant 1984 : index
      %get3A_410 = tpu.vector_load %arg6[%get3A_409] {strides = array<i32>} : memref<2432xf32, #tpu.memory_space<vmem>>, vector<16xf32>,
      %get3A_411 = arith.constant 2112 : index
      %get3A_412 = tpu.vector_load %arg6[%get3A_411] {strides = array<i32>} : memref<2432xf32, #tpu.memory_space<vmem>>, vector<16xf32>,
      %add3A_413 = arith.addf %get3A_410, %get3A_412 : vector<16xf32>
      %get3A_414 = arith.constant 2000 : index
      %get3A_415 = tpu.vector_load %arg6[%get3A_414] {strides = array<i32>} : memref<2432xf32, #tpu.memory_space<vmem>>, vector<16xf32>,
      %get3A_416 = arith.constant 2128 : index
      %get3A_417 = tpu.vector_load %arg6[%get3A_416] {strides = array<i32>} : memref<2432xf32, #tpu.memory_space<vmem>>, vector<16xf32>,
      %add3A_418 = arith.addf %get3A_415, %get3A_417 : vector<16xf32>
      %get3A_419 = arith.constant 2016 : index
      %get3A_420 = tpu.vector_load %arg6[%get3A_419] {strides = array<i32>} : memref<2432xf32, #tpu.memory_space<vmem>>, vector<16xf32>,
      %get3A_421 = arith.constant 2144 : index
      %get3A_422 = tpu.vector_load %arg6[%get3A_421] {strides = array<i32>} : memref<2432xf32, #tpu.memory_space<vmem>>, vector<16xf32>,
      %add3A_423 = arith.addf %get3A_420, %get3A_422 : vector<16xf32>
      %get3A_424 = arith.constant 2032 : index
      %get3A_425 = tpu.vector_load %arg6[%get3A_424] {strides = array<i32>} : memref<2432xf32, #tpu.memory_space<vmem>>, vector<16xf32>,
      %get3A_426 = arith.constant 2160 : index
      %get3A_427 = tpu.vector_load %arg6[%get3A_426] {strides = array<i32>} : memref<2432xf32, #tpu.memory_space<vmem>>, vector<16xf32>,
      %add3A_428 = arith.addf %get3A_425, %get3A_427 : vector<16xf32>
      %scan3A_429 = arith.constant 0 : i32
      %scan3A_430 = arith.constant 16 : i32
      %scan3A_431 = arith.addi %scan3A_429, %scan3A_430 : i32
      %scan3A_432 = arith.constant 1 : i32
      %scan3A_433:6 = scf.for %scan3A_720 = %scan3A_429 to %scan3A_431 step %scan3A_432 iter_args(%scan3A_721 = %add3A_403, %scan3A_722 = %add3A_408, %scan3A_723 = %add3A_413, %scan3A_724 = %add3A_418, %scan3A_725 = %add3A_423, %scan3A_726 = %add3A_428) -> (vector<16xf32>, vector<16xf32>, vector<16xf32>, vector<16xf32>, vector<16xf32>, vector<16xf32>)  : i32 {
        %broadcast_in_dim3A_727 = arith.constant 0 : i32
        %broadcast_in_dim3A_728 = vector.broadcast %broadcast_in_dim3A_727 : i32 to vector<16x1xi32>
        %add3A_729 = vector.broadcast %scan3A_720 : i32 to vector<16x1xi32>
        %add3A_730 = arith.addi %broadcast_in_dim3A_728, %add3A_729 : vector<16x1xi32>
        %gather3A = vector.shape_cast %add3A_730 : vector<16x1xi32> to vector<16xi32>
        %gather3A_731 = tpu.dynamic_gather %get3A_392[%gather3A] in [0] : vector<16xf32>, vector<16xi32> -> vector<16xf32>
        %mul3A_732 = arith.constant 128 : i32
        %mul3A_733 = arith.muli %scan3A_720, %mul3A_732 : i32
        %add3A_734 = arith.constant 0 : i32
        %add3A_735 = arith.addi %add3A_734, %mul3A_733 : i32
        %add3A_736 = arith.constant 0 : i32
        %add3A_737 = arith.addi %add3A_735, %add3A_736 : i32
        %get3A_738 = arith.index_cast %add3A_737 : i32 to index
        %get3A_739 = tpu.vector_load %arg8[%get3A_738] {strides = array<i32>} : memref<12288xf32, #tpu.memory_space<vmem>>, vector<16xf32>,
        %mul3A_740 = arith.mulf %gather3A_731, %get3A_739 : vector<16xf32>
        %add3A_741 = arith.addf %scan3A_721, %mul3A_740 : vector<16xf32>
        %mul3A_742 = arith.constant 128 : i32
        %mul3A_743 = arith.muli %scan3A_720, %mul3A_742 : i32
        %add3A_744 = arith.constant 0 : i32
        %add3A_745 = arith.addi %add3A_744, %mul3A_743 : i32
        %add3A_746 = arith.constant 16 : i32
        %add3A_747 = arith.addi %add3A_745, %add3A_746 : i32
        %get3A_748 = arith.index_cast %add3A_747 : i32 to index
        %get3A_749 = tpu.vector_load %arg8[%get3A_748] {strides = array<i32>} : memref<12288xf32, #tpu.memory_space<vmem>>, vector<16xf32>,
        %mul3A_750 = arith.mulf %gather3A_731, %get3A_749 : vector<16xf32>
        %add3A_751 = arith.addf %scan3A_722, %mul3A_750 : vector<16xf32>
        %mul3A_752 = arith.constant 128 : i32
        %mul3A_753 = arith.muli %scan3A_720, %mul3A_752 : i32
        %add3A_754 = arith.constant 0 : i32
        %add3A_755 = arith.addi %add3A_754, %mul3A_753 : i32
        %add3A_756 = arith.constant 64 : i32
        %add3A_757 = arith.addi %add3A_755, %add3A_756 : i32
        %get3A_758 = arith.index_cast %add3A_757 : i32 to index
        %get3A_759 = tpu.vector_load %arg8[%get3A_758] {strides = array<i32>} : memref<12288xf32, #tpu.memory_space<vmem>>, vector<16xf32>,
        %mul3A_760 = arith.mulf %gather3A_731, %get3A_759 : vector<16xf32>
        %add3A_761 = arith.addf %scan3A_723, %mul3A_760 : vector<16xf32>
        %mul3A_762 = arith.constant 128 : i32
        %mul3A_763 = arith.muli %scan3A_720, %mul3A_762 : i32
        %add3A_764 = arith.constant 0 : i32
        %add3A_765 = arith.addi %add3A_764, %mul3A_763 : i32
        %add3A_766 = arith.constant 80 : i32
        %add3A_767 = arith.addi %add3A_765, %add3A_766 : i32
        %get3A_768 = arith.index_cast %add3A_767 : i32 to index
        %get3A_769 = tpu.vector_load %arg8[%get3A_768] {strides = array<i32>} : memref<12288xf32, #tpu.memory_space<vmem>>, vector<16xf32>,
        %mul3A_770 = arith.mulf %gather3A_731, %get3A_769 : vector<16xf32>
        %add3A_771 = arith.addf %scan3A_724, %mul3A_770 : vector<16xf32>
        %mul3A_772 = arith.constant 128 : i32
        %mul3A_773 = arith.muli %scan3A_720, %mul3A_772 : i32
        %add3A_774 = arith.constant 0 : i32
        %add3A_775 = arith.addi %add3A_774, %mul3A_773 : i32
        %add3A_776 = arith.constant 96 : i32
        %add3A_777 = arith.addi %add3A_775, %add3A_776 : i32
        %get3A_778 = arith.index_cast %add3A_777 : i32 to index
        %get3A_779 = tpu.vector_load %arg8[%get3A_778] {strides = array<i32>} : memref<12288xf32, #tpu.memory_space<vmem>>, vector<16xf32>,
        %mul3A_780 = arith.mulf %gather3A_731, %get3A_779 : vector<16xf32>
        %add3A_781 = arith.addf %scan3A_725, %mul3A_780 : vector<16xf32>
        %mul3A_782 = arith.constant 128 : i32
        %mul3A_783 = arith.muli %scan3A_720, %mul3A_782 : i32
        %add3A_784 = arith.constant 0 : i32
        %add3A_785 = arith.addi %add3A_784, %mul3A_783 : i32
        %add3A_786 = arith.constant 112 : i32
        %add3A_787 = arith.addi %add3A_785, %add3A_786 : i32
        %get3A_788 = arith.index_cast %add3A_787 : i32 to index
        %get3A_789 = tpu.vector_load %arg8[%get3A_788] {strides = array<i32>} : memref<12288xf32, #tpu.memory_space<vmem>>, vector<16xf32>,
        %mul3A_790 = arith.mulf %gather3A_731, %get3A_789 : vector<16xf32>
        %add3A_791 = arith.addf %scan3A_726, %mul3A_790 : vector<16xf32>
        %broadcast_in_dim3A_792 = arith.constant 0 : i32
        %broadcast_in_dim3A_793 = vector.broadcast %broadcast_in_dim3A_792 : i32 to vector<16x1xi32>
        %add3A_794 = vector.broadcast %scan3A_720 : i32 to vector<16x1xi32>
        %add3A_795 = arith.addi %broadcast_in_dim3A_793, %add3A_794 : vector<16x1xi32>
        %gather3A_796 = vector.shape_cast %add3A_795 : vector<16x1xi32> to vector<16xi32>
        %gather3A_797 = tpu.dynamic_gather %get3A_398[%gather3A_796] in [0] : vector<16xf32>, vector<16xi32> -> vector<16xf32>
        %mul3A_798 = arith.constant 128 : i32
        %mul3A_799 = arith.muli %scan3A_720, %mul3A_798 : i32
        %add3A_800 = arith.constant 2048 : i32
        %add3A_801 = arith.addi %add3A_800, %mul3A_799 : i32
        %add3A_802 = arith.constant 0 : i32
        %add3A_803 = arith.addi %add3A_801, %add3A_802 : i32
        %get3A_804 = arith.index_cast %add3A_803 : i32 to index
        %get3A_805 = tpu.vector_load %arg8[%get3A_804] {strides = array<i32>} : memref<12288xf32, #tpu.memory_space<vmem>>, vector<16xf32>,
        %mul3A_806 = arith.mulf %gather3A_797, %get3A_805 : vector<16xf32>
        %add3A_807 = arith.addf %add3A_741, %mul3A_806 : vector<16xf32>
        %mul3A_808 = arith.constant 128 : i32
        %mul3A_809 = arith.muli %scan3A_720, %mul3A_808 : i32
        %add3A_810 = arith.constant 2048 : i32
        %add3A_811 = arith.addi %add3A_810, %mul3A_809 : i32
        %add3A_812 = arith.constant 16 : i32
        %add3A_813 = arith.addi %add3A_811, %add3A_812 : i32
        %get3A_814 = arith.index_cast %add3A_813 : i32 to index
        %get3A_815 = tpu.vector_load %arg8[%get3A_814] {strides = array<i32>} : memref<12288xf32, #tpu.memory_space<vmem>>, vector<16xf32>,
        %mul3A_816 = arith.mulf %gather3A_797, %get3A_815 : vector<16xf32>
        %add3A_817 = arith.addf %add3A_751, %mul3A_816 : vector<16xf32>
        %mul3A_818 = arith.constant 128 : i32
        %mul3A_819 = arith.muli %scan3A_720, %mul3A_818 : i32
        %add3A_820 = arith.constant 2048 : i32
        %add3A_821 = arith.addi %add3A_820, %mul3A_819 : i32
        %add3A_822 = arith.constant 64 : i32
        %add3A_823 = arith.addi %add3A_821, %add3A_822 : i32
        %get3A_824 = arith.index_cast %add3A_823 : i32 to index
        %get3A_825 = tpu.vector_load %arg8[%get3A_824] {strides = array<i32>} : memref<12288xf32, #tpu.memory_space<vmem>>, vector<16xf32>,
        %mul3A_826 = arith.mulf %gather3A_797, %get3A_825 : vector<16xf32>
        %add3A_827 = arith.addf %add3A_761, %mul3A_826 : vector<16xf32>
        %mul3A_828 = arith.constant 128 : i32
        %mul3A_829 = arith.muli %scan3A_720, %mul3A_828 : i32
        %add3A_830 = arith.constant 2048 : i32
        %add3A_831 = arith.addi %add3A_830, %mul3A_829 : i32
        %add3A_832 = arith.constant 80 : i32
        %add3A_833 = arith.addi %add3A_831, %add3A_832 : i32
        %get3A_834 = arith.index_cast %add3A_833 : i32 to index
        %get3A_835 = tpu.vector_load %arg8[%get3A_834] {strides = array<i32>} : memref<12288xf32, #tpu.memory_space<vmem>>, vector<16xf32>,
        %mul3A_836 = arith.mulf %gather3A_797, %get3A_835 : vector<16xf32>
        %add3A_837 = arith.addf %add3A_771, %mul3A_836 : vector<16xf32>
        %mul3A_838 = arith.constant 128 : i32
        %mul3A_839 = arith.muli %scan3A_720, %mul3A_838 : i32
        %add3A_840 = arith.constant 2048 : i32
        %add3A_841 = arith.addi %add3A_840, %mul3A_839 : i32
        %add3A_842 = arith.constant 96 : i32
        %add3A_843 = arith.addi %add3A_841, %add3A_842 : i32
        %get3A_844 = arith.index_cast %add3A_843 : i32 to index
        %get3A_845 = tpu.vector_load %arg8[%get3A_844] {strides = array<i32>} : memref<12288xf32, #tpu.memory_space<vmem>>, vector<16xf32>,
        %mul3A_846 = arith.mulf %gather3A_797, %get3A_845 : vector<16xf32>
        %add3A_847 = arith.addf %add3A_781, %mul3A_846 : vector<16xf32>
        %mul3A_848 = arith.constant 128 : i32
        %mul3A_849 = arith.muli %scan3A_720, %mul3A_848 : i32
        %add3A_850 = arith.constant 2048 : i32
        %add3A_851 = arith.addi %add3A_850, %mul3A_849 : i32
        %add3A_852 = arith.constant 112 : i32
        %add3A_853 = arith.addi %add3A_851, %add3A_852 : i32
        %get3A_854 = arith.index_cast %add3A_853 : i32 to index
        %get3A_855 = tpu.vector_load %arg8[%get3A_854] {strides = array<i32>} : memref<12288xf32, #tpu.memory_space<vmem>>, vector<16xf32>,
        %mul3A_856 = arith.mulf %gather3A_797, %get3A_855 : vector<16xf32>
        %add3A_857 = arith.addf %add3A_791, %mul3A_856 : vector<16xf32>
        %broadcast_in_dim3A_858 = arith.constant 0 : i32
        %broadcast_in_dim3A_859 = vector.broadcast %broadcast_in_dim3A_858 : i32 to vector<16x1xi32>
        %add3A_860 = vector.broadcast %scan3A_720 : i32 to vector<16x1xi32>
        %add3A_861 = arith.addi %broadcast_in_dim3A_859, %add3A_860 : vector<16x1xi32>
        %gather3A_862 = vector.shape_cast %add3A_861 : vector<16x1xi32> to vector<16xi32>
        %gather3A_863 = tpu.dynamic_gather %add3A_376[%gather3A_862] in [0] : vector<16xf32>, vector<16xi32> -> vector<16xf32>
        %mul3A_864 = arith.constant 128 : i32
        %mul3A_865 = arith.muli %scan3A_720, %mul3A_864 : i32
        %add3A_866 = arith.constant 4096 : i32
        %add3A_867 = arith.addi %add3A_866, %mul3A_865 : i32
        %add3A_868 = arith.constant 0 : i32
        %add3A_869 = arith.addi %add3A_867, %add3A_868 : i32
        %get3A_870 = arith.index_cast %add3A_869 : i32 to index
        %get3A_871 = tpu.vector_load %arg8[%get3A_870] {strides = array<i32>} : memref<12288xf32, #tpu.memory_space<vmem>>, vector<16xf32>,
        %mul3A_872 = arith.mulf %gather3A_863, %get3A_871 : vector<16xf32>
        %add3A_873 = arith.addf %add3A_807, %mul3A_872 : vector<16xf32>
        %mul3A_874 = arith.constant 128 : i32
        %mul3A_875 = arith.muli %scan3A_720, %mul3A_874 : i32
        %add3A_876 = arith.constant 4096 : i32
        %add3A_877 = arith.addi %add3A_876, %mul3A_875 : i32
        %add3A_878 = arith.constant 16 : i32
        %add3A_879 = arith.addi %add3A_877, %add3A_878 : i32
        %get3A_880 = arith.index_cast %add3A_879 : i32 to index
        %get3A_881 = tpu.vector_load %arg8[%get3A_880] {strides = array<i32>} : memref<12288xf32, #tpu.memory_space<vmem>>, vector<16xf32>,
        %mul3A_882 = arith.mulf %gather3A_863, %get3A_881 : vector<16xf32>
        %add3A_883 = arith.addf %add3A_817, %mul3A_882 : vector<16xf32>
        %mul3A_884 = arith.constant 128 : i32
        %mul3A_885 = arith.muli %scan3A_720, %mul3A_884 : i32
        %add3A_886 = arith.constant 4096 : i32
        %add3A_887 = arith.addi %add3A_886, %mul3A_885 : i32
        %add3A_888 = arith.constant 64 : i32
        %add3A_889 = arith.addi %add3A_887, %add3A_888 : i32
        %get3A_890 = arith.index_cast %add3A_889 : i32 to index
        %get3A_891 = tpu.vector_load %arg8[%get3A_890] {strides = array<i32>} : memref<12288xf32, #tpu.memory_space<vmem>>, vector<16xf32>,
        %mul3A_892 = arith.mulf %gather3A_863, %get3A_891 : vector<16xf32>
        %add3A_893 = arith.addf %add3A_827, %mul3A_892 : vector<16xf32>
        %mul3A_894 = arith.constant 128 : i32
        %mul3A_895 = arith.muli %scan3A_720, %mul3A_894 : i32
        %add3A_896 = arith.constant 4096 : i32
        %add3A_897 = arith.addi %add3A_896, %mul3A_895 : i32
        %add3A_898 = arith.constant 80 : i32
        %add3A_899 = arith.addi %add3A_897, %add3A_898 : i32
        %get3A_900 = arith.index_cast %add3A_899 : i32 to index
        %get3A_901 = tpu.vector_load %arg8[%get3A_900] {strides = array<i32>} : memref<12288xf32, #tpu.memory_space<vmem>>, vector<16xf32>,
        %mul3A_902 = arith.mulf %gather3A_863, %get3A_901 : vector<16xf32>
        %add3A_903 = arith.addf %add3A_837, %mul3A_902 : vector<16xf32>
        %mul3A_904 = arith.constant 128 : i32
        %mul3A_905 = arith.muli %scan3A_720, %mul3A_904 : i32
        %add3A_906 = arith.constant 4096 : i32
        %add3A_907 = arith.addi %add3A_906, %mul3A_905 : i32
        %add3A_908 = arith.constant 96 : i32
        %add3A_909 = arith.addi %add3A_907, %add3A_908 : i32
        %get3A_910 = arith.index_cast %add3A_909 : i32 to index
        %get3A_911 = tpu.vector_load %arg8[%get3A_910] {strides = array<i32>} : memref<12288xf32, #tpu.memory_space<vmem>>, vector<16xf32>,
        %mul3A_912 = arith.mulf %gather3A_863, %get3A_911 : vector<16xf32>
        %add3A_913 = arith.addf %add3A_847, %mul3A_912 : vector<16xf32>
        %mul3A_914 = arith.constant 128 : i32
        %mul3A_915 = arith.muli %scan3A_720, %mul3A_914 : i32
        %add3A_916 = arith.constant 4096 : i32
        %add3A_917 = arith.addi %add3A_916, %mul3A_915 : i32
        %add3A_918 = arith.constant 112 : i32
        %add3A_919 = arith.addi %add3A_917, %add3A_918 : i32
        %get3A_920 = arith.index_cast %add3A_919 : i32 to index
        %get3A_921 = tpu.vector_load %arg8[%get3A_920] {strides = array<i32>} : memref<12288xf32, #tpu.memory_space<vmem>>, vector<16xf32>,
        %mul3A_922 = arith.mulf %gather3A_863, %get3A_921 : vector<16xf32>
        %add3A_923 = arith.addf %add3A_857, %mul3A_922 : vector<16xf32>
        %broadcast_in_dim3A_924 = arith.constant 0 : i32
        %broadcast_in_dim3A_925 = vector.broadcast %broadcast_in_dim3A_924 : i32 to vector<16x1xi32>
        %add3A_926 = vector.broadcast %scan3A_720 : i32 to vector<16x1xi32>
        %add3A_927 = arith.addi %broadcast_in_dim3A_925, %add3A_926 : vector<16x1xi32>
        %gather3A_928 = vector.shape_cast %add3A_927 : vector<16x1xi32> to vector<16xi32>
        %gather3A_929 = tpu.dynamic_gather %add3A_388[%gather3A_928] in [0] : vector<16xf32>, vector<16xi32> -> vector<16xf32>
        %mul3A_930 = arith.constant 128 : i32
        %mul3A_931 = arith.muli %scan3A_720, %mul3A_930 : i32
        %add3A_932 = arith.constant 6144 : i32
        %add3A_933 = arith.addi %add3A_932, %mul3A_931 : i32
        %add3A_934 = arith.constant 0 : i32
        %add3A_935 = arith.addi %add3A_933, %add3A_934 : i32
        %get3A_936 = arith.index_cast %add3A_935 : i32 to index
        %get3A_937 = tpu.vector_load %arg8[%get3A_936] {strides = array<i32>} : memref<12288xf32, #tpu.memory_space<vmem>>, vector<16xf32>,
        %mul3A_938 = arith.mulf %gather3A_929, %get3A_937 : vector<16xf32>
        %add3A_939 = arith.addf %add3A_873, %mul3A_938 : vector<16xf32>
        %mul3A_940 = arith.constant 128 : i32
        %mul3A_941 = arith.muli %scan3A_720, %mul3A_940 : i32
        %add3A_942 = arith.constant 6144 : i32
        %add3A_943 = arith.addi %add3A_942, %mul3A_941 : i32
        %add3A_944 = arith.constant 16 : i32
        %add3A_945 = arith.addi %add3A_943, %add3A_944 : i32
        %get3A_946 = arith.index_cast %add3A_945 : i32 to index
        %get3A_947 = tpu.vector_load %arg8[%get3A_946] {strides = array<i32>} : memref<12288xf32, #tpu.memory_space<vmem>>, vector<16xf32>,
        %mul3A_948 = arith.mulf %gather3A_929, %get3A_947 : vector<16xf32>
        %add3A_949 = arith.addf %add3A_883, %mul3A_948 : vector<16xf32>
        %mul3A_950 = arith.constant 128 : i32
        %mul3A_951 = arith.muli %scan3A_720, %mul3A_950 : i32
        %add3A_952 = arith.constant 6144 : i32
        %add3A_953 = arith.addi %add3A_952, %mul3A_951 : i32
        %add3A_954 = arith.constant 64 : i32
        %add3A_955 = arith.addi %add3A_953, %add3A_954 : i32
        %get3A_956 = arith.index_cast %add3A_955 : i32 to index
        %get3A_957 = tpu.vector_load %arg8[%get3A_956] {strides = array<i32>} : memref<12288xf32, #tpu.memory_space<vmem>>, vector<16xf32>,
        %mul3A_958 = arith.mulf %gather3A_929, %get3A_957 : vector<16xf32>
        %add3A_959 = arith.addf %add3A_893, %mul3A_958 : vector<16xf32>
        %mul3A_960 = arith.constant 128 : i32
        %mul3A_961 = arith.muli %scan3A_720, %mul3A_960 : i32
        %add3A_962 = arith.constant 6144 : i32
        %add3A_963 = arith.addi %add3A_962, %mul3A_961 : i32
        %add3A_964 = arith.constant 80 : i32
        %add3A_965 = arith.addi %add3A_963, %add3A_964 : i32
        %get3A_966 = arith.index_cast %add3A_965 : i32 to index
        %get3A_967 = tpu.vector_load %arg8[%get3A_966] {strides = array<i32>} : memref<12288xf32, #tpu.memory_space<vmem>>, vector<16xf32>,
        %mul3A_968 = arith.mulf %gather3A_929, %get3A_967 : vector<16xf32>
        %add3A_969 = arith.addf %add3A_903, %mul3A_968 : vector<16xf32>
        %mul3A_970 = arith.constant 128 : i32
        %mul3A_971 = arith.muli %scan3A_720, %mul3A_970 : i32
        %add3A_972 = arith.constant 6144 : i32
        %add3A_973 = arith.addi %add3A_972, %mul3A_971 : i32
        %add3A_974 = arith.constant 96 : i32
        %add3A_975 = arith.addi %add3A_973, %add3A_974 : i32
        %get3A_976 = arith.index_cast %add3A_975 : i32 to index
        %get3A_977 = tpu.vector_load %arg8[%get3A_976] {strides = array<i32>} : memref<12288xf32, #tpu.memory_space<vmem>>, vector<16xf32>,
        %mul3A_978 = arith.mulf %gather3A_929, %get3A_977 : vector<16xf32>
        %add3A_979 = arith.addf %add3A_913, %mul3A_978 : vector<16xf32>
        %mul3A_980 = arith.constant 128 : i32
        %mul3A_981 = arith.muli %scan3A_720, %mul3A_980 : i32
        %add3A_982 = arith.constant 6144 : i32
        %add3A_983 = arith.addi %add3A_982, %mul3A_981 : i32
        %add3A_984 = arith.constant 112 : i32
        %add3A_985 = arith.addi %add3A_983, %add3A_984 : i32
        %get3A_986 = arith.index_cast %add3A_985 : i32 to index
        %get3A_987 = tpu.vector_load %arg8[%get3A_986] {strides = array<i32>} : memref<12288xf32, #tpu.memory_space<vmem>>, vector<16xf32>,
        %mul3A_988 = arith.mulf %gather3A_929, %get3A_987 : vector<16xf32>
        %add3A_989 = arith.addf %add3A_923, %mul3A_988 : vector<16xf32>
        scf.yield %add3A_939, %add3A_949, %add3A_959, %add3A_969, %add3A_979, %add3A_989 : vector<16xf32>, vector<16xf32>, vector<16xf32>, vector<16xf32>, vector<16xf32>, vector<16xf32>
      }
      %scan3A_434 = arith.constant 16 : i32
      %neg3A = arith.constant 0.000000e+00 : f32
      %neg3A_435 = vector.broadcast %neg3A : f32 to vector<16xf32>
      %neg3A_436 = arith.subf %neg3A_435, %scan3A_433#0 : vector<16xf32>
      %exp3A = math.exp %neg3A_436 : vector<16xf32>
      %add3A_437 = arith.constant 1.000000e+00 : f32
      %add3A_438 = vector.broadcast %add3A_437 : f32 to vector<16xf32>
      %add3A_439 = arith.addf %add3A_438, %exp3A : vector<16xf32>
      %div3A = arith.constant 1.000000e+00 : f32
      %div3A_440 = vector.broadcast %div3A : f32 to vector<16xf32>
      %div3A_441 = arith.divf %div3A_440, %add3A_439 : vector<16xf32>
      %neg3A_442 = arith.constant 0.000000e+00 : f32
      %neg3A_443 = vector.broadcast %neg3A_442 : f32 to vector<16xf32>
      %neg3A_444 = arith.subf %neg3A_443, %scan3A_433#1 : vector<16xf32>
      %exp3A_445 = math.exp %neg3A_444 : vector<16xf32>
      %add3A_446 = arith.constant 1.000000e+00 : f32
      %add3A_447 = vector.broadcast %add3A_446 : f32 to vector<16xf32>
      %add3A_448 = arith.addf %add3A_447, %exp3A_445 : vector<16xf32>
      %div3A_449 = arith.constant 1.000000e+00 : f32
      %div3A_450 = vector.broadcast %div3A_449 : f32 to vector<16xf32>
      %div3A_451 = arith.divf %div3A_450, %add3A_448 : vector<16xf32>
      %mul3A_452 = arith.constant -2.000000e+00 : f32
      %mul3A_453 = vector.broadcast %mul3A_452 : f32 to vector<16xf32>
      %mul3A_454 = arith.mulf %mul3A_453, %scan3A_433#2 : vector<16xf32>
      %exp3A_455 = math.exp %mul3A_454 : vector<16xf32>
      %add3A_456 = arith.constant 1.000000e+00 : f32
      %add3A_457 = vector.broadcast %add3A_456 : f32 to vector<16xf32>
      %add3A_458 = arith.addf %add3A_457, %exp3A_455 : vector<16xf32>
      %div3A_459 = arith.constant 2.000000e+00 : f32
      %div3A_460 = vector.broadcast %div3A_459 : f32 to vector<16xf32>
      %div3A_461 = arith.divf %div3A_460, %add3A_458 : vector<16xf32>
      %sub3A_462 = arith.constant 1.000000e+00 : f32
      %sub3A_463 = vector.broadcast %sub3A_462 : f32 to vector<16xf32>
      %sub3A_464 = arith.subf %div3A_461, %sub3A_463 : vector<16xf32>
      %mul3A_465 = arith.constant -2.000000e+00 : f32
      %mul3A_466 = vector.broadcast %mul3A_465 : f32 to vector<16xf32>
      %mul3A_467 = arith.mulf %mul3A_466, %scan3A_433#3 : vector<16xf32>
      %exp3A_468 = math.exp %mul3A_467 : vector<16xf32>
      %add3A_469 = arith.constant 1.000000e+00 : f32
      %add3A_470 = vector.broadcast %add3A_469 : f32 to vector<16xf32>
      %add3A_471 = arith.addf %add3A_470, %exp3A_468 : vector<16xf32>
      %div3A_472 = arith.constant 2.000000e+00 : f32
      %div3A_473 = vector.broadcast %div3A_472 : f32 to vector<16xf32>
      %div3A_474 = arith.divf %div3A_473, %add3A_471 : vector<16xf32>
      %sub3A_475 = arith.constant 1.000000e+00 : f32
      %sub3A_476 = vector.broadcast %sub3A_475 : f32 to vector<16xf32>
      %sub3A_477 = arith.subf %div3A_474, %sub3A_476 : vector<16xf32>
      %neg3A_478 = arith.constant 0.000000e+00 : f32
      %neg3A_479 = vector.broadcast %neg3A_478 : f32 to vector<16xf32>
      %neg3A_480 = arith.subf %neg3A_479, %scan3A_433#4 : vector<16xf32>
      %exp3A_481 = math.exp %neg3A_480 : vector<16xf32>
      %add3A_482 = arith.constant 1.000000e+00 : f32
      %add3A_483 = vector.broadcast %add3A_482 : f32 to vector<16xf32>
      %add3A_484 = arith.addf %add3A_483, %exp3A_481 : vector<16xf32>
      %div3A_485 = arith.constant 1.000000e+00 : f32
      %div3A_486 = vector.broadcast %div3A_485 : f32 to vector<16xf32>
      %div3A_487 = arith.divf %div3A_486, %add3A_484 : vector<16xf32>
      %neg3A_488 = arith.constant 0.000000e+00 : f32
      %neg3A_489 = vector.broadcast %neg3A_488 : f32 to vector<16xf32>
      %neg3A_490 = arith.subf %neg3A_489, %scan3A_433#5 : vector<16xf32>
      %exp3A_491 = math.exp %neg3A_490 : vector<16xf32>
      %add3A_492 = arith.constant 1.000000e+00 : f32
      %add3A_493 = vector.broadcast %add3A_492 : f32 to vector<16xf32>
      %add3A_494 = arith.addf %add3A_493, %exp3A_491 : vector<16xf32>
      %div3A_495 = arith.constant 1.000000e+00 : f32
      %div3A_496 = vector.broadcast %div3A_495 : f32 to vector<16xf32>
      %div3A_497 = arith.divf %div3A_496, %add3A_494 : vector<16xf32>
      %mul3A_498 = arith.mulf %div3A_441, %sub3A_464 : vector<16xf32>
      %mul3A_499 = arith.constant -2.000000e+00 : f32
      %mul3A_500 = vector.broadcast %mul3A_499 : f32 to vector<16xf32>
      %mul3A_501 = arith.mulf %mul3A_500, %mul3A_498 : vector<16xf32>
      %exp3A_502 = math.exp %mul3A_501 : vector<16xf32>
      %add3A_503 = arith.constant 1.000000e+00 : f32
      %add3A_504 = vector.broadcast %add3A_503 : f32 to vector<16xf32>
      %add3A_505 = arith.addf %add3A_504, %exp3A_502 : vector<16xf32>
      %div3A_506 = arith.constant 2.000000e+00 : f32
      %div3A_507 = vector.broadcast %div3A_506 : f32 to vector<16xf32>
      %div3A_508 = arith.divf %div3A_507, %add3A_505 : vector<16xf32>
      %sub3A_509 = arith.constant 1.000000e+00 : f32
      %sub3A_510 = vector.broadcast %sub3A_509 : f32 to vector<16xf32>
      %sub3A_511 = arith.subf %div3A_508, %sub3A_510 : vector<16xf32>
      %mul3A_512 = arith.mulf %div3A_487, %sub3A_511 : vector<16xf32>
      %mul3A_513 = arith.mulf %div3A_451, %sub3A_477 : vector<16xf32>
      %mul3A_514 = arith.constant -2.000000e+00 : f32
      %mul3A_515 = vector.broadcast %mul3A_514 : f32 to vector<16xf32>
      %mul3A_516 = arith.mulf %mul3A_515, %mul3A_513 : vector<16xf32>
      %exp3A_517 = math.exp %mul3A_516 : vector<16xf32>
      %add3A_518 = arith.constant 1.000000e+00 : f32
      %add3A_519 = vector.broadcast %add3A_518 : f32 to vector<16xf32>
      %add3A_520 = arith.addf %add3A_519, %exp3A_517 : vector<16xf32>
      %div3A_521 = arith.constant 2.000000e+00 : f32
      %div3A_522 = vector.broadcast %div3A_521 : f32 to vector<16xf32>
      %div3A_523 = arith.divf %div3A_522, %add3A_520 : vector<16xf32>
      %sub3A_524 = arith.constant 1.000000e+00 : f32
      %sub3A_525 = vector.broadcast %sub3A_524 : f32 to vector<16xf32>
      %sub3A_526 = arith.subf %div3A_523, %sub3A_525 : vector<16xf32>
      %mul3A_527 = arith.mulf %div3A_497, %sub3A_526 : vector<16xf32>
      %get3A_528 = arith.constant 2176 : index
      %get3A_529 = tpu.vector_load %arg6[%get3A_528] {strides = array<i32>} : memref<2432xf32, #tpu.memory_space<vmem>>, vector<16xf32>,
      %get3A_530 = arith.constant 2304 : index
      %get3A_531 = tpu.vector_load %arg6[%get3A_530] {strides = array<i32>} : memref<2432xf32, #tpu.memory_space<vmem>>, vector<16xf32>,
      %add3A_532 = arith.addf %get3A_529, %get3A_531 : vector<16xf32>
      %get3A_533 = arith.constant 2192 : index
      %get3A_534 = tpu.vector_load %arg6[%get3A_533] {strides = array<i32>} : memref<2432xf32, #tpu.memory_space<vmem>>, vector<16xf32>,
      %get3A_535 = arith.constant 2320 : index
      %get3A_536 = tpu.vector_load %arg6[%get3A_535] {strides = array<i32>} : memref<2432xf32, #tpu.memory_space<vmem>>, vector<16xf32>,
      %add3A_537 = arith.addf %get3A_534, %get3A_536 : vector<16xf32>
      %get3A_538 = arith.constant 2240 : index
      %get3A_539 = tpu.vector_load %arg6[%get3A_538] {strides = array<i32>} : memref<2432xf32, #tpu.memory_space<vmem>>, vector<16xf32>,
      %get3A_540 = arith.constant 2368 : index
      %get3A_541 = tpu.vector_load %arg6[%get3A_540] {strides = array<i32>} : memref<2432xf32, #tpu.memory_space<vmem>>, vector<16xf32>,
      %add3A_542 = arith.addf %get3A_539, %get3A_541 : vector<16xf32>
      %get3A_543 = arith.constant 2256 : index
      %get3A_544 = tpu.vector_load %arg6[%get3A_543] {strides = array<i32>} : memref<2432xf32, #tpu.memory_space<vmem>>, vector<16xf32>,
      %get3A_545 = arith.constant 2384 : index
      %get3A_546 = tpu.vector_load %arg6[%get3A_545] {strides = array<i32>} : memref<2432xf32, #tpu.memory_space<vmem>>, vector<16xf32>,
      %add3A_547 = arith.addf %get3A_544, %get3A_546 : vector<16xf32>
      %get3A_548 = arith.constant 2272 : index
      %get3A_549 = tpu.vector_load %arg6[%get3A_548] {strides = array<i32>} : memref<2432xf32, #tpu.memory_space<vmem>>, vector<16xf32>,
      %get3A_550 = arith.constant 2400 : index
      %get3A_551 = tpu.vector_load %arg6[%get3A_550] {strides = array<i32>} : memref<2432xf32, #tpu.memory_space<vmem>>, vector<16xf32>,
      %add3A_552 = arith.addf %get3A_549, %get3A_551 : vector<16xf32>
      %get3A_553 = arith.constant 2288 : index
      %get3A_554 = tpu.vector_load %arg6[%get3A_553] {strides = array<i32>} : memref<2432xf32, #tpu.memory_space<vmem>>, vector<16xf32>,
      %get3A_555 = arith.constant 2416 : index
      %get3A_556 = tpu.vector_load %arg6[%get3A_555] {strides = array<i32>} : memref<2432xf32, #tpu.memory_space<vmem>>, vector<16xf32>,
      %add3A_557 = arith.addf %get3A_554, %get3A_556 : vector<16xf32>
      %scan3A_558 = arith.constant 0 : i32
      %scan3A_559 = arith.constant 16 : i32
      %scan3A_560 = arith.addi %scan3A_558, %scan3A_559 : i32
      %scan3A_561 = arith.constant 1 : i32
      %scan3A_562:6 = scf.for %scan3A_720 = %scan3A_558 to %scan3A_560 step %scan3A_561 iter_args(%scan3A_721 = %add3A_532, %scan3A_722 = %add3A_537, %scan3A_723 = %add3A_542, %scan3A_724 = %add3A_547, %scan3A_725 = %add3A_552, %scan3A_726 = %add3A_557) -> (vector<16xf32>, vector<16xf32>, vector<16xf32>, vector<16xf32>, vector<16xf32>, vector<16xf32>)  : i32 {
        %broadcast_in_dim3A_727 = arith.constant 0 : i32
        %broadcast_in_dim3A_728 = vector.broadcast %broadcast_in_dim3A_727 : i32 to vector<16x1xi32>
        %add3A_729 = vector.broadcast %scan3A_720 : i32 to vector<16x1xi32>
        %add3A_730 = arith.addi %broadcast_in_dim3A_728, %add3A_729 : vector<16x1xi32>
        %gather3A = vector.shape_cast %add3A_730 : vector<16x1xi32> to vector<16xi32>
        %gather3A_731 = tpu.dynamic_gather %mul3A_512[%gather3A] in [0] : vector<16xf32>, vector<16xi32> -> vector<16xf32>
        %mul3A_732 = arith.constant 128 : i32
        %mul3A_733 = arith.muli %scan3A_720, %mul3A_732 : i32
        %add3A_734 = arith.constant 8192 : i32
        %add3A_735 = arith.addi %add3A_734, %mul3A_733 : i32
        %add3A_736 = arith.constant 0 : i32
        %add3A_737 = arith.addi %add3A_735, %add3A_736 : i32
        %get3A_738 = arith.index_cast %add3A_737 : i32 to index
        %get3A_739 = tpu.vector_load %arg8[%get3A_738] {strides = array<i32>} : memref<12288xf32, #tpu.memory_space<vmem>>, vector<16xf32>,
        %mul3A_740 = arith.mulf %gather3A_731, %get3A_739 : vector<16xf32>
        %add3A_741 = arith.addf %scan3A_721, %mul3A_740 : vector<16xf32>
        %mul3A_742 = arith.constant 128 : i32
        %mul3A_743 = arith.muli %scan3A_720, %mul3A_742 : i32
        %add3A_744 = arith.constant 8192 : i32
        %add3A_745 = arith.addi %add3A_744, %mul3A_743 : i32
        %add3A_746 = arith.constant 16 : i32
        %add3A_747 = arith.addi %add3A_745, %add3A_746 : i32
        %get3A_748 = arith.index_cast %add3A_747 : i32 to index
        %get3A_749 = tpu.vector_load %arg8[%get3A_748] {strides = array<i32>} : memref<12288xf32, #tpu.memory_space<vmem>>, vector<16xf32>,
        %mul3A_750 = arith.mulf %gather3A_731, %get3A_749 : vector<16xf32>
        %add3A_751 = arith.addf %scan3A_722, %mul3A_750 : vector<16xf32>
        %mul3A_752 = arith.constant 128 : i32
        %mul3A_753 = arith.muli %scan3A_720, %mul3A_752 : i32
        %add3A_754 = arith.constant 8192 : i32
        %add3A_755 = arith.addi %add3A_754, %mul3A_753 : i32
        %add3A_756 = arith.constant 64 : i32
        %add3A_757 = arith.addi %add3A_755, %add3A_756 : i32
        %get3A_758 = arith.index_cast %add3A_757 : i32 to index
        %get3A_759 = tpu.vector_load %arg8[%get3A_758] {strides = array<i32>} : memref<12288xf32, #tpu.memory_space<vmem>>, vector<16xf32>,
        %mul3A_760 = arith.mulf %gather3A_731, %get3A_759 : vector<16xf32>
        %add3A_761 = arith.addf %scan3A_723, %mul3A_760 : vector<16xf32>
        %mul3A_762 = arith.constant 128 : i32
        %mul3A_763 = arith.muli %scan3A_720, %mul3A_762 : i32
        %add3A_764 = arith.constant 8192 : i32
        %add3A_765 = arith.addi %add3A_764, %mul3A_763 : i32
        %add3A_766 = arith.constant 80 : i32
        %add3A_767 = arith.addi %add3A_765, %add3A_766 : i32
        %get3A_768 = arith.index_cast %add3A_767 : i32 to index
        %get3A_769 = tpu.vector_load %arg8[%get3A_768] {strides = array<i32>} : memref<12288xf32, #tpu.memory_space<vmem>>, vector<16xf32>,
        %mul3A_770 = arith.mulf %gather3A_731, %get3A_769 : vector<16xf32>
        %add3A_771 = arith.addf %scan3A_724, %mul3A_770 : vector<16xf32>
        %mul3A_772 = arith.constant 128 : i32
        %mul3A_773 = arith.muli %scan3A_720, %mul3A_772 : i32
        %add3A_774 = arith.constant 8192 : i32
        %add3A_775 = arith.addi %add3A_774, %mul3A_773 : i32
        %add3A_776 = arith.constant 96 : i32
        %add3A_777 = arith.addi %add3A_775, %add3A_776 : i32
        %get3A_778 = arith.index_cast %add3A_777 : i32 to index
        %get3A_779 = tpu.vector_load %arg8[%get3A_778] {strides = array<i32>} : memref<12288xf32, #tpu.memory_space<vmem>>, vector<16xf32>,
        %mul3A_780 = arith.mulf %gather3A_731, %get3A_779 : vector<16xf32>
        %add3A_781 = arith.addf %scan3A_725, %mul3A_780 : vector<16xf32>
        %mul3A_782 = arith.constant 128 : i32
        %mul3A_783 = arith.muli %scan3A_720, %mul3A_782 : i32
        %add3A_784 = arith.constant 8192 : i32
        %add3A_785 = arith.addi %add3A_784, %mul3A_783 : i32
        %add3A_786 = arith.constant 112 : i32
        %add3A_787 = arith.addi %add3A_785, %add3A_786 : i32
        %get3A_788 = arith.index_cast %add3A_787 : i32 to index
        %get3A_789 = tpu.vector_load %arg8[%get3A_788] {strides = array<i32>} : memref<12288xf32, #tpu.memory_space<vmem>>, vector<16xf32>,
        %mul3A_790 = arith.mulf %gather3A_731, %get3A_789 : vector<16xf32>
        %add3A_791 = arith.addf %scan3A_726, %mul3A_790 : vector<16xf32>
        %broadcast_in_dim3A_792 = arith.constant 0 : i32
        %broadcast_in_dim3A_793 = vector.broadcast %broadcast_in_dim3A_792 : i32 to vector<16x1xi32>
        %add3A_794 = vector.broadcast %scan3A_720 : i32 to vector<16x1xi32>
        %add3A_795 = arith.addi %broadcast_in_dim3A_793, %add3A_794 : vector<16x1xi32>
        %gather3A_796 = vector.shape_cast %add3A_795 : vector<16x1xi32> to vector<16xi32>
        %gather3A_797 = tpu.dynamic_gather %mul3A_527[%gather3A_796] in [0] : vector<16xf32>, vector<16xi32> -> vector<16xf32>
        %mul3A_798 = arith.constant 128 : i32
        %mul3A_799 = arith.muli %scan3A_720, %mul3A_798 : i32
        %add3A_800 = arith.constant 10240 : i32
        %add3A_801 = arith.addi %add3A_800, %mul3A_799 : i32
        %add3A_802 = arith.constant 0 : i32
        %add3A_803 = arith.addi %add3A_801, %add3A_802 : i32
        %get3A_804 = arith.index_cast %add3A_803 : i32 to index
        %get3A_805 = tpu.vector_load %arg8[%get3A_804] {strides = array<i32>} : memref<12288xf32, #tpu.memory_space<vmem>>, vector<16xf32>,
        %mul3A_806 = arith.mulf %gather3A_797, %get3A_805 : vector<16xf32>
        %add3A_807 = arith.addf %add3A_741, %mul3A_806 : vector<16xf32>
        %mul3A_808 = arith.constant 128 : i32
        %mul3A_809 = arith.muli %scan3A_720, %mul3A_808 : i32
        %add3A_810 = arith.constant 10240 : i32
        %add3A_811 = arith.addi %add3A_810, %mul3A_809 : i32
        %add3A_812 = arith.constant 16 : i32
        %add3A_813 = arith.addi %add3A_811, %add3A_812 : i32
        %get3A_814 = arith.index_cast %add3A_813 : i32 to index
        %get3A_815 = tpu.vector_load %arg8[%get3A_814] {strides = array<i32>} : memref<12288xf32, #tpu.memory_space<vmem>>, vector<16xf32>,
        %mul3A_816 = arith.mulf %gather3A_797, %get3A_815 : vector<16xf32>
        %add3A_817 = arith.addf %add3A_751, %mul3A_816 : vector<16xf32>
        %mul3A_818 = arith.constant 128 : i32
        %mul3A_819 = arith.muli %scan3A_720, %mul3A_818 : i32
        %add3A_820 = arith.constant 10240 : i32
        %add3A_821 = arith.addi %add3A_820, %mul3A_819 : i32
        %add3A_822 = arith.constant 64 : i32
        %add3A_823 = arith.addi %add3A_821, %add3A_822 : i32
        %get3A_824 = arith.index_cast %add3A_823 : i32 to index
        %get3A_825 = tpu.vector_load %arg8[%get3A_824] {strides = array<i32>} : memref<12288xf32, #tpu.memory_space<vmem>>, vector<16xf32>,
        %mul3A_826 = arith.mulf %gather3A_797, %get3A_825 : vector<16xf32>
        %add3A_827 = arith.addf %add3A_761, %mul3A_826 : vector<16xf32>
        %mul3A_828 = arith.constant 128 : i32
        %mul3A_829 = arith.muli %scan3A_720, %mul3A_828 : i32
        %add3A_830 = arith.constant 10240 : i32
        %add3A_831 = arith.addi %add3A_830, %mul3A_829 : i32
        %add3A_832 = arith.constant 80 : i32
        %add3A_833 = arith.addi %add3A_831, %add3A_832 : i32
        %get3A_834 = arith.index_cast %add3A_833 : i32 to index
        %get3A_835 = tpu.vector_load %arg8[%get3A_834] {strides = array<i32>} : memref<12288xf32, #tpu.memory_space<vmem>>, vector<16xf32>,
        %mul3A_836 = arith.mulf %gather3A_797, %get3A_835 : vector<16xf32>
        %add3A_837 = arith.addf %add3A_771, %mul3A_836 : vector<16xf32>
        %mul3A_838 = arith.constant 128 : i32
        %mul3A_839 = arith.muli %scan3A_720, %mul3A_838 : i32
        %add3A_840 = arith.constant 10240 : i32
        %add3A_841 = arith.addi %add3A_840, %mul3A_839 : i32
        %add3A_842 = arith.constant 96 : i32
        %add3A_843 = arith.addi %add3A_841, %add3A_842 : i32
        %get3A_844 = arith.index_cast %add3A_843 : i32 to index
        %get3A_845 = tpu.vector_load %arg8[%get3A_844] {strides = array<i32>} : memref<12288xf32, #tpu.memory_space<vmem>>, vector<16xf32>,
        %mul3A_846 = arith.mulf %gather3A_797, %get3A_845 : vector<16xf32>
        %add3A_847 = arith.addf %add3A_781, %mul3A_846 : vector<16xf32>
        %mul3A_848 = arith.constant 128 : i32
        %mul3A_849 = arith.muli %scan3A_720, %mul3A_848 : i32
        %add3A_850 = arith.constant 10240 : i32
        %add3A_851 = arith.addi %add3A_850, %mul3A_849 : i32
        %add3A_852 = arith.constant 112 : i32
        %add3A_853 = arith.addi %add3A_851, %add3A_852 : i32
        %get3A_854 = arith.index_cast %add3A_853 : i32 to index
        %get3A_855 = tpu.vector_load %arg8[%get3A_854] {strides = array<i32>} : memref<12288xf32, #tpu.memory_space<vmem>>, vector<16xf32>,
        %mul3A_856 = arith.mulf %gather3A_797, %get3A_855 : vector<16xf32>
        %add3A_857 = arith.addf %add3A_791, %mul3A_856 : vector<16xf32>
        scf.yield %add3A_807, %add3A_817, %add3A_827, %add3A_837, %add3A_847, %add3A_857 : vector<16xf32>, vector<16xf32>, vector<16xf32>, vector<16xf32>, vector<16xf32>, vector<16xf32>
      }
      %scan3A_563 = arith.constant 16 : i32
      %neg3A_564 = arith.constant 0.000000e+00 : f32
      %neg3A_565 = vector.broadcast %neg3A_564 : f32 to vector<16xf32>
      %neg3A_566 = arith.subf %neg3A_565, %scan3A_562#0 : vector<16xf32>
      %exp3A_567 = math.exp %neg3A_566 : vector<16xf32>
      %add3A_568 = arith.constant 1.000000e+00 : f32
      %add3A_569 = vector.broadcast %add3A_568 : f32 to vector<16xf32>
      %add3A_570 = arith.addf %add3A_569, %exp3A_567 : vector<16xf32>
      %div3A_571 = arith.constant 1.000000e+00 : f32
      %div3A_572 = vector.broadcast %div3A_571 : f32 to vector<16xf32>
      %div3A_573 = arith.divf %div3A_572, %add3A_570 : vector<16xf32>
      %neg3A_574 = arith.constant 0.000000e+00 : f32
      %neg3A_575 = vector.broadcast %neg3A_574 : f32 to vector<16xf32>
      %neg3A_576 = arith.subf %neg3A_575, %scan3A_562#1 : vector<16xf32>
      %exp3A_577 = math.exp %neg3A_576 : vector<16xf32>
      %add3A_578 = arith.constant 1.000000e+00 : f32
      %add3A_579 = vector.broadcast %add3A_578 : f32 to vector<16xf32>
      %add3A_580 = arith.addf %add3A_579, %exp3A_577 : vector<16xf32>
      %div3A_581 = arith.constant 1.000000e+00 : f32
      %div3A_582 = vector.broadcast %div3A_581 : f32 to vector<16xf32>
      %div3A_583 = arith.divf %div3A_582, %add3A_580 : vector<16xf32>
      %mul3A_584 = arith.constant -2.000000e+00 : f32
      %mul3A_585 = vector.broadcast %mul3A_584 : f32 to vector<16xf32>
      %mul3A_586 = arith.mulf %mul3A_585, %scan3A_562#2 : vector<16xf32>
      %exp3A_587 = math.exp %mul3A_586 : vector<16xf32>
      %add3A_588 = arith.constant 1.000000e+00 : f32
      %add3A_589 = vector.broadcast %add3A_588 : f32 to vector<16xf32>
      %add3A_590 = arith.addf %add3A_589, %exp3A_587 : vector<16xf32>
      %div3A_591 = arith.constant 2.000000e+00 : f32
      %div3A_592 = vector.broadcast %div3A_591 : f32 to vector<16xf32>
      %div3A_593 = arith.divf %div3A_592, %add3A_590 : vector<16xf32>
      %sub3A_594 = arith.constant 1.000000e+00 : f32
      %sub3A_595 = vector.broadcast %sub3A_594 : f32 to vector<16xf32>
      %sub3A_596 = arith.subf %div3A_593, %sub3A_595 : vector<16xf32>
      %mul3A_597 = arith.constant -2.000000e+00 : f32
      %mul3A_598 = vector.broadcast %mul3A_597 : f32 to vector<16xf32>
      %mul3A_599 = arith.mulf %mul3A_598, %scan3A_562#3 : vector<16xf32>
      %exp3A_600 = math.exp %mul3A_599 : vector<16xf32>
      %add3A_601 = arith.constant 1.000000e+00 : f32
      %add3A_602 = vector.broadcast %add3A_601 : f32 to vector<16xf32>
      %add3A_603 = arith.addf %add3A_602, %exp3A_600 : vector<16xf32>
      %div3A_604 = arith.constant 2.000000e+00 : f32
      %div3A_605 = vector.broadcast %div3A_604 : f32 to vector<16xf32>
      %div3A_606 = arith.divf %div3A_605, %add3A_603 : vector<16xf32>
      %sub3A_607 = arith.constant 1.000000e+00 : f32
      %sub3A_608 = vector.broadcast %sub3A_607 : f32 to vector<16xf32>
      %sub3A_609 = arith.subf %div3A_606, %sub3A_608 : vector<16xf32>
      %neg3A_610 = arith.constant 0.000000e+00 : f32
      %neg3A_611 = vector.broadcast %neg3A_610 : f32 to vector<16xf32>
      %neg3A_612 = arith.subf %neg3A_611, %scan3A_562#4 : vector<16xf32>
      %exp3A_613 = math.exp %neg3A_612 : vector<16xf32>
      %add3A_614 = arith.constant 1.000000e+00 : f32
      %add3A_615 = vector.broadcast %add3A_614 : f32 to vector<16xf32>
      %add3A_616 = arith.addf %add3A_615, %exp3A_613 : vector<16xf32>
      %div3A_617 = arith.constant 1.000000e+00 : f32
      %div3A_618 = vector.broadcast %div3A_617 : f32 to vector<16xf32>
      %div3A_619 = arith.divf %div3A_618, %add3A_616 : vector<16xf32>
      %neg3A_620 = arith.constant 0.000000e+00 : f32
      %neg3A_621 = vector.broadcast %neg3A_620 : f32 to vector<16xf32>
      %neg3A_622 = arith.subf %neg3A_621, %scan3A_562#5 : vector<16xf32>
      %exp3A_623 = math.exp %neg3A_622 : vector<16xf32>
      %add3A_624 = arith.constant 1.000000e+00 : f32
      %add3A_625 = vector.broadcast %add3A_624 : f32 to vector<16xf32>
      %add3A_626 = arith.addf %add3A_625, %exp3A_623 : vector<16xf32>
      %div3A_627 = arith.constant 1.000000e+00 : f32
      %div3A_628 = vector.broadcast %div3A_627 : f32 to vector<16xf32>
      %div3A_629 = arith.divf %div3A_628, %add3A_626 : vector<16xf32>
      %mul3A_630 = arith.mulf %div3A_573, %sub3A_596 : vector<16xf32>
      %mul3A_631 = arith.constant -2.000000e+00 : f32
      %mul3A_632 = vector.broadcast %mul3A_631 : f32 to vector<16xf32>
      %mul3A_633 = arith.mulf %mul3A_632, %mul3A_630 : vector<16xf32>
      %exp3A_634 = math.exp %mul3A_633 : vector<16xf32>
      %add3A_635 = arith.constant 1.000000e+00 : f32
      %add3A_636 = vector.broadcast %add3A_635 : f32 to vector<16xf32>
      %add3A_637 = arith.addf %add3A_636, %exp3A_634 : vector<16xf32>
      %div3A_638 = arith.constant 2.000000e+00 : f32
      %div3A_639 = vector.broadcast %div3A_638 : f32 to vector<16xf32>
      %div3A_640 = arith.divf %div3A_639, %add3A_637 : vector<16xf32>
      %sub3A_641 = arith.constant 1.000000e+00 : f32
      %sub3A_642 = vector.broadcast %sub3A_641 : f32 to vector<16xf32>
      %sub3A_643 = arith.subf %div3A_640, %sub3A_642 : vector<16xf32>
      %mul3A_644 = arith.mulf %div3A_619, %sub3A_643 : vector<16xf32>
      %mul3A_645 = arith.mulf %div3A_583, %sub3A_609 : vector<16xf32>
      %mul3A_646 = arith.constant -2.000000e+00 : f32
      %mul3A_647 = vector.broadcast %mul3A_646 : f32 to vector<16xf32>
      %mul3A_648 = arith.mulf %mul3A_647, %mul3A_645 : vector<16xf32>
      %exp3A_649 = math.exp %mul3A_648 : vector<16xf32>
      %add3A_650 = arith.constant 1.000000e+00 : f32
      %add3A_651 = vector.broadcast %add3A_650 : f32 to vector<16xf32>
      %add3A_652 = arith.addf %add3A_651, %exp3A_649 : vector<16xf32>
      %div3A_653 = arith.constant 2.000000e+00 : f32
      %div3A_654 = vector.broadcast %div3A_653 : f32 to vector<16xf32>
      %div3A_655 = arith.divf %div3A_654, %add3A_652 : vector<16xf32>
      %sub3A_656 = arith.constant 1.000000e+00 : f32
      %sub3A_657 = vector.broadcast %sub3A_656 : f32 to vector<16xf32>
      %sub3A_658 = arith.subf %div3A_655, %sub3A_657 : vector<16xf32>
      %mul3A_659 = arith.mulf %div3A_629, %sub3A_658 : vector<16xf32>
      %mul3A_660 = arith.constant 4 : i32
      %mul3A_661 = arith.muli %add3A, %mul3A_660 : i32
      %add3A_662 = arith.constant 0 : i32
      %add3A_663 = arith.addi %add3A_662, %mul3A_661 : i32
      %get3A_664 = arith.index_cast %add3A_663 : i32 to index
      %get3A_665 = tpu.vector_load %arg6[%get3A_664] {strides = array<i32>} : memref<2432xf32, #tpu.memory_space<vmem>>, vector<16xf32>,
      %max3A_666 = arith.constant 0.000000e+00 : f32
      %max3A_667 = vector.broadcast %max3A_666 : f32 to vector<16xf32>
      %max3A_668 = arith.maximumf %mul3A_512, %max3A_667 : vector<16xf32>
      %get3A_669 = arith.constant 1632 : index
      %get3A_670 = tpu.vector_load %arg6[%get3A_669] {strides = array<i32>} : memref<2432xf32, #tpu.memory_space<vmem>>, vector<16xf32>,
      %mul3A_671 = arith.mulf %max3A_668, %get3A_670 : vector<16xf32>
      %max3A_672 = arith.constant 0.000000e+00 : f32
      %max3A_673 = vector.broadcast %max3A_672 : f32 to vector<16xf32>
      %max3A_674 = arith.maximumf %mul3A_527, %max3A_673 : vector<16xf32>
      %get3A_675 = arith.constant 1648 : index
      %get3A_676 = tpu.vector_load %arg6[%get3A_675] {strides = array<i32>} : memref<2432xf32, #tpu.memory_space<vmem>>, vector<16xf32>,
      %mul3A_677 = arith.mulf %max3A_674, %get3A_676 : vector<16xf32>
      %add3A_678 = arith.addf %mul3A_671, %mul3A_677 : vector<16xf32>
      %max3A_679 = arith.constant 0.000000e+00 : f32
      %max3A_680 = vector.broadcast %max3A_679 : f32 to vector<16xf32>
      %max3A_681 = arith.maximumf %mul3A_644, %max3A_680 : vector<16xf32>
      %get3A_682 = arith.constant 1664 : index
      %get3A_683 = tpu.vector_load %arg6[%get3A_682] {strides = array<i32>} : memref<2432xf32, #tpu.memory_space<vmem>>, vector<16xf32>,
      %mul3A_684 = arith.mulf %max3A_681, %get3A_683 : vector<16xf32>
      %add3A_685 = arith.addf %add3A_678, %mul3A_684 : vector<16xf32>
      %max3A_686 = arith.constant 0.000000e+00 : f32
      %max3A_687 = vector.broadcast %max3A_686 : f32 to vector<16xf32>
      %max3A_688 = arith.maximumf %mul3A_659, %max3A_687 : vector<16xf32>
      %get3A_689 = arith.constant 1680 : index
      %get3A_690 = tpu.vector_load %arg6[%get3A_689] {strides = array<i32>} : memref<2432xf32, #tpu.memory_space<vmem>>, vector<16xf32>,
      %mul3A_691 = arith.mulf %max3A_688, %get3A_690 : vector<16xf32>
      %add3A_692 = arith.addf %add3A_685, %mul3A_691 : vector<16xf32>
      %lt3A_693 = arith.constant 4 : i32
      %lt3A_694 = vector.broadcast %lt3A_693 : i32 to vector<16xi32>
      %lt3A_695 = arith.cmpi slt, %iota3A, %lt3A_694 : vector<16xi32>
      %max3A_696 = arith.constant 0.000000e+00 : f32
      %max3A_697 = vector.broadcast %max3A_696 : f32 to vector<16xf32>
      %max3A_698 = arith.maximumf %get3A_665, %max3A_697 : vector<16xf32>
      %get3A_699 = arith.constant 1696 : index
      %get3A_700 = tpu.vector_load %arg6[%get3A_699] {strides = array<i32>} : memref<2432xf32, #tpu.memory_space<vmem>>, vector<16xf32>,
      %mul3A_701 = arith.mulf %max3A_698, %get3A_700 : vector<16xf32>
      %jit3A_702 = arith.constant 0.000000e+00 : f32
      %broadcast_in_dim3A_703 = vector.broadcast %jit3A_702 : f32 to vector<16xf32>
      %select_n3A_704 = arith.select %lt3A_695, %mul3A_701, %broadcast_in_dim3A_703 : vector<16xi1>, vector<16xf32>
      %add3A_705 = arith.addf %add3A_692, %select_n3A_704 : vector<16xf32>
      %reduce_sum3A = arith.constant true
      %reduce_sum3A_706 = vector.broadcast %reduce_sum3A : i1 to vector<16xi1>
      %reduce_sum3A_707 = tpu.scan <sum>, %add3A_705 masked %reduce_sum3A_706 : vector<16xf32>, vector<16xi1> -> vector<16xf32>
      %reduce_sum3A_708 = vector.extract %reduce_sum3A_707[15] : f32 from vector<16xf32>
      %get3A_709 = arith.constant 1712 : index
      %get3A_710 = tpu.vector_load %arg6[%get3A_709] {strides = array<i32>} : memref<2432xf32, #tpu.memory_space<vmem>>, vector<16xf32>,
      %slice3A_711 = vector.extract_strided_slice %get3A_710 {offsets = [0], sizes = [1], strides = [1]} : vector<16xf32> to vector<1xf32>
      %squeeze3A_712 = vector.extract %slice3A_711[0] : f32 from vector<1xf32>
      %add3A_713 = arith.addf %reduce_sum3A_708, %squeeze3A_712 : f32
      %broadcast_in_dim3A_714 = arith.constant 0.000000e+00 : f32
      %broadcast_in_dim3A_715 = vector.broadcast %broadcast_in_dim3A_714 : f32 to vector<16xf32>
      %add3A_716 = vector.broadcast %add3A_713 : f32 to vector<16xf32>
      %add3A_717 = arith.addf %broadcast_in_dim3A_715, %add3A_716 : vector<16xf32>
      %swap3A_718 = arith.constant 0 : index
      %swap3A_719 = tpu.vector_load %arg13[%swap3A_718] {strides = array<i32>} : memref<16xf32, #tpu.memory_space<vmem>>, vector<16xf32>,
      tpu.vector_store %arg13[%swap3A_718], %add3A_717 {strides = array<i32>} : memref<16xf32, #tpu.memory_space<vmem>>, vector<16xf32>,
      "tpu.region"() ({
        %run_scoped3A = tpu.sem_alloc : memref<!tpu.dma_semaphore, #tpu.memory_space<semaphore_mem>>
        %dma_start3A = arith.constant 0 : i32
        %dma_start3A_720 = tpu.memref_slice %arg5[%add3A, %dma_start3A] : memref<20x16xf32, #tpu.memory_space<hbm>> -> memref<1x16xf32, #tpu.memory_space<hbm>>
        %dma_start3A_721 = tpu.memref_squeeze %dma_start3A_720 : memref<1x16xf32, #tpu.memory_space<hbm>> -> memref<16xf32, #tpu.memory_space<hbm>>
        %dma_start3A_722 = arith.constant 0 : i32
        %dma_start3A_723 = tpu.memref_slice %arg5[%add3A, %dma_start3A_722] : memref<20x16xf32, #tpu.memory_space<hbm>> -> memref<1x16xf32, #tpu.memory_space<hbm>>
        %dma_start3A_724 = tpu.memref_squeeze %dma_start3A_723 : memref<1x16xf32, #tpu.memory_space<hbm>> -> memref<16xf32, #tpu.memory_space<hbm>>
        tpu.enqueue_dma source(%arg13 : memref<16xf32, #tpu.memory_space<vmem>>) target(%dma_start3A_724 : memref<16xf32, #tpu.memory_space<hbm>>) target_semaphore(%run_scoped3A : memref<!tpu.dma_semaphore, #tpu.memory_space<semaphore_mem>>)
        %dma_wait3A = arith.constant 0 : i32
        %dma_wait3A_725 = tpu.memref_slice %arg5[%add3A, %dma_wait3A] : memref<20x16xf32, #tpu.memory_space<hbm>> -> memref<1x16xf32, #tpu.memory_space<hbm>>
        %dma_wait3A_726 = tpu.memref_squeeze %dma_wait3A_725 : memref<1x16xf32, #tpu.memory_space<hbm>> -> memref<16xf32, #tpu.memory_space<hbm>>
        %dma_wait3A_727 = arith.constant 0 : i32
        %dma_wait3A_728 = tpu.memref_slice %arg5[%add3A, %dma_wait3A_727] : memref<20x16xf32, #tpu.memory_space<hbm>> -> memref<1x16xf32, #tpu.memory_space<hbm>>
        %dma_wait3A_729 = tpu.memref_squeeze %dma_wait3A_728 : memref<1x16xf32, #tpu.memory_space<hbm>> -> memref<16xf32, #tpu.memory_space<hbm>>
        tpu.wait_dma2 semaphore(%run_scoped3A : memref<!tpu.dma_semaphore, #tpu.memory_space<semaphore_mem>>) src(%arg13 : memref<16xf32, #tpu.memory_space<vmem>>) dst(%dma_wait3A_729 : memref<16xf32, #tpu.memory_space<hbm>>)
        tpu.yield
      }) : () -> ()
    } else {
    }
    return
  }
}

</mosaic_0001>

<sc_bundles>
// kernel: kernel.3.cloned.1.call-start
scs
__scs_entry_jumppad:
0x0: {  	(pc) =	sbr.rel $0x88, $3  }
0x1: {  	(tag) =	ssettag $0x0;
	lr =	simm.s32 $0x1  }
0x2: {  	[smem:$0x3F8E] =	sst lr;
	_ =	strace $0xD0000000  }
0x3: {  	_ = 	snop  }
0x4: {  	_ = 	snop  }
0x5: {  	_ = 	snop  }
0x6: {  	_ = 	snop  }
0x7: {  	_ = 	snop  }
__scs_overlays_trampoline_lowered:
0x8: {  	[smem:$0x3F9D] =	sst s0  }
0x9: {  	[smem:$0x3F9E] =	sst s1  }
0xa: {  	[smem:$0x3F9F] =	sst s2  }
0xb: {  	[smem:$0x3FA0] =	sst s3  }
0xc: {  	[smem:$0x3FA1] =	sst s4  }
0xd: {  	[smem:$0x3FA2] =	sst s5  }
0xe: {  	[smem:$0x3FA3] =	sst s6  }
0xf: {  	[smem:$0x3FA4] =	sst s7  }
0x10: {  	[smem:$0x3FA5] =	sst s8  }
0x11: {  	[smem:$0x3FA6] =	sst s9;
	s0 =	simm.s32 @!p0 $0x0  }
0x12: {  	s1 =	sld [smem:$0x3F8C];
	s0 =	simm.s32 @p0 $0x1  }
0x13: {  	[smem:$0x3FA7] =	sst s0;
	s0 =	simm.s32 @!p1 $0x0  }
0x14: {  	s2 =	sld [smem:$0x3F8B];
	s0 =	simm.s32 @p1 $0x1  }
0x15: {  	[smem:$0x3FA8] =	sst s0;
	s0 =	simm.s32 @!p2 $0x0  }
0x16: {  	s3 =	sld [smem:$0x3FDB];
	s0 =	simm.s32 @p2 $0x1  }
0x17: {  	s4 =	simm.s32 $0x1BF5;
	[smem:$0x3FAA] =	sst s0  }
0x18: {  	s0 =	sld [smem:$0x3F8D];
	_ =	swait.ge [sflag:s4], $0x0  }
0x19: {  	s7 =	sld [smem:$0x3F8E]  }
0x1a: {  	s8 =	sadd.s32 $0xFFFFE003, lr  }
0x1b: {  	s9 =	sadd.s32 $0xFFFFFEF7, lr;
	s5 =	simm.s32 $0xFFFFFFFF;
	p2 =	slt.u32 s8, $0xFFFFF086  }
0x1c: {  	p1 =	slt.u32 s9, $0xF7A;
	s5 =	simm.s32 @!p2 $0x0  }
0x1d: {  	s5 =	simm.s32 @p1 $0x1;
	p0 =	seq.s32 s7, s2  }
0x1e: {  	s7 =	smul.u32 @!p0 $0xF7A, s2;
	p2 =	seq.s32 @!p0 s5, $0x0  }
0x1f: {  	s9 =	smul.u32 $0xF7A, s1;
	s8 =	simm.s32 @!p0 $0x1BF5;
	p2 =	por !p2, p0  }
0x20: {  	[sflag:s8] =	ssyncset.s32 @!p0 $0xFFFFF086;
	s6 =	sadd.s32 @!p0 s3, s7;
	s7 =	simm.s32 @!p0 $0x108  }
0x21: {  	s3 =	sadd.s32 s3, s9;
	s6 =	sadd.s32 @!p0 $0x88, s6;
	s7 =	simm.s32 @p2 $0x1082  }
0x22: {  	[simem:s7], [sflag:s8] =	dma.local @!p0 [hbm:s6], $0xF7A  }
0x23: {  	s9 =	sor.u32 $0xD0000000, s2;
	s6 =	simm.s32 $0x108;
	_ =	swait.ge @!p0 [sflag:s8], $0x0  }
0x24: {  	s3 =	sadd.s32 $0x88, s3;
	s6 =	simm.s32 @!p1 $0x1082;
	[sflag:s4] =	ssyncset.s32 $0xFFFFF086  }
0x25: {  	[simem:s6], [sflag:s4] =	dma.local [hbm:s3], $0xF7A  }
0x26: {  	[smem:$0x3F8E] =	sst s1;
	(tag) =	ssettag s2;
	_ =	strace s9  }
0x27: {  	s1 =	sld [smem:$0x3F9E]  }
0x28: {  	s2 =	sld [smem:$0x3F9F]  }
0x29: {  	s4 =	sld [smem:$0x3FA1]  }
0x2a: {  	p0 =	seq.s32 s5, $0x0;
	s5 =	sld [smem:$0x3FA2]  }
0x2b: {  	s6 =	sld [smem:$0x3FA3]  }
0x2c: {  	s7 =	sld [smem:$0x3FA4]  }
0x2d: {  	s3 =	simm.s32 $0x108;
	s8 =	sld [smem:$0x3FA5]  }
0x2e: {  	s3 =	simm.s32 @!p0 $0x1082;
	s9 =	sld [smem:$0x3FA6]  }
0x2f: {  	lr =	sadd.s32 s0, s3;
	s0 =	sld [smem:$0x3F9D]  }
0x30: {  	s3 =	sld [smem:$0x3FA0]  }
0x31: {  	[smem:$0x3FA9] =	sst s10  }
0x32: {  	s10 =	sld [smem:$0x3FA7];
	_ =	sdelay $0x3  }
0x33: {  	p0 =	seq.s32 s10, $0x1;
	s10 =	sld [smem:$0x3FA9];
	_ =	sdelay $0x3  }
0x34: {  	[smem:$0x3FA9] =	sst s10  }
0x35: {  	s10 =	sld [smem:$0x3FA8];
	_ =	sdelay $0x3  }
0x36: {  	p1 =	seq.s32 s10, $0x1;
	s10 =	sld [smem:$0x3FA9];
	_ =	sdelay $0x3  }
0x37: {  	[smem:$0x3FA9] =	sst s10  }
0x38: {  	s10 =	sld [smem:$0x3FAA]  }
0x39: {  	_ = 	snop;
	(pc) =	sbr.ind lr, $3  }
0x3a: {  	_ = 	snop  }
0x3b: {  	_ = 	snop  }
0x3c: {  	p2 =	seq.s32 s10, $0x1;
	s10 =	sld [smem:$0x3FA9]  }
0x3d: {  	_ =	shalt  }
0x3e: {  	_ =	shalt  }
0x3f: {  	_ =	shalt  }
0x40: {  	_ =	shalt  }
0x41: {  	_ =	shalt  }
0x42: {  	_ =	shalt  }
0x43: {  	_ =	shalt  }
0x44: {  	_ =	shalt  }
0x45: {  	_ =	shalt  }
0x46: {  	_ =	shalt  }
0x47: {  	_ =	shalt  }
0x48: {  	_ =	shalt  }
0x49: {  	_ =	shalt  }
0x4a: {  	_ =	shalt  }
0x4b: {  	_ =	shalt  }
0x4c: {  	_ =	shalt  }
0x4d: {  	_ =	shalt  }
0x4e: {  	_ =	shalt  }
0x4f: {  	_ =	shalt  }
0x50: {  	_ =	shalt  }
0x51: {  	_ =	shalt  }
0x52: {  	_ =	shalt  }
0x53: {  	_ =	shalt  }
0x54: {  	_ =	shalt  }
0x55: {  	_ =	shalt  }
0x56: {  	_ =	shalt  }
0x57: {  	_ =	shalt  }
0x58: {  	_ =	shalt  }
0x59: {  	_ =	shalt  }
0x5a: {  	_ =	shalt  }
0x5b: {  	_ =	shalt  }
0x5c: {  	_ =	shalt  }
0x5d: {  	_ =	shalt  }
0x5e: {  	_ =	shalt  }
0x5f: {  	_ =	shalt  }
0x60: {  	_ =	shalt  }
0x61: {  	_ =	shalt  }
0x62: {  	_ =	shalt  }
0x63: {  	_ =	shalt  }
0x64: {  	_ =	shalt  }
0x65: {  	_ =	shalt  }
0x66: {  	_ =	shalt  }
0x67: {  	_ =	shalt  }
0x68: {  	_ =	shalt  }
0x69: {  	_ =	shalt  }
0x6a: {  	_ =	shalt  }
0x6b: {  	_ =	shalt  }
0x6c: {  	_ =	shalt  }
0x6d: {  	_ =	shalt  }
0x6e: {  	_ =	shalt  }
0x6f: {  	_ =	shalt  }
0x70: {  	_ =	shalt  }
0x71: {  	_ =	shalt  }
0x72: {  	_ =	shalt  }
0x73: {  	_ =	shalt  }
0x74: {  	_ =	shalt  }
0x75: {  	_ =	shalt  }
0x76: {  	_ =	shalt  }
0x77: {  	_ =	shalt  }
0x78: {  	_ =	shalt  }
0x79: {  	_ =	shalt  }
0x7a: {  	_ =	shalt  }
0x7b: {  	_ =	shalt  }
0x7c: {  	_ =	shalt  }
0x7d: {  	_ =	shalt  }
0x7e: {  	_ =	shalt  }
0x7f: {  	_ =	shalt  }
0x80: {  	_ =	shalt  }
0x81: {  	_ =	shalt  }
0x82: {  	_ =	shalt  }
0x83: {  	_ =	shalt  }
0x84: {  	_ =	shalt  }
0x85: {  	_ =	shalt  }
0x86: {  	_ =	shalt  }
0x87: {  	_ =	shalt  }
.Lfunc_end0:
.L_simem_size_0:
called_computation_lowered:
.L_overlay_start_0:
0x88: {  	s2 =	sld [smem:$0x3FD9]  }
0x89: {  	s3 =	sld [smem:$0x3FFE];
	_ =	sdelay $0x1  }
0x8a: {  	s1 =	srdreg.scid  }
0x8b: {  	s0 =	sand.u32 $0x1, s1  }
0x8c: {  	s16 =	sshll.u32 s0, $0xA;
	s2 =	sadd.s32 s3, s2  }
0x8d: {  	s2 =	sadd.s32 s2, s16  }
0x8e: {  	[smem:$0x3FB5] =	sst s2  }
0x8f: {  	_ = 	snop  }
0x90: {  	(tm) =	ssettm $0x1  }
0x91: {  	s17 =	sld [smem:$0x3FFB];
	_ =	sdelay $0x3  }
0x92: {  	_ =	strace s17  }
0x93: {  	s2 =	sld [smem:$0x3FFC];
	_ =	sdelay $0x3  }
0x94: {  	_ =	strace s2  }
0x95: {  	s2 =	sld [smem:$0x3FFD];
	_ =	sdelay $0x3  }
0x96: {  	_ =	strace s2  }
0x97: {  	_ =	strace $0x8FFFFFFF  }
0x98: {  	s18 =	sld [smem:$0x3FDB];
	_ =	sdelay $0x1  }
0x99: {  	s19 =	simm.s32 $_scs_section_size  }
0x9a: {  	s4 =	simm.s32 $_size__tile_overlayer_lowered;
	s5 =	simm.s32 $_tile_overlayer_lowered  }
0x9b: {  	s22 =	simm.s32 $0x1BFF;
	s21 =	sshll.u32 s5, $0x1;
	s2 =	sadd.s32 s19, s18  }
0x9c: {  	s6 =	simm.s32 $0x0;
	s20 =	sshll.u32 s4, $0x1;
	s4 =	sadd.s32 s21, s2  }
0x9d: {  	[timem:s6], [sflag:s22] =	dma.local [hbm:s4], s20  }
0x9e: {  	_ =	swait.ge [sflag:s22], s20  }
0x9f: {  	s3 =	ssub.s32 $0x0, s20;
	[sflag:s22] =	ssyncset.done $0x0  }
0xa0: {  	[sflag:s22] =	ssyncadd.s32 s3;
	_ =	sdelay $0x1  }
0xa1: {  	s23 =	simm.s32 $0x1B8B  }
0xa2: {  	_ =	swait.ge [sflag:s23], $0x1  }
0xa3: {  	[sflag:s23] =	ssyncset.done $0x0  }
0xa4: {  	s25 =	simm.s32 $0x1B8E;
	s24 =	sld [smem:$0x3FFE];
	[sflag:s23] =	ssyncadd.s32 $0xFFFFFFFF  }
0xa5: {  	s26 =	simm.s32 $execute0_lowered;
	[smem:$0x3FD2] =	sst s25  }
0xa6: {  	s4 =	sshll.u32 s26, $0x1;
	_ =	strace $0x80000046;
	[dreg:$0x1] =	wrdreg $0xFFFFFFFF  }
0xa7: {  	s28 =	simm.s32 $_size_execute0_lowered;
	s2 =	sadd.s32 s2, s4;
	[dreg:$0x0] =	wrdreg $0x0  }
0xa8: {  	s4 =	sshll.u32 s28, $0x1;
	[dreg:$0x2] =	wrdreg s2  }
0xa9: {  	[dreg:$0x3] =	wrdreg s4  }
0xaa: {  	[dreg:$0x4] =	wrdreg $0xC0  }
0xab: {  	_ =	task [dreg:s6], $0x5FFFF  }
0xac: {  	[dreg:$0x1] =	wrdreg $0xFFFFFFFF  }
0xad: {  	[dreg:$0x0] =	wrdreg $0x60  }
0xae: {  	[dreg:$0x2] =	wrdreg s24  }
0xaf: {  	[dreg:$0x3] =	wrdreg $0x9  }
0xb0: {  	_ =	task.clear_ibuf [dreg:s6], $0x4FFFF;
	_ =	strace $0x90000046  }
0xb1: {  	s29 =	simm.s32 $0x9;
	_ =	strace $0x80000048  }
0xb2: {  	_ =	swait.ge [sflag:s29], $0x1  }
0xb3: {  	[sflag:s29] =	ssyncadd.s32 $0xFFFFFFFF  }
0xb4: {  	_ =	strace $0x90000048  }
0xb5: {  	_ =	sfence  }
0xb6: {  	s30 =	sld [smem:$0x0];
	_ =	sdelay $0x2  }
0xb7: {  	s31 =	sshll.u32 s1, $0xD;
	s1 =	sshrl.u32 s1, $0x2  }
0xb8: {  	s3 =	sand.u32 $0x4000, s31;
	s1 =	sadd.s32 s1, s30  }
0xb9: {  	s0 =	sor.u32 s3, s0;
	s1 =	sshll.u32 s1, $0x11  }
0xba: {  	s0 =	sor.u32 s1, s0  }
0xbb: {  	s0 =	sadd.s32 $0x8F2B, s0  }
0xbc: {  	[sflag:s0] =	ssyncadd.remote.s32 $0x1  }
0xbd: {  	_ =	sfence.sel $0xFFFF  }
0xbe: {  	[dreg:$0x0] =	wrdreg $0xFFFFFFFF;
	(pc) =	sbr.abs _section_cstart, $3  }
0xbf: {  	[dreg:$0x1] =	wrdreg $0xFFFFFFFF  }
0xc0: {  	_ =	task.clear_ibuf [dreg:s6], $0x2FFFF;
	_ =	strace $0x9FFFFFFF  }
0xc1: {  	(tm) =	ssettm $0x7FFFFFFF  }
tec
execute0_lowered:
.L_overlay_start_1:
0x0: {  	(tag) =	ssettag $0x1  }
0x1: {  	s1 =	stileid.u32  }
0x2: {  	p0 =	sgt.u32 s1, $0x9  }
.Ltmp0:
0x3: {  	_ = 	snop;
	(pc) =	sbr.rel @p0 .LBB2_19-.Ltmp0, $4  }
0x4: {  	_ = 	snop  }
0x5: {  	s7 =	rddreg [dreg:$0x0];
	s2 =	simm.s32 $0x0  }
0x6: {  	[smem:$0x7FF] =	sst s2  }
0x7: {  	s0 =	rddreg [dreg:$0x1];
	_ =	strace $0x80000047  }
0x8: {  	s4 =	srdreg.scid  }
0x9: {  	s3 =	sadd.s32 $0x2E00, s7;
	s6 =	sshll.u32 s1, $0x1;
	s12 =	simm.s32 $0x980  }
0xa: {  	s13 =	simm.s32 $0x1;
	s14 =	simm.s32 $0x3C80;
	s15 =	simm.s32 $0x3D00  }
0xb: {  	s16 =	simm.s32 $0x2;
	s17 =	simm.s32 $0x4600;
	s5 =	sand.u32 $0x1, s4  }
0xc: {  	s18 =	simm.s32 $0x3;
	s4 =	sadd.s32 $0x2600, s7;
	s8 =	sor.u32 s5, s6  }
0xd: {  	v0 =	vlaneseq.u32;
	s9 =	ssub.s32 $0x2, s5;
	s5 =	sadd.s32 $0x2800, s7;
	s6 =	sshll.u32 s8, $0x4  }
0xe: {  	v0 =	vmul.u32 $0x21, v0;
	s10 =	sshrl.u32 s9, $0x1;
	s11 =	sadd.s32 s6, s7;
	s7 =	sshll.u32 s8, $0x5  }
0xf: {  	v1 =	vimm.f32 $0.0e+00;
	vm0 =	vcmask $0xF00;
	s19 =	simm.s32 $0x0;
	s10 =	ssub.s32 s9, s10;
	s8 =	sor.u32 $0x10, s7  }
0x10: {  	v2 =	vsel vm0, $0x3F800000, v1;
	v3 =	vadd.s32 $0x210, v0;
	s9 =	sadd.s32 $0x3000, s11;
	s10 =	smax.u32 s10, $0x1;
	s11 =	simm.s32 $0xC80  }
.LBB2_2:
0x11: {  	s20 =	simm.s32 $0x0  }
0x12: {  	[tilespmem:s11], [sflag:$0x2] =	stream.linear.gather [hbm4b:s5+s20], $0x3000, $0x38;
	[tilespmem:$0x4680] =	vst v63  }
0x13: {  	_ = 	snop  }
0x14: {  	[tilespmem:s20], [sflag:$0x1] =	stream.linear.gather [hbm4b:s3+s20], $0x980, $0x38;
	[tilespmem:$0x4680] =	vst v63  }
0x15: {  	_ = 	snop  }
0x16: {  	[tilespmem:s12], [sflag:$0x1] =	stream.linear.gather [hbm4b:s4+s20], $0x300, $0x38;
	[tilespmem:$0x4680] =	vst v63  }
0x17: {  	[tilespmem:$0x3D00] =	vst v1  }
0x18: {  	[tilespmem:$0x3D10] =	vst v1  }
0x19: {  	[tilespmem:$0x3D20] =	vst v1  }
0x1a: {  	[tilespmem:$0x3D30] =	vst v1  }
0x1b: {  	[tilespmem:$0x3D40] =	vst v1  }
0x1c: {  	[tilespmem:$0x3D50] =	vst v1  }
0x1d: {  	[tilespmem:$0x3D60] =	vst v1  }
0x1e: {  	[tilespmem:$0x3D70] =	vst v1  }
0x1f: {  	[tilespmem:$0x3D80] =	vst v1  }
0x20: {  	[tilespmem:$0x3D90] =	vst v1  }
0x21: {  	[tilespmem:$0x3DA0] =	vst v1  }
0x22: {  	[tilespmem:$0x3DB0] =	vst v1  }
0x23: {  	[tilespmem:$0x3DC0] =	vst v1  }
0x24: {  	[tilespmem:$0x3DD0] =	vst v1  }
0x25: {  	[tilespmem:$0x3DE0] =	vst v1  }
0x26: {  	[tilespmem:$0x3DF0] =	vst v1  }
0x27: {  	[tilespmem:$0x3E00] =	vst v1  }
0x28: {  	[tilespmem:$0x3E10] =	vst v1  }
0x29: {  	[tilespmem:$0x3E20] =	vst v1  }
0x2a: {  	[tilespmem:$0x3E30] =	vst v1  }
0x2b: {  	[tilespmem:$0x3E40] =	vst v1  }
0x2c: {  	[tilespmem:$0x3E50] =	vst v1  }
0x2d: {  	[tilespmem:$0x3E60] =	vst v1  }
0x2e: {  	[tilespmem:$0x3E70] =	vst v1  }
0x2f: {  	[tilespmem:$0x3E80] =	vst v1  }
0x30: {  	[tilespmem:$0x3E90] =	vst v1  }
0x31: {  	[tilespmem:$0x3EA0] =	vst v1  }
0x32: {  	[tilespmem:$0x3EB0] =	vst v1  }
0x33: {  	[tilespmem:$0x3EC0] =	vst v1  }
0x34: {  	[tilespmem:$0x3ED0] =	vst v1  }
0x35: {  	[tilespmem:$0x3EE0] =	vst v1  }
0x36: {  	[tilespmem:$0x3EF0] =	vst v1  }
0x37: {  	[tilespmem:$0x3F00] =	vst v1  }
0x38: {  	[tilespmem:$0x3F10] =	vst v1  }
0x39: {  	[tilespmem:$0x3F20] =	vst v1  }
0x3a: {  	[tilespmem:$0x3F30] =	vst v1  }
0x3b: {  	[tilespmem:$0x3F40] =	vst v1  }
0x3c: {  	[tilespmem:$0x3F50] =	vst v1  }
0x3d: {  	[tilespmem:$0x3F60] =	vst v1  }
0x3e: {  	[tilespmem:$0x3F70] =	vst v1  }
0x3f: {  	[tilespmem:$0x3F80] =	vst v1  }
0x40: {  	[tilespmem:$0x3F90] =	vst v1  }
0x41: {  	[tilespmem:$0x3FA0] =	vst v1  }
0x42: {  	[tilespmem:$0x3FB0] =	vst v1  }
0x43: {  	[tilespmem:$0x3FC0] =	vst v1  }
0x44: {  	[tilespmem:$0x3FD0] =	vst v1  }
0x45: {  	[tilespmem:$0x3FE0] =	vst v1  }
0x46: {  	[tilespmem:$0x3FF0] =	vst v1  }
0x47: {  	[tilespmem:$0x4000] =	vst v1  }
0x48: {  	[tilespmem:$0x4010] =	vst v1  }
0x49: {  	[tilespmem:$0x4020] =	vst v1  }
0x4a: {  	[tilespmem:$0x4030] =	vst v1  }
0x4b: {  	[tilespmem:$0x4040] =	vst v1  }
0x4c: {  	[tilespmem:$0x4050] =	vst v1  }
0x4d: {  	[tilespmem:$0x4060] =	vst v1  }
0x4e: {  	[tilespmem:$0x4070] =	vst v1  }
0x4f: {  	[tilespmem:$0x4080] =	vst v1  }
0x50: {  	[tilespmem:$0x4090] =	vst v1  }
0x51: {  	[tilespmem:$0x40A0] =	vst v1  }
0x52: {  	[tilespmem:$0x40B0] =	vst v1  }
0x53: {  	[tilespmem:$0x40C0] =	vst v1  }
0x54: {  	[tilespmem:$0x40D0] =	vst v1  }
0x55: {  	[tilespmem:$0x40E0] =	vst v1  }
0x56: {  	[tilespmem:$0x40F0] =	vst v1  }
0x57: {  	[tilespmem:$0x3C80] =	vst v1  }
0x58: {  	[tilespmem:$0x3C90] =	vst v1  }
0x59: {  	_ =	swait.ge [sflag:s13], $0x980  }
0x5a: {  	[sflag:s13] =	ssyncset.done $0x0  }
0x5b: {  	[sflag:s13] =	ssyncadd.s32 $0xFFFFF680  }
0x5c: {  	_ =	swait.ge [sflag:s13], $0x300  }
0x5d: {  	[sflag:s13] =	ssyncset.done $0x0  }
0x5e: {  	s20 =	sand.u32 $0x1F0, s20;
	[sflag:s13] =	ssyncadd.s32 $0xFFFFFD00  }
0x5f: {  	v4 =	vld [tilespmem:s20+$0xB00];
	_ =	sdelay $0x1  }
0x60: {  	s20 =	simm.s32 $0x60  }
0x61: {  	v5 =	vld [tilespmem:s20+$0x0];
	_ =	sdelay $0x3  }
0x62: {  	s21 =	simm.s32 $0x10  }
0x63: {  	s22 =	sand.u32 $0x1F0, s21;
	s21 =	simm.s32 $0x20;
	[tilespmem:v4+s14+$0x0] =	vst.idx.add.f32.msk $0xffff, v5  }
.LBB2_3:
0x64: {  	p0 =	sne.s32 s21, $0x170;
	v4 =	vld [tilespmem:s22+$0xB00];
	_ =	sdelay $0x1  }
0x65: {  	s20 =	sadd.s32 $0x10, s20  }
0x66: {  	v5 =	vld [tilespmem:s20+$0x0]  }
.Ltmp1:
0x67: {  	(pc) =	sbr.rel @p0 .LBB2_3-.Ltmp1, $2  }
0x68: {  	_ =	sdelay $0x2  }
0x69: {  	s22 =	sand.u32 $0x1F0, s21;
	s21 =	sadd.s32 $0x10, s21;
	[tilespmem:v4+s14+$0x0] =	vst.idx.add.f32.msk $0xffff, v5  }
0x6a: {  	v4 =	vld [tilespmem:s22+$0xB00];
	_ =	sdelay $0x1  }
0x6b: {  	s20 =	sadd.s32 $0x10, s20  }
0x6c: {  	v5 =	vld [tilespmem:s20+$0x0];
	_ =	sdelay $0x4  }
0x6d: {  	[tilespmem:v4+s14+$0x0] =	vst.idx.add.f32.msk $0xffff, v5  }
0x6e: {  	v4 =	vld [tilespmem:$0x3C80]  }
0x6f: {  	v5 =	vld [tilespmem:$0x3C90];
	_ =	sdelay $0x3  }
0x70: {  	v4 =	vadd.f32 $1.000000000e+00, v4  }
0x71: {  	v5 =	vadd.f32 v2, v5  }
0x72: {  	v6 =	vshra.s32 v4, $0x1;
	v7 =	vmul.f32 $5.000000000e-01, v4  }
0x73: {  	v8 =	vshra.s32 v5, $0x1;
	v9 =	vmul.f32 $5.000000000e-01, v5;
	v6 =	vsub.s32 $0x5F3759DF, v6  }
0x74: {  	v8 =	vsub.s32 $0x5F3759DF, v8;
	v10 =	vmul.f32 v6, v7  }
0x75: {  	v11 =	vmul.f32 v8, v9  }
0x76: {  	v10 =	vmul.f32 v6, v10  }
0x77: {  	v11 =	vmul.f32 v8, v11  }
0x78: {  	v10 =	vsub.f32 $1.500000000e+00, v10  }
0x79: {  	v11 =	vsub.f32 $1.500000000e+00, v11  }
0x7a: {  	v6 =	vmul.f32 v6, v10  }
0x7b: {  	v8 =	vmul.f32 v8, v11  }
0x7c: {  	v10 =	vmul.f32 v6, v7  }
0x7d: {  	v11 =	vmul.f32 v8, v9  }
0x7e: {  	v10 =	vmul.f32 v10, v6  }
0x7f: {  	v11 =	vmul.f32 v11, v8  }
0x80: {  	v10 =	vsub.f32 $1.500000000e+00, v10  }
0x81: {  	v11 =	vsub.f32 $1.500000000e+00, v11  }
0x82: {  	v6 =	vmul.f32 v10, v6  }
0x83: {  	v8 =	vmul.f32 v11, v8  }
0x84: {  	v7 =	vmul.f32 v6, v7  }
0x85: {  	v9 =	vmul.f32 v8, v9  }
0x86: {  	v7 =	vmul.f32 v7, v6  }
0x87: {  	v9 =	vmul.f32 v9, v8  }
0x88: {  	v7 =	vsub.f32 $1.500000000e+00, v7  }
0x89: {  	v9 =	vsub.f32 $1.500000000e+00, v9  }
0x8a: {  	v6 =	vmul.f32 v7, v6  }
0x8b: {  	vm0 =	vgt.f32 v4, $0.0e+00;
	v4 =	vmul.f32 v9, v8  }
0x8c: {  	vm15 =	vgt.f32 v5, $0.0e+00;
	v6 =	vnsel vm0, $0x0, v6  }
0x8d: {  	v4 =	vnsel vm15, $0x0, v4;
	[tilespmem:$0x3C80] =	vst v6  }
0x8e: {  	s30 =	simm.s32 $0x980;
	[tilespmem:$0x3C90] =	vst v4  }
0x8f: {  	s31 =	simm.s32 $0x0;
	v4 =	vld [tilespmem:s30+$0x0]  }
0x90: {  	s20 =	sand.u32 $0x1F0, s31  }
0x91: {  	v5 =	vld [tilespmem:s20+$0xB00];
	_ =	sdelay $0x3  }
0x92: {  	s20 =	simm.s32 $0x60  }
0x93: {  	v7 =	vld [tilespmem:s20+$0x0]  }
0x94: {  	v6 =	vld.idx.msk [tilespmem:v4+s14+$0x0], $0xffff;
	_ =	sdelay $0x1  }
0x95: {  	v63 =	vld.idx.msk [tilespmem:v5+s14+$0x0], $0xffff  }
0x96: {  	v5 =	vshll.u32 v5, $0x5  }
0x97: {  	v4 =	vadd.s32 v4, v5  }
0x98: {  	v5 =	vmul.f32 v6, v7;
	_ =	sdelay $0x1  }
0x99: {  	v5 =	vmul.f32 v63, v5;
	_ =	sdelay $0x1  }
0x9a: {  	s21 =	simm.s32 $0x990;
	[tilespmem:v4+s15+$0x0] =	vst.idx.add.f32.msk $0xffff, v5  }
0x9b: {  	s22 =	simm.s32 $0x10;
	s23 =	simm.s32 $0x20;
	v4 =	vld [tilespmem:s21+$0x0]  }
.LBB2_5:
0x9c: {  	p0 =	sne.s32 s23, $0x170;
	s24 =	sand.u32 $0x1F0, s22;
	s22 =	smov.u32 s23  }
0x9d: {  	v5 =	vld [tilespmem:s24+$0xB00];
	_ =	sdelay $0x5  }
0x9e: {  	s20 =	sadd.s32 $0x10, s20;
	v6 =	vld.idx.msk [tilespmem:v4+s14+$0x0], $0xffff  }
0x9f: {  	v7 =	vld [tilespmem:s20+$0x0]  }
0xa0: {  	v8 =	vld.idx.msk [tilespmem:v5+s14+$0x0], $0xffff;
	_ =	sdelay $0x1  }
0xa1: {  	v5 =	vshll.u32 v5, $0x5  }
0xa2: {  	v4 =	vadd.s32 v4, v5  }
0xa3: {  	v5 =	vmul.f32 v6, v7  }
.Ltmp2:
0xa4: {  	(pc) =	sbr.rel @p0 .LBB2_5-.Ltmp2, $3  }
0xa5: {  	v5 =	vmul.f32 v8, v5;
	_ =	sdelay $0x1  }
0xa6: {  	s21 =	sadd.s32 $0x10, s21;
	[tilespmem:v4+s15+$0x0] =	vst.idx.add.f32.msk $0xffff, v5  }
0xa7: {  	s23 =	sadd.s32 $0x10, s23;
	v4 =	vld [tilespmem:s21+$0x0]  }
0xa8: {  	_ = 	snop  }
0xa9: {  	s21 =	sand.u32 $0x1F0, s22  }
0xaa: {  	v5 =	vld [tilespmem:s21+$0xB00];
	_ =	sdelay $0x3  }
0xab: {  	s20 =	sadd.s32 $0x10, s20  }
0xac: {  	v7 =	vld [tilespmem:s20+$0x0]  }
0xad: {  	v6 =	vld.idx.msk [tilespmem:v4+s14+$0x0], $0xffff;
	_ =	sdelay $0x1  }
0xae: {  	v8 =	vld.idx.msk [tilespmem:v5+s14+$0x0], $0xffff  }
0xaf: {  	v5 =	vshll.u32 v5, $0x5  }
0xb0: {  	v4 =	vadd.s32 v4, v5  }
0xb1: {  	v5 =	vmul.f32 v6, v7;
	_ =	sdelay $0x1  }
0xb2: {  	v5 =	vmul.f32 v8, v5;
	_ =	sdelay $0x1  }
0xb3: {  	[tilespmem:v4+s15+$0x0] =	vst.idx.add.f32.msk $0xffff, v5  }
0xb4: {  	v4 =	vld [tilespmem:$0x3C80];
	_ =	sdelay $0x4  }
0xb5: {  	v4 =	vmul.f32 v4, v4;
	_ =	sdelay $0x1  }
0xb6: {  	[tilespmem:v0+s15+$0x0] =	vst.idx.add.f32.msk $0xffff, v4  }
0xb7: {  	v4 =	vld [tilespmem:$0x3C90];
	_ =	sdelay $0x4  }
0xb8: {  	v4 =	vmul.f32 v4, v4;
	_ =	sdelay $0x1  }
0xb9: {  	[tilespmem:v3+s15+$0x0] =	vst.idx.add.f32.msk $0xffff, v4  }
0xba: {  	s31 =	simm.s32 $0x4;
	v4 =	vld [tilespmem:$0x1F0]  }
0xbb: {  	v8 =	vld [tilespmem:s31+$0x0]  }
0xbc: {  	v6 =	vld [tilespmem:s31+$0xFFFFFFFC]  }
0xbd: {  	v7 =	vld [tilespmem:$0x1E0]  }
0xbe: {  	s22 =	simm.s32 $0x30;
	s21 =	simm.s32 $0x4120;
	s20 =	simm.s32 $0x4120;
	v5 =	vld [tilespmem:$0x200]  }
.LBB2_7:
0xbf: {  	p0 =	sne.s32 s22, $0x130  }
0xc0: {  	v9 =	vld [tilespmem:$0x210];
	s21 =	sadd.s32 $0x40, s21;
	s23 =	smov.u32 s22;
	s22 =	sadd.s32 $0x20, s22  }
0xc1: {  	v10 =	vbroadcast v8, $0x1;
	v11 =	vbroadcast v8, $0x3  }
0xc2: {  	v13 =	vbroadcast v8, $0x0;
	v12 =	vbroadcast v6, $0x0;
	v14 =	vld [tilespmem:$0x220]  }
0xc3: {  	v8 =	vbroadcast v8, $0x2;
	v16 =	vbroadcast v6, $0x2;
	v15 =	vld [tilespmem:$0x230]  }
0xc4: {  	v17 =	vmul.f32 v7, v12;
	v12 =	vmul.f32 v4, v12;
	v18 =	vld [tilespmem:$0x240]  }
0xc5: {  	v19 =	vbroadcast v6, $0x1;
	v7 =	vmul.f32 v7, v13  }
0xc6: {  	v6 =	vbroadcast v6, $0x3;
	v17 =	vadd.f32 $0.0e+00, v17;
	v12 =	vadd.f32 $0.0e+00, v12  }
0xc7: {  	s23 =	sshra.s32 s23, $0x2;
	v4 =	vmul.f32 v4, v13;
	v13 =	vmul.f32 v5, v10;
	v7 =	vadd.f32 $0.0e+00, v7  }
0xc8: {  	v5 =	vmul.f32 v5, v19;
	v20 =	vmul.f32 v15, v16  }
0xc9: {  	v7 =	vadd.f32 v13, v7;
	v13 =	vmul.f32 v14, v8;
	v21 =	vld [tilespmem:$0x250];
	v22 =	vmul.f32 v18, v6  }
0xca: {  	v5 =	vadd.f32 v5, v17;
	v17 =	vmul.f32 v9, v19;
	v14 =	vmul.f32 v14, v16  }
0xcb: {  	v4 =	vadd.f32 $0.0e+00, v4;
	v9 =	vmul.f32 v9, v10;
	v7 =	vadd.f32 v13, v7  }
0xcc: {  	v10 =	vadd.f32 v17, v12;
	v5 =	vadd.f32 v14, v5;
	v12 =	vmul.f32 v18, v11  }
0xcd: {  	v8 =	vmul.f32 v15, v8;
	v4 =	vadd.f32 v9, v4  }
0xce: {  	v9 =	vadd.f32 v20, v10;
	v7 =	vadd.f32 v12, v7;
	v6 =	vmul.f32 v21, v6  }
0xcf: {  	v4 =	vadd.f32 v8, v4;
	v5 =	vadd.f32 v22, v5;
	v8 =	vmul.f32 v21, v11  }
0xd0: {  	v6 =	vadd.f32 v6, v9;
	[tilespmem:s20+$0x0] =	vst v7  }
0xd1: {  	v4 =	vadd.f32 v8, v4;
	[tilespmem:s20+$0xFFFFFFE0] =	vst v5  }
0xd2: {  	[tilespmem:s20+$0xFFFFFFF0] =	vst v6  }
0xd3: {  	[tilespmem:s20+$0x10] =	vst v4;
	s20 =	smov.u32 s21  }
.Ltmp3:
0xd4: {  	v4 =	vld [tilespmem:$0x1F0];
	(pc) =	sbr.rel @p0 .LBB2_7-.Ltmp3, $4  }
0xd5: {  	v8 =	vld [tilespmem:s23+$0x0]  }
0xd6: {  	v6 =	vld [tilespmem:s23+$0xFFFFFFFC]  }
0xd7: {  	v7 =	vld [tilespmem:$0x1E0]  }
0xd8: {  	v5 =	vld [tilespmem:$0x200]  }
0xd9: {  	_ = 	snop  }
0xda: {  	v10 =	vbroadcast v8, $0x1  }
0xdb: {  	v9 =	vld [tilespmem:$0x210];
	v12 =	vbroadcast v8, $0x3;
	v13 =	vbroadcast v8, $0x0  }
0xdc: {  	v15 =	vld [tilespmem:$0x230];
	v8 =	vbroadcast v8, $0x2;
	v11 =	vbroadcast v6, $0x0  }
0xdd: {  	v18 =	vld [tilespmem:$0x240];
	v16 =	vbroadcast v6, $0x2;
	v19 =	vbroadcast v6, $0x1  }
0xde: {  	v14 =	vld [tilespmem:$0x220];
	v17 =	vmul.f32 v7, v11;
	v7 =	vmul.f32 v7, v13  }
0xdf: {  	v6 =	vbroadcast v6, $0x3;
	v11 =	vmul.f32 v4, v11  }
0xe0: {  	v20 =	vmul.f32 v5, v10;
	v4 =	vmul.f32 v4, v13;
	v7 =	vadd.f32 $0.0e+00, v7  }
0xe1: {  	v5 =	vmul.f32 v5, v19;
	v13 =	vmul.f32 v15, v16;
	v17 =	vadd.f32 $0.0e+00, v17  }
0xe2: {  	v21 =	vld [tilespmem:$0x250];
	v22 =	vmul.f32 v18, v6;
	v11 =	vadd.f32 $0.0e+00, v11;
	v7 =	vadd.f32 v20, v7  }
0xe3: {  	v20 =	vmul.f32 v14, v8;
	v5 =	vadd.f32 v5, v17;
	v17 =	vmul.f32 v9, v19  }
0xe4: {  	v4 =	vadd.f32 $0.0e+00, v4;
	v14 =	vmul.f32 v14, v16;
	v9 =	vmul.f32 v9, v10  }
0xe5: {  	v7 =	vadd.f32 v20, v7;
	v10 =	vadd.f32 v17, v11;
	v11 =	vmul.f32 v18, v12  }
0xe6: {  	v8 =	vmul.f32 v15, v8;
	v5 =	vadd.f32 v14, v5;
	v4 =	vadd.f32 v9, v4  }
0xe7: {  	v6 =	vmul.f32 v21, v6;
	v9 =	vadd.f32 v13, v10;
	v7 =	vadd.f32 v11, v7  }
0xe8: {  	v4 =	vadd.f32 v8, v4;
	v5 =	vadd.f32 v22, v5;
	v8 =	vmul.f32 v21, v12  }
0xe9: {  	v6 =	vadd.f32 v6, v9;
	[tilespmem:s20+$0x0] =	vst v7  }
0xea: {  	v4 =	vadd.f32 v8, v4;
	[tilespmem:s20+$0xFFFFFFE0] =	vst v5  }
0xeb: {  	[tilespmem:s20+$0xFFFFFFF0] =	vst v6  }
0xec: {  	[tilespmem:s20+$0x10] =	vst v4  }
0xed: {  	v4 =	vld [tilespmem:$0x6E0]  }
0xee: {  	s20 =	simm.s32 $0x0;
	v5 =	vld [tilespmem:$0x6F0]  }
0xef: {  	v13 =	vld [tilespmem:s20+$0x3D00]  }
0xf0: {  	v14 =	vld [tilespmem:s20+$0x3D20];
	_ =	sdelay $0x1  }
0xf1: {  	v6 =	vld [tilespmem:s20+$0x3D30]  }
0xf2: {  	v4 =	vmul.f32 $9.999949930e-01, v4;
	v5 =	vmul.f32 $9.999949930e-01, v5  }
0xf3: {  	v11 =	vbroadcast v13, $0x4;
	v16 =	vbroadcast v13, $0xD  }
0xf4: {  	v10 =	vbroadcast v13, $0x1;
	v12 =	vbroadcast v14, $0xC  }
0xf5: {  	v15 =	vbroadcast v14, $0x0;
	v17 =	vbroadcast v13, $0x7  }
0xf6: {  	v18 =	vbroadcast v14, $0x4;
	v7 =	vbroadcast v6, $0x2  }
0xf7: {  	v19 =	vld [tilespmem:$0x4130];
	v20 =	vbroadcast v13, $0x9;
	v9 =	vbroadcast v6, $0x1  }
0xf8: {  	v21 =	vld [tilespmem:$0x4110];
	v22 =	vbroadcast v14, $0x3;
	v23 =	vbroadcast v13, $0xB  }
0xf9: {  	v24 =	vld [tilespmem:$0x4120];
	v25 =	vbroadcast v14, $0x1;
	v27 =	vbroadcast v14, $0x9  }
0xfa: {  	v28 =	vld [tilespmem:$0x4150];
	v26 =	vbroadcast v13, $0x0;
	v29 =	vbroadcast v14, $0x2  }
0xfb: {  	v30 =	vld [tilespmem:$0x4170];
	v31 =	vbroadcast v14, $0x6;
	v32 =	vbroadcast v13, $0x8  }
0xfc: {  	v33 =	vld [tilespmem:$0x4140];
	v34 =	vbroadcast v13, $0x2;
	v35 =	vbroadcast v14, $0x8  }
0xfd: {  	v36 =	vld [tilespmem:$0x4100];
	v37 =	vbroadcast v13, $0x3;
	v39 =	vbroadcast v14, $0x7  }
0xfe: {  	v38 =	vld [tilespmem:$0x4190];
	v42 =	vbroadcast v13, $0x6;
	v62 =	vbroadcast v13, $0x5  }
0xff: {  	v41 =	vld [tilespmem:$0x4180];
	v63 =	vbroadcast v14, $0x5;
	v40 =	vmul.f32 v19, v10  }
0x100: {  	v8 =	vld [tilespmem:$0x6D0];
	v43 =	vmul.f32 v24, v10;
	v44 =	vmul.f32 v28, v34  }
0x101: {  	v46 =	vld [tilespmem:$0x41D0];
	v28 =	vmul.f32 v28, v29;
	v45 =	vmul.f32 v30, v37  }
0x102: {  	v49 =	vld [tilespmem:$0x4160];
	v47 =	vmul.f32 v21, v15;
	v34 =	vmul.f32 v33, v34  }
0x103: {  	v52 =	vld [tilespmem:$0x41F0];
	v15 =	vmul.f32 v36, v15;
	v50 =	vmul.f32 v38, v11  }
0x104: {  	v60 =	vld [tilespmem:$0x41B0];
	v19 =	vmul.f32 v19, v25;
	v51 =	vmul.f32 v41, v18  }
0x105: {  	v61 =	vld [tilespmem:$0x41E0];
	v21 =	vmul.f32 v21, v26;
	v18 =	vmul.f32 v38, v18  }
0x106: {  	v53 =	vld [tilespmem:$0x4210];
	v26 =	vmul.f32 v36, v26;
	v38 =	vmul.f32 v46, v42  }
0x107: {  	v57 =	vld [tilespmem:$0x4230];
	v29 =	vmul.f32 v33, v29;
	v11 =	vmul.f32 v41, v11  }
0x108: {  	v59 =	vld [tilespmem:$0x4200];
	v30 =	vmul.f32 v30, v22;
	v54 =	vmul.f32 v52, v17  }
0x109: {  	v10 =	vld [tilespmem:$0x6C0];
	v56 =	vmul.f32 v46, v31;
	v58 =	vmul.f32 v49, v37  }
0x10a: {  	v36 =	vld [tilespmem:$0x41C0];
	v17 =	vmul.f32 v61, v17;
	v33 =	vmul.f32 v60, v62  }
0x10b: {  	v48 =	vld [tilespmem:$0x41A0];
	v37 =	vmul.f32 v61, v39;
	v61 =	vmul.f32 v53, v35;
	v47 =	vadd.f32 v47, v8  }
0x10c: {  	v24 =	vmul.f32 v24, v25;
	v22 =	vmul.f32 v49, v22;
	v21 =	vadd.f32 v21, v8  }
0x10d: {  	v46 =	vmul.f32 v57, v27;
	v35 =	vmul.f32 v59, v35;
	v19 =	vadd.f32 v19, v47  }
0x10e: {  	v21 =	vadd.f32 v40, v21;
	v40 =	vmul.f32 v60, v63;
	v60 =	vmul.f32 v53, v32  }
0x10f: {  	v26 =	vadd.f32 v26, v10;
	v31 =	vmul.f32 v36, v31;
	v15 =	vadd.f32 v15, v10  }
0x110: {  	v36 =	vmul.f32 v36, v42;
	v19 =	vadd.f32 v28, v19;
	v28 =	vmul.f32 v48, v63  }
0x111: {  	v49 =	vld [tilespmem:$0x4250];
	v21 =	vadd.f32 v44, v21;
	v44 =	vmul.f32 v52, v39;
	v26 =	vadd.f32 v43, v26  }
0x112: {  	v15 =	vadd.f32 v24, v15;
	v19 =	vadd.f32 v30, v19;
	v30 =	vmul.f32 v48, v62;
	v62 =	vld [tilespmem:$0x4220]  }
0x113: {  	v63 =	vmul.f32 v57, v20;
	v24 =	vbroadcast v13, $0xA;
	v21 =	vadd.f32 v45, v21  }
0x114: {  	v48 =	vmul.f32 v59, v32;
	v26 =	vadd.f32 v34, v26;
	v15 =	vadd.f32 v29, v15  }
0x115: {  	v55 =	vld [tilespmem:$0x4270];
	v29 =	vbroadcast v14, $0xA;
	v18 =	vadd.f32 v18, v19;
	v21 =	vadd.f32 v50, v21  }
0x116: {  	v57 =	vmul.f32 v49, v24;
	v19 =	vadd.f32 v58, v26;
	v26 =	vld [tilespmem:$0x4240];
	v15 =	vadd.f32 v22, v15  }
0x117: {  	v52 =	vld [tilespmem:$0x4260];
	v59 =	vmul.f32 v49, v29;
	v18 =	vadd.f32 v40, v18;
	v25 =	vmul.f32 v62, v20  }
0x118: {  	v53 =	vld [tilespmem:$0x4280];
	v20 =	vbroadcast v14, $0xB;
	v11 =	vadd.f32 v11, v19;
	v19 =	vadd.f32 v33, v21  }
0x119: {  	v15 =	vadd.f32 v51, v15;
	v58 =	vmul.f32 v62, v27;
	v18 =	vadd.f32 v56, v18  }
0x11a: {  	v27 =	vld [tilespmem:$0x4290];
	v56 =	vbroadcast v13, $0xC;
	v11 =	vadd.f32 v30, v11;
	v22 =	vadd.f32 v38, v19  }
0x11b: {  	v28 =	vadd.f32 v28, v15;
	v21 =	vmul.f32 v26, v24;
	v26 =	vmul.f32 v26, v29  }
0x11c: {  	v19 =	vld [tilespmem:$0x42A0];
	v18 =	vadd.f32 v44, v18;
	v24 =	vmul.f32 v52, v23;
	v29 =	vmul.f32 v55, v20  }
0x11d: {  	v32 =	vld [tilespmem:$0x42B0];
	v30 =	vadd.f32 v54, v22;
	v22 =	vmul.f32 v53, v56;
	v11 =	vadd.f32 v36, v11  }
0x11e: {  	v15 =	vld [tilespmem:s20+$0x3D10];
	v28 =	vadd.f32 v31, v28;
	v42 =	vadd.f32 v61, v18;
	v18 =	vbroadcast v6, $0x0  }
0x11f: {  	v31 =	vmul.f32 v27, v12;
	v34 =	vmul.f32 v27, v56;
	v30 =	vadd.f32 v60, v30  }
0x120: {  	v60 =	vmul.f32 v55, v23;
	v62 =	vadd.f32 v17, v11;
	v17 =	vadd.f32 v37, v28  }
0x121: {  	v28 =	vmul.f32 v53, v12;
	v23 =	vmul.f32 v19, v16;
	v61 =	vadd.f32 v63, v30  }
0x122: {  	v33 =	vld [tilespmem:$0x42D0];
	v27 =	vadd.f32 v46, v42;
	v16 =	vmul.f32 v32, v16;
	v30 =	vmul.f32 v52, v20  }
0x123: {  	v11 =	vld [tilespmem:$0x700];
	v35 =	vadd.f32 v35, v17;
	v20 =	vbroadcast v15, $0x0;
	v63 =	vadd.f32 v57, v61  }
0x124: {  	v12 =	vld [tilespmem:$0x710];
	v17 =	vbroadcast v15, $0x1;
	v39 =	vadd.f32 v48, v62;
	v36 =	vadd.f32 v59, v27  }
0x125: {  	s21 =	simm.s32 $0x100;
	v27 =	vbroadcast v13, $0xE;
	v38 =	vadd.f32 v58, v35;
	v35 =	vld [tilespmem:$0x42F0];
	v37 =	vadd.f32 v60, v63  }
.LBB2_9:
0x126: {  	p0 =	sne.s32 s21, $0x900;
	v25 =	vadd.f32 v25, v39;
	v39 =	vbroadcast v14, $0xD;
	v40 =	vbroadcast v14, $0xF;
	s22 =	smov.u32 s21;
	s21 =	sadd.s32 $0x100, s21  }
0x127: {  	v29 =	vadd.f32 v29, v36;
	v26 =	vadd.f32 v26, v38;
	v36 =	vmul.f32 v33, v27;
	v38 =	vld [tilespmem:$0x4310]  }
0x128: {  	v14 =	vbroadcast v14, $0xE;
	v13 =	vbroadcast v13, $0xF;
	v34 =	vadd.f32 v34, v37  }
0x129: {  	v29 =	vadd.f32 v31, v29;
	v26 =	vadd.f32 v30, v26;
	v30 =	vmul.f32 v32, v39;
	v31 =	vld [tilespmem:$0x4330]  }
0x12a: {  	v21 =	vadd.f32 v21, v25;
	v25 =	vmul.f32 v35, v13;
	v32 =	vmul.f32 v35, v40  }
0x12b: {  	v16 =	vadd.f32 v16, v34;
	v29 =	vadd.f32 v30, v29;
	v30 =	vmul.f32 v33, v14;
	v33 =	vld [tilespmem:$0x4350]  }
0x12c: {  	v21 =	vadd.f32 v24, v21;
	v24 =	vadd.f32 v28, v26;
	v26 =	vld [tilespmem:$0x42C0];
	v28 =	vmul.f32 v38, v20  }
0x12d: {  	v16 =	vadd.f32 v36, v16;
	v29 =	vadd.f32 v30, v29;
	v30 =	vmul.f32 v38, v18  }
0x12e: {  	v35 =	vbroadcast v15, $0x2;
	v21 =	vadd.f32 v22, v21;
	v22 =	vld [tilespmem:$0x42E0];
	v34 =	vmul.f32 v31, v17  }
0x12f: {  	v19 =	vmul.f32 v19, v39;
	v16 =	vadd.f32 v25, v16;
	v25 =	vadd.f32 v32, v29;
	v29 =	vld [tilespmem:$0x4370]  }
0x130: {  	v21 =	vadd.f32 v23, v21;
	v31 =	vmul.f32 v31, v9;
	v23 =	vld [tilespmem:$0x4300];
	v32 =	vmul.f32 v33, v35  }
0x131: {  	v16 =	vadd.f32 v28, v16;
	v27 =	vmul.f32 v26, v27;
	v25 =	vadd.f32 v30, v25  }
0x132: {  	v15 =	vbroadcast v15, $0x3;
	v19 =	vadd.f32 v19, v24;
	v14 =	vmul.f32 v26, v14  }
0x133: {  	v21 =	vadd.f32 v27, v21;
	v24 =	vmul.f32 v22, v40;
	v26 =	vld [tilespmem:$0x4320];
	v27 =	vmul.f32 v33, v7  }
0x134: {  	v14 =	vadd.f32 v14, v19;
	v13 =	vmul.f32 v22, v13;
	v19 =	vmul.f32 v29, v15  }
0x135: {  	v16 =	vadd.f32 v34, v16;
	v22 =	vadd.f32 v31, v25;
	v18 =	vmul.f32 v23, v18;
	v25 =	vld [tilespmem:$0x4340]  }
0x136: {  	v13 =	vadd.f32 v13, v21;
	v14 =	vadd.f32 v24, v14;
	v20 =	vmul.f32 v23, v20  }
0x137: {  	v6 =	vbroadcast v6, $0x3;
	v16 =	vadd.f32 v32, v16;
	v21 =	vadd.f32 v27, v22;
	v22 =	vld [tilespmem:$0x4360]  }
0x138: {  	v13 =	vadd.f32 v20, v13;
	v14 =	vadd.f32 v18, v14;
	v17 =	vmul.f32 v26, v17  }
0x139: {  	v16 =	vadd.f32 v19, v16;
	v18 =	vmul.f32 v29, v6;
	v9 =	vmul.f32 v26, v9  }
0x13a: {  	v13 =	vadd.f32 v17, v13;
	v17 =	vmul.f32 v25, v35;
	v7 =	vmul.f32 v25, v7  }
0x13b: {  	v16 =	vmax.f32 v16, $0.0e+00;
	v9 =	vadd.f32 v9, v14;
	v14 =	vadd.f32 v18, v21  }
0x13c: {  	v16 =	vmul.f32 v16, v5;
	v13 =	vadd.f32 v17, v13;
	v15 =	vmul.f32 v22, v15  }
0x13d: {  	v7 =	vadd.f32 v7, v9;
	v6 =	vmul.f32 v22, v6;
	v9 =	vmax.f32 v14, $0.0e+00  }
0x13e: {  	v9 =	vmul.f32 v9, v5;
	v13 =	vadd.f32 v15, v13  }
0x13f: {  	v6 =	vadd.f32 v6, v7;
	v7 =	vadd.f32 v16, v12  }
0x140: {  	s22 =	sshra.s32 s22, $0x2;
	v9 =	vadd.f32 v9, v12;
	v14 =	vmax.f32 v13, $0.0e+00  }
0x141: {  	v6 =	vmax.f32 v6, $0.0e+00;
	v13 =	vld [tilespmem:s22+$0x3D00];
	v16 =	vmul.f32 v14, v4;
	[tilespmem:s20+$0x4390] =	vst v7  }
0x142: {  	v7 =	vmul.f32 v6, v4;
	v14 =	vld [tilespmem:s22+$0x3D20];
	[tilespmem:s20+$0x43B0] =	vst v9  }
0x143: {  	v15 =	vld [tilespmem:s22+$0x3D10];
	v9 =	vadd.f32 v16, v11  }
0x144: {  	v7 =	vadd.f32 v7, v11;
	v6 =	vld [tilespmem:s22+$0x3D30]  }
0x145: {  	[tilespmem:s20+$0x4380] =	vst v9  }
0x146: {  	v19 =	vbroadcast v13, $0x4;
	v16 =	vbroadcast v13, $0xD;
	[tilespmem:s20+$0x43A0] =	vst v7;
	s20 =	smov.u32 s22  }
0x147: {  	v21 =	vbroadcast v13, $0x1;
	v17 =	vbroadcast v14, $0xC  }
0x148: {  	v23 =	vbroadcast v13, $0x7;
	v22 =	vbroadcast v14, $0x0  }
0x149: {  	v25 =	vbroadcast v14, $0x4;
	v24 =	vld [tilespmem:$0x4130];
	v7 =	vbroadcast v6, $0x2  }
0x14a: {  	v27 =	vbroadcast v13, $0x9;
	v9 =	vbroadcast v6, $0x1;
	v26 =	vld [tilespmem:$0x4190]  }
0x14b: {  	v18 =	vbroadcast v13, $0xB;
	v29 =	vbroadcast v14, $0x3;
	v28 =	vld [tilespmem:$0x4110]  }
0x14c: {  	v31 =	vbroadcast v14, $0x1;
	v20 =	vbroadcast v14, $0x9;
	v30 =	vld [tilespmem:$0x4120]  }
0x14d: {  	v32 =	vbroadcast v13, $0x0;
	v34 =	vbroadcast v14, $0x2;
	v33 =	vld [tilespmem:$0x4150]  }
0x14e: {  	v37 =	vbroadcast v13, $0x8;
	v36 =	vbroadcast v14, $0x6;
	v35 =	vld [tilespmem:$0x4170]  }
0x14f: {  	v39 =	vbroadcast v13, $0x2;
	v40 =	vbroadcast v14, $0x8;
	v38 =	vld [tilespmem:$0x4140]  }
0x150: {  	v42 =	vbroadcast v13, $0x3;
	v43 =	vbroadcast v14, $0x7;
	v41 =	vld [tilespmem:$0x4100]  }
0x151: {  	v46 =	vbroadcast v13, $0x6;
	v44 =	vmul.f32 v24, v21;
	v45 =	vld [tilespmem:$0x4180]  }
0x152: {  	v21 =	vmul.f32 v30, v21;
	v47 =	vmul.f32 v33, v39;
	v48 =	vld [tilespmem:$0x4210]  }
0x153: {  	v33 =	vmul.f32 v33, v34;
	v49 =	vmul.f32 v35, v42;
	v50 =	vld [tilespmem:$0x41D0]  }
0x154: {  	v51 =	vmul.f32 v28, v22;
	v39 =	vmul.f32 v38, v39;
	v52 =	vld [tilespmem:$0x41A0]  }
0x155: {  	v54 =	vmul.f32 v26, v19;
	v22 =	vmul.f32 v41, v22;
	v53 =	vld [tilespmem:$0x4160]  }
0x156: {  	v24 =	vmul.f32 v24, v31;
	v51 =	vadd.f32 v51, v8;
	v55 =	vmul.f32 v45, v25;
	v56 =	vld [tilespmem:$0x41F0]  }
0x157: {  	v28 =	vmul.f32 v28, v32;
	v25 =	vmul.f32 v26, v25  }
0x158: {  	v24 =	vadd.f32 v24, v51;
	v26 =	vmul.f32 v41, v32;
	v32 =	vld [tilespmem:$0x41C0];
	v41 =	vmul.f32 v50, v46  }
0x159: {  	v28 =	vadd.f32 v28, v8;
	v34 =	vmul.f32 v38, v34;
	v19 =	vmul.f32 v45, v19;
	v38 =	vld [tilespmem:$0x41B0]  }
0x15a: {  	v35 =	vmul.f32 v35, v29;
	v45 =	vbroadcast v13, $0x5;
	v26 =	vadd.f32 v26, v10;
	v51 =	vld [tilespmem:$0x41E0]  }
0x15b: {  	v28 =	vadd.f32 v44, v28;
	v44 =	vbroadcast v14, $0x5;
	v57 =	vmul.f32 v56, v23  }
0x15c: {  	v24 =	vadd.f32 v33, v24;
	v21 =	vadd.f32 v21, v26;
	v26 =	vmul.f32 v50, v36  }
0x15d: {  	v28 =	vadd.f32 v47, v28;
	v33 =	vmul.f32 v52, v44;
	v36 =	vmul.f32 v32, v36  }
0x15e: {  	v21 =	vadd.f32 v39, v21;
	v39 =	vmul.f32 v38, v44;
	v44 =	vmul.f32 v56, v43;
	v47 =	vld [tilespmem:$0x4230]  }
0x15f: {  	v28 =	vadd.f32 v49, v28;
	v42 =	vmul.f32 v53, v42;
	v49 =	vmul.f32 v51, v23  }
0x160: {  	v23 =	vmul.f32 v38, v45;
	v38 =	vmul.f32 v51, v43;
	v43 =	vld [tilespmem:$0x4200]  }
0x161: {  	v24 =	vadd.f32 v35, v24;
	v35 =	vmul.f32 v52, v45;
	v45 =	vmul.f32 v48, v37  }
0x162: {  	v22 =	vadd.f32 v22, v10;
	v32 =	vmul.f32 v32, v46;
	v46 =	vmul.f32 v48, v40;
	v48 =	vld [tilespmem:$0x4220]  }
0x163: {  	v30 =	vmul.f32 v30, v31;
	v24 =	vadd.f32 v25, v24;
	v31 =	vmul.f32 v47, v27  }
0x164: {  	v29 =	vmul.f32 v53, v29;
	v21 =	vadd.f32 v42, v21;
	v42 =	vmul.f32 v47, v20;
	v47 =	vld [tilespmem:$0x4240]  }
0x165: {  	v24 =	vadd.f32 v39, v24;
	v37 =	vmul.f32 v43, v37;
	v39 =	vmul.f32 v43, v40;
	v40 =	vld [tilespmem:$0x4250]  }
0x166: {  	v22 =	vadd.f32 v30, v22;
	v30 =	vbroadcast v13, $0xA;
	v28 =	vadd.f32 v54, v28;
	v43 =	vld [tilespmem:$0x4260]  }
0x167: {  	v50 =	vbroadcast v14, $0xB;
	v24 =	vadd.f32 v26, v24;
	v25 =	vmul.f32 v48, v27;
	v27 =	vld [tilespmem:$0x4270]  }
0x168: {  	v22 =	vadd.f32 v34, v22;
	v34 =	vbroadcast v14, $0xA;
	v19 =	vadd.f32 v19, v21;
	v51 =	vld [tilespmem:$0x4280]  }
0x169: {  	v23 =	vadd.f32 v23, v28;
	v28 =	vbroadcast v13, $0xC;
	v21 =	vmul.f32 v47, v30  }
0x16a: {  	v22 =	vadd.f32 v29, v22;
	v29 =	vadd.f32 v44, v24;
	v26 =	vmul.f32 v47, v34  }
0x16b: {  	v35 =	vadd.f32 v35, v19;
	v23 =	vadd.f32 v41, v23;
	v41 =	vmul.f32 v40, v30;
	v19 =	vld [tilespmem:$0x42A0]  }
0x16c: {  	v44 =	vmul.f32 v48, v20;
	v30 =	vadd.f32 v55, v22;
	v24 =	vmul.f32 v43, v18;
	v20 =	vld [tilespmem:$0x4290]  }
0x16d: {  	v23 =	vadd.f32 v57, v23;
	v40 =	vmul.f32 v40, v34;
	v22 =	vmul.f32 v51, v28  }
0x16e: {  	v30 =	vadd.f32 v33, v30;
	v33 =	vadd.f32 v46, v29;
	v29 =	vmul.f32 v27, v50  }
0x16f: {  	v34 =	vadd.f32 v32, v35;
	v32 =	vadd.f32 v45, v23;
	v35 =	vmul.f32 v27, v18  }
0x170: {  	v18 =	vbroadcast v6, $0x0;
	v27 =	vadd.f32 v36, v30;
	v23 =	vmul.f32 v19, v16  }
0x171: {  	v36 =	vadd.f32 v31, v32;
	v30 =	vmul.f32 v43, v50;
	v31 =	vmul.f32 v20, v17;
	v32 =	vld [tilespmem:$0x42B0]  }
.Ltmp4:
0x172: {  	v43 =	vadd.f32 v49, v34;
	v27 =	vadd.f32 v38, v27;
	v34 =	vmul.f32 v20, v28;
	(pc) =	sbr.rel @p0 .LBB2_9-.Ltmp4, $4  }
0x173: {  	v38 =	vadd.f32 v42, v33;
	v41 =	vadd.f32 v41, v36;
	v28 =	vmul.f32 v51, v17;
	v33 =	vld [tilespmem:$0x42D0]  }
0x174: {  	v20 =	vbroadcast v15, $0x0;
	v17 =	vbroadcast v15, $0x1;
	v42 =	vadd.f32 v39, v27  }
0x175: {  	v39 =	vadd.f32 v37, v43;
	v36 =	vadd.f32 v40, v38;
	v27 =	vbroadcast v13, $0xE  }
0x176: {  	v37 =	vadd.f32 v35, v41;
	v38 =	vadd.f32 v44, v42;
	v16 =	vmul.f32 v32, v16;
	v35 =	vld [tilespmem:$0x42F0]  }
0x177: {  	v10 =	vbroadcast v14, $0xD  }
0x178: {  	v8 =	vadd.f32 v25, v39;
	v53 =	vbroadcast v14, $0xF;
	v56 =	vbroadcast v14, $0xE  }
0x179: {  	v29 =	vadd.f32 v29, v36;
	v55 =	vld [tilespmem:$0x4310];
	v13 =	vbroadcast v13, $0xF;
	v43 =	vbroadcast v15, $0x2  }
0x17a: {  	v58 =	vld [tilespmem:$0x4330];
	v50 =	vbroadcast v15, $0x3;
	v6 =	vbroadcast v6, $0x3;
	v26 =	vadd.f32 v26, v38  }
0x17b: {  	v62 =	vld [tilespmem:$0x4350];
	v54 =	vmul.f32 v33, v27;
	v34 =	vadd.f32 v34, v37;
	v29 =	vadd.f32 v31, v29  }
0x17c: {  	v41 =	vld [tilespmem:$0x42E0];
	v57 =	vmul.f32 v32, v10;
	v8 =	vadd.f32 v21, v8;
	v61 =	vmul.f32 v33, v56  }
0x17d: {  	v10 =	vmul.f32 v19, v10;
	v26 =	vadd.f32 v30, v26;
	v16 =	vadd.f32 v16, v34  }
0x17e: {  	v37 =	vld [tilespmem:$0x42C0];
	v59 =	vmul.f32 v35, v13;
	v60 =	vmul.f32 v35, v53;
	v29 =	vadd.f32 v57, v29  }
0x17f: {  	v8 =	vadd.f32 v24, v8;
	v39 =	vmul.f32 v55, v20;
	v40 =	vmul.f32 v55, v18  }
0x180: {  	v45 =	vld [tilespmem:$0x4370];
	v63 =	vadd.f32 v28, v26;
	v42 =	vmul.f32 v58, v17;
	v47 =	vmul.f32 v58, v9  }
0x181: {  	v46 =	vld [tilespmem:$0x4300];
	v48 =	vmul.f32 v62, v43;
	v25 =	vmul.f32 v41, v53;
	v8 =	vadd.f32 v22, v8  }
0x182: {  	v51 =	vld [tilespmem:$0x4320];
	v16 =	vadd.f32 v54, v16;
	v13 =	vmul.f32 v41, v13;
	v52 =	vmul.f32 v62, v7  }
0x183: {  	v29 =	vadd.f32 v61, v29;
	v49 =	vmul.f32 v37, v27;
	v8 =	vadd.f32 v23, v8  }
0x184: {  	v14 =	vmul.f32 v37, v56;
	v16 =	vadd.f32 v59, v16;
	v10 =	vadd.f32 v10, v63  }
0x185: {  	v53 =	vmul.f32 v45, v50;
	v44 =	vadd.f32 v60, v29;
	v8 =	vadd.f32 v49, v8  }
0x186: {  	v54 =	vld [tilespmem:$0x4340];
	v55 =	vmul.f32 v46, v20;
	v16 =	vadd.f32 v39, v16;
	v10 =	vadd.f32 v14, v10  }
0x187: {  	v58 =	vmul.f32 v51, v17;
	v19 =	vadd.f32 v40, v44;
	v8 =	vadd.f32 v13, v8  }
0x188: {  	v57 =	vld [tilespmem:$0x4360];
	v56 =	vmul.f32 v46, v18;
	v16 =	vadd.f32 v42, v16;
	v10 =	vadd.f32 v25, v10  }
0x189: {  	v9 =	vmul.f32 v51, v9;
	v19 =	vadd.f32 v47, v19;
	v8 =	vadd.f32 v55, v8  }
0x18a: {  	v61 =	vmul.f32 v45, v6;
	v16 =	vadd.f32 v48, v16;
	v10 =	vadd.f32 v56, v10  }
0x18b: {  	v60 =	vmul.f32 v54, v43;
	v59 =	vadd.f32 v52, v19;
	v8 =	vadd.f32 v58, v8  }
0x18c: {  	v7 =	vmul.f32 v54, v7;
	v9 =	vadd.f32 v9, v10;
	v10 =	vadd.f32 v53, v16  }
0x18d: {  	v62 =	vmul.f32 v57, v50;
	v63 =	vadd.f32 v61, v59;
	v8 =	vadd.f32 v60, v8  }
0x18e: {  	v6 =	vmul.f32 v57, v6;
	v7 =	vadd.f32 v7, v9  }
0x18f: {  	v9 =	vmax.f32 v10, $0.0e+00;
	v10 =	vmax.f32 v63, $0.0e+00;
	v8 =	vadd.f32 v62, v8  }
0x190: {  	v9 =	vmul.f32 v9, v5;
	v6 =	vadd.f32 v6, v7;
	v5 =	vmul.f32 v10, v5  }
0x191: {  	v7 =	vmax.f32 v8, $0.0e+00  }
0x192: {  	v6 =	vmax.f32 v6, $0.0e+00;
	v5 =	vadd.f32 v5, v12;
	v7 =	vmul.f32 v7, v4  }
0x193: {  	v8 =	vadd.f32 v9, v12;
	v4 =	vmul.f32 v6, v4  }
0x194: {  	[tilespmem:s20+$0x43B0] =	vst v5;
	v6 =	vadd.f32 v7, v11  }
0x195: {  	[tilespmem:s20+$0x4390] =	vst v8;
	v4 =	vadd.f32 v4, v11  }
0x196: {  	[tilespmem:s20+$0x4380] =	vst v6  }
0x197: {  	[tilespmem:s20+$0x43A0] =	vst v4  }
0x198: {  	v6 =	vld [tilespmem:s7+$0x3D00]  }
0x199: {  	s21 =	simm.s32 $0x4390  }
0x19a: {  	v7 =	vld [tilespmem:s21+$0x0]  }
0x19b: {  	s31 =	simm.s32 $0x0;
	v9 =	vld [tilespmem:s21+$0xFFFFFFF0]  }
0x19c: {  	v4 =	vmov s31  }
0x19d: {  	v10 =	vperm.xlane v6, v4;
	_ =	sdelay $0x1  }
0x19e: {  	v5 =	vimm.f32 $0.0e+00;
	s20 =	simm.s32 $0x1;
	s21 =	simm.s32 $0x43B0;
	v4 =	vld [tilespmem:s8+$0x3D00];
	v8 =	vmul.f32 v7, v10;
	v7 =	vimm.f32 $0.0e+00  }
.LBB2_11:
0x19f: {  	v11 =	vld [tilespmem:s21+$0x0];
	p0 =	sne.s32 s20, $0xF;
	v10 =	vmul.f32 v9, v10;
	s22 =	smov.u32 s20;
	s20 =	sadd.s32 $0x1, s20  }
.Ltmp5:
0x1a0: {  	v9 =	vld [tilespmem:s21+$0xFFFFFFF0];
	v5 =	vadd.f32 v8, v5;
	(pc) =	sbr.rel @p0 .LBB2_11-.Ltmp5, $3  }
0x1a1: {  	v8 =	vmov s22;
	v7 =	vadd.f32 v10, v7  }
0x1a2: {  	v10 =	vperm.xlane v6, v8;
	_ =	sdelay $0x1  }
0x1a3: {  	s21 =	sadd.s32 $0x20, s21;
	v8 =	vmul.f32 v11, v10  }
0x1a4: {  	v6 =	vld [tilespmem:$0x4580]  }
0x1a5: {  	v11 =	vld [tilespmem:$0x4590]  }
0x1a6: {  	v12 =	vld [tilespmem:$0x45A0]  }
0x1a7: {  	v9 =	vmul.f32 v9, v10;
	v10 =	vbroadcast v4, $0x0;
	v13 =	vld [tilespmem:$0x45B0]  }
0x1a8: {  	v14 =	vld [tilespmem:$0x45C0]  }
0x1a9: {  	v15 =	vld [tilespmem:$0x45D0];
	v7 =	vadd.f32 v9, v7;
	v9 =	vbroadcast v4, $0x1;
	v6 =	vmul.f32 v6, v10  }
0x1aa: {  	v5 =	vadd.f32 v8, v5;
	v8 =	vmul.f32 v11, v10;
	v10 =	vld [tilespmem:$0x45E0]  }
0x1ab: {  	v11 =	vbroadcast v4, $0x2;
	v6 =	vadd.f32 v6, v7;
	v7 =	vmul.f32 v12, v9;
	v12 =	vld [tilespmem:$0x45F0]  }
0x1ac: {  	v5 =	vadd.f32 v8, v5;
	v8 =	vmul.f32 v13, v9  }
0x1ad: {  	v6 =	vadd.f32 v7, v6;
	v7 =	vmul.f32 v14, v11  }
0x1ae: {  	s21 =	simm.s32 $0x470;
	v9 =	vbroadcast v4, $0x3;
	v4 =	vld [tilespmem:$0x720];
	v5 =	vadd.f32 v8, v5;
	v8 =	vmul.f32 v15, v11  }
0x1af: {  	v11 =	vld [tilespmem:s21+$0xFFFFFE00];
	v6 =	vadd.f32 v7, v6  }
0x1b0: {  	v8 =	vadd.f32 v8, v5;
	v5 =	vmul.f32 v10, v9;
	v7 =	vld [tilespmem:s21+$0xFFFFFDF0];
	v10 =	vmul.f32 v12, v9  }
0x1b1: {  	v9 =	vld [tilespmem:$0x730]  }
0x1b2: {  	s20 =	simm.s32 $0x0;
	v5 =	vadd.f32 v5, v6;
	v6 =	vadd.f32 v10, v8;
	v8 =	vld [tilespmem:s21+$0xFFFFFFF0]  }
0x1b3: {  	v12 =	vmov s20;
	v10 =	vld [tilespmem:s21+$0x0]  }
0x1b4: {  	v13 =	vperm.xlane v5, v12  }
0x1b5: {  	s20 =	simm.s32 $0x1;
	s21 =	simm.s32 $0x490;
	v12 =	vperm.xlane v6, v12  }
.LBB2_13:
0x1b6: {  	v14 =	vmul.f32 v7, v13;
	v7 =	vld [tilespmem:s21+$0xFFFFFDF0];
	v13 =	vmul.f32 v11, v13;
	s22 =	smov.u32 s20;
	p0 =	sne.s32 s20, $0xF  }
.Ltmp6:
0x1b7: {  	s20 =	sadd.s32 $0x1, s20;
	v11 =	vld [tilespmem:s21+$0xFFFFFE00];
	v15 =	vmul.f32 v8, v12;
	(pc) =	sbr.rel @p0 .LBB2_13-.Ltmp6, $4  }
0x1b8: {  	v8 =	vld [tilespmem:s21+$0xFFFFFFF0];
	v4 =	vadd.f32 v14, v4;
	v9 =	vadd.f32 v13, v9;
	v12 =	vmul.f32 v10, v12  }
0x1b9: {  	v14 =	vmov s22;
	v10 =	vld [tilespmem:s21+$0x0]  }
0x1ba: {  	v13 =	vperm.xlane v5, v14;
	v4 =	vadd.f32 v15, v4;
	v9 =	vadd.f32 v12, v9  }
0x1bb: {  	s21 =	sadd.s32 $0x20, s21;
	v12 =	vperm.xlane v6, v14  }
0x1bc: {  	v14 =	vld [tilespmem:$0x740]  }
0x1bd: {  	v15 =	vld [tilespmem:$0x760]  }
0x1be: {  	v16 =	vld [tilespmem:$0x750]  }
0x1bf: {  	v17 =	vld [tilespmem:$0x770];
	_ =	swait.ge [sflag:s16], $0x3000  }
0x1c0: {  	[sflag:s16] =	ssyncset.done $0x0  }
0x1c1: {  	[sflag:s16] =	ssyncadd.s32 $0xFFFFD000  }
0x1c2: {  	v5 =	vld [tilespmem:s7+$0x4380]  }
0x1c3: {  	v6 =	vld [tilespmem:s8+$0x4380]  }
0x1c4: {  	v18 =	vld [tilespmem:$0x780]  }
0x1c5: {  	v19 =	vld [tilespmem:$0x800]  }
0x1c6: {  	v20 =	vld [tilespmem:$0x790]  }
0x1c7: {  	v21 =	vld [tilespmem:$0x810]  }
0x1c8: {  	v22 =	vld [tilespmem:$0x7C0]  }
0x1c9: {  	v23 =	vld [tilespmem:$0x840]  }
0x1ca: {  	v24 =	vld [tilespmem:$0x7D0]  }
0x1cb: {  	v26 =	vld [tilespmem:$0x850]  }
0x1cc: {  	v27 =	vld [tilespmem:$0x7E0]  }
0x1cd: {  	v28 =	vld [tilespmem:$0x860]  }
0x1ce: {  	v29 =	vld [tilespmem:$0x7F0]  }
0x1cf: {  	v11 =	vmul.f32 v11, v13;
	s20 =	simm.s32 $0x1C80;
	v30 =	vld [tilespmem:$0x870]  }
0x1d0: {  	v7 =	vmul.f32 v7, v13;
	v25 =	vld [tilespmem:s20+$0x800]  }
0x1d1: {  	v9 =	vadd.f32 v11, v9;
	v11 =	vld [tilespmem:s20+$0x810]  }
0x1d2: {  	v8 =	vmul.f32 v8, v12;
	v10 =	vmul.f32 v10, v12;
	v4 =	vadd.f32 v7, v4;
	v31 =	vld [tilespmem:s20+$0x840]  }
0x1d3: {  	v32 =	vld [tilespmem:s20+$0x850]  }
0x1d4: {  	v33 =	vld [tilespmem:s20+$0x0];
	v7 =	vadd.f32 v10, v9;
	v4 =	vadd.f32 v8, v4  }
0x1d5: {  	v36 =	vld [tilespmem:s20+$0xFFFFF010];
	v8 =	vmul.f32 $9.999949930e-01, v16;
	v9 =	vmul.f32 $9.999949930e-01, v14  }
0x1d6: {  	s21 =	simm.s32 $0x0;
	v34 =	vld [tilespmem:s20+$0x10];
	v7 =	vmax.f32 v7, $0.0e+00;
	v4 =	vmax.f32 v4, $0.0e+00  }
0x1d7: {  	v7 =	vmul.f32 v8, v7;
	v4 =	vmul.f32 v9, v4;
	v8 =	vld [tilespmem:s20+$0xFFFFF000];
	v9 =	vmov s21  }
0x1d8: {  	v35 =	vld [tilespmem:s20+$0x40];
	v13 =	vperm.xlane v5, v9  }
0x1d9: {  	v37 =	vld [tilespmem:s20+$0xFFFFF800];
	v10 =	vadd.f32 v7, v17;
	v12 =	vadd.f32 v4, v15  }
0x1da: {  	v39 =	vld [tilespmem:s20+$0xFFFFF810];
	v19 =	vadd.f32 v19, v18;
	v15 =	vadd.f32 v26, v24;
	v24 =	vmul.f32 v36, v13  }
0x1db: {  	v16 =	vld [tilespmem:s20+$0x50];
	v38 =	vadd.f32 v21, v20;
	v4 =	vperm.xlane v10, v9;
	v7 =	vperm.xlane v12, v9  }
0x1dc: {  	v18 =	vadd.f32 v23, v22;
	v23 =	vld [tilespmem:s20+$0xFFFFF840];
	v9 =	vperm.xlane v6, v9;
	v21 =	vmul.f32 v8, v13  }
0x1dd: {  	v20 =	vld [tilespmem:s20+$0xFFFFF850];
	v25 =	vmul.f32 v25, v4;
	v22 =	vmul.f32 v11, v4  }
0x1de: {  	v26 =	vld [tilespmem:s20+$0xFFFFF050];
	v8 =	vadd.f32 v30, v29;
	v17 =	vmul.f32 v31, v4;
	v14 =	vmul.f32 v32, v4  }
0x1df: {  	v11 =	vadd.f32 v28, v27;
	v27 =	vld [tilespmem:s20+$0xFFFFF040];
	v30 =	vmul.f32 v37, v9;
	v28 =	vmul.f32 v33, v7  }
0x1e0: {  	v32 =	vmul.f32 v39, v9;
	v31 =	vadd.f32 v24, v38;
	v33 =	vadd.f32 v21, v19;
	v21 =	vld [tilespmem:s20+$0xFFFFF060]  }
0x1e1: {  	s21 =	simm.s32 $0x1;
	v29 =	vmul.f32 v34, v7;
	v24 =	vmul.f32 v35, v7;
	v19 =	vld [tilespmem:s20+$0xFFFFF070]  }
.LBB2_15:
0x1e2: {  	p0 =	sne.s32 s21, $0xF;
	v30 =	vadd.f32 v30, v33;
	v31 =	vadd.f32 v32, v31;
	v32 =	vld [tilespmem:s20+$0xFFFFF860];
	v16 =	vmul.f32 v16, v7  }
0x1e3: {  	v23 =	vmul.f32 v23, v9;
	v20 =	vmul.f32 v20, v9;
	v33 =	vld [tilespmem:s20+$0xFFFFF870]  }
0x1e4: {  	v27 =	vmul.f32 v27, v13;
	v28 =	vadd.f32 v28, v30;
	v29 =	vadd.f32 v29, v31;
	v30 =	vld [tilespmem:s20+$0x60]  }
0x1e5: {  	v26 =	vmul.f32 v26, v13;
	v21 =	vmul.f32 v21, v13;
	v31 =	vld [tilespmem:s20+$0x70]  }
0x1e6: {  	v13 =	vmul.f32 v19, v13;
	v19 =	vadd.f32 v25, v28;
	v29 =	vadd.f32 v22, v29;
	v22 =	vld [tilespmem:s20+$0x860]  }
0x1e7: {  	v18 =	vadd.f32 v27, v18;
	v15 =	vadd.f32 v26, v15;
	v25 =	vmul.f32 v32, v9;
	v26 =	vld [tilespmem:s20+$0x870];
	s20 =	sadd.s32 $0x80, s20  }
0x1e8: {  	v11 =	vadd.f32 v21, v11;
	v27 =	vld [tilespmem:s20+$0x800];
	v8 =	vadd.f32 v13, v8;
	v9 =	vmul.f32 v33, v9  }
0x1e9: {  	v13 =	vadd.f32 v23, v18;
	v15 =	vadd.f32 v20, v15;
	v21 =	vld [tilespmem:s20+$0x810];
	v18 =	vmul.f32 v30, v7  }
0x1ea: {  	v11 =	vadd.f32 v25, v11;
	v28 =	vld [tilespmem:s20+$0x840];
	v8 =	vadd.f32 v9, v8;
	v7 =	vmul.f32 v31, v7  }
0x1eb: {  	v9 =	vadd.f32 v24, v13;
	v13 =	vadd.f32 v16, v15;
	v30 =	vld [tilespmem:s20+$0x850];
	v16 =	vmul.f32 v22, v4  }
0x1ec: {  	v11 =	vadd.f32 v18, v11;
	v24 =	vld [tilespmem:s20+$0x0];
	v7 =	vadd.f32 v7, v8;
	v4 =	vmul.f32 v26, v4  }
0x1ed: {  	v18 =	vadd.f32 v17, v9;
	v15 =	vadd.f32 v14, v13;
	v34 =	vld [tilespmem:s20+$0x10]  }
0x1ee: {  	v11 =	vadd.f32 v16, v11;
	v35 =	vld [tilespmem:s20+$0x40];
	v8 =	vadd.f32 v4, v7  }
0x1ef: {  	v16 =	vld [tilespmem:s20+$0x50]  }
0x1f0: {  	v26 =	vld [tilespmem:s20+$0xFFFFF000]  }
0x1f1: {  	v9 =	vmov s21;
	v31 =	vld [tilespmem:s20+$0xFFFFF010]  }
0x1f2: {  	v7 =	vperm.xlane v12, v9;
	v4 =	vperm.xlane v10, v9;
	v32 =	vld [tilespmem:s20+$0xFFFFF800]  }
0x1f3: {  	v13 =	vperm.xlane v5, v9;
	v9 =	vperm.xlane v6, v9;
	v36 =	vld [tilespmem:s20+$0xFFFFF810]  }
0x1f4: {  	v25 =	vmul.f32 v27, v4;
	v22 =	vmul.f32 v21, v4;
	v23 =	vld [tilespmem:s20+$0xFFFFF840]  }
.Ltmp7:
0x1f5: {  	v17 =	vmul.f32 v28, v4;
	v14 =	vmul.f32 v30, v4;
	v20 =	vld [tilespmem:s20+$0xFFFFF850];
	(pc) =	sbr.rel @p0 .LBB2_15-.Ltmp7, $4  }
0x1f6: {  	v21 =	vmul.f32 v26, v13;
	v31 =	vmul.f32 v31, v13;
	v27 =	vld [tilespmem:s20+$0xFFFFF040]  }
0x1f7: {  	v28 =	vmul.f32 v24, v7;
	v26 =	vld [tilespmem:s20+$0xFFFFF050];
	v30 =	vmul.f32 v32, v9  }
0x1f8: {  	v33 =	vadd.f32 v21, v19;
	v31 =	vadd.f32 v31, v29;
	v21 =	vld [tilespmem:s20+$0xFFFFF060];
	v32 =	vmul.f32 v36, v9  }
0x1f9: {  	s21 =	sadd.s32 $0x1, s21;
	v24 =	vmul.f32 v35, v7;
	v29 =	vmul.f32 v34, v7;
	v19 =	vld [tilespmem:s20+$0xFFFFF070]  }
0x1fa: {  	v5 =	vadd.f32 v30, v33;
	_ =	sdelay $0x1  }
0x1fb: {  	v5 =	vadd.f32 v28, v5;
	_ =	sdelay $0x1  }
0x1fc: {  	v5 =	vadd.f32 v25, v5;
	_ =	sdelay $0x1  }
0x1fd: {  	v5 =	vsub.f32 $0.0e+00, v5;
	_ =	sdelay $0x1  }
0x1fe: {  	v5 =	vmul.f32 $1.442695020e+00, v5;
	_ =	sdelay $0x1  }
0x1ff: {  	(erf) = vpow2.f32 v5;
	_ =	sdelay $0x2  }
0x200: {  	v5 =	vadd.f32 v32, v31;
	_ =	sdelay $0x1  }
0x201: {  	v5 =	vadd.f32 v29, v5;
	_ =	sdelay $0x1  }
0x202: {  	v5 =	vadd.f32 v22, v5;
	_ =	sdelay $0x1  }
0x203: {  	v5 =	vsub.f32 $0.0e+00, v5;
	v6 =	vpop (erf)  }
0x204: {  	v6 =	vadd.f32 $1.000000000e+00, v6  }
0x205: {  	v5 =	vmul.f32 $1.442695020e+00, v5  }
0x206: {  	v10 =	vmul.f32 v27, v13;
	(erf) = vrcp.f32 v6  }
0x207: {  	(erf) = vpow2.f32 v5  }
0x208: {  	v6 =	vadd.f32 v10, v18;
	v5 =	vmul.f32 v23, v9;
	_ =	sdelay $0x1  }
0x209: {  	v5 =	vadd.f32 v5, v6;
	_ =	sdelay $0x1  }
0x20a: {  	v5 =	vadd.f32 v24, v5;
	_ =	sdelay $0x1  }
0x20b: {  	v5 =	vadd.f32 v17, v5  }
0x20c: {  	v6 =	vpop (erf)  }
0x20d: {  	v5 =	vmul.f32 $-2.000000000e+00, v5;
	v10 =	vpop (erf)  }
0x20e: {  	v10 =	vadd.f32 $1.000000000e+00, v10  }
0x20f: {  	v5 =	vmul.f32 $1.442695020e+00, v5  }
0x210: {  	v12 =	vmul.f32 v26, v13;
	(erf) = vrcp.f32 v10  }
0x211: {  	(erf) = vpow2.f32 v5  }
0x212: {  	v10 =	vadd.f32 v12, v15;
	v5 =	vmul.f32 v20, v9;
	_ =	sdelay $0x1  }
0x213: {  	v12 =	vmul.f32 v16, v7;
	v5 =	vadd.f32 v5, v10;
	_ =	sdelay $0x1  }
0x214: {  	v5 =	vadd.f32 v12, v5;
	_ =	sdelay $0x1  }
0x215: {  	v5 =	vadd.f32 v14, v5  }
0x216: {  	v10 =	vpop (erf)  }
0x217: {  	v12 =	vld [tilespmem:s20+$0xFFFFF860];
	v5 =	vmul.f32 $-2.000000000e+00, v5;
	v14 =	vpop (erf)  }
0x218: {  	v14 =	vadd.f32 $1.000000000e+00, v14  }
0x219: {  	v15 =	vld [tilespmem:s20+$0x60];
	v5 =	vmul.f32 $1.442695020e+00, v5  }
0x21a: {  	v16 =	vmul.f32 v21, v13;
	(erf) = vrcp.f32 v14;
	v14 =	vld [tilespmem:s20+$0x860]  }
0x21b: {  	(erf) = vpow2.f32 v5  }
0x21c: {  	v11 =	vadd.f32 v16, v11;
	v5 =	vmul.f32 v12, v9;
	_ =	sdelay $0x1  }
0x21d: {  	v12 =	vmul.f32 v15, v7;
	v5 =	vadd.f32 v5, v11  }
0x21e: {  	v11 =	vmul.f32 v14, v4  }
0x21f: {  	v5 =	vadd.f32 v12, v5;
	_ =	sdelay $0x1  }
0x220: {  	v5 =	vadd.f32 v11, v5  }
0x221: {  	v12 =	vld [tilespmem:s20+$0xFFFFF870];
	v11 =	vpop (erf)  }
0x222: {  	v5 =	vsub.f32 $0.0e+00, v5;
	v14 =	vpop (erf)  }
0x223: {  	v15 =	vld [tilespmem:s20+$0x70];
	v14 =	vadd.f32 $1.000000000e+00, v14  }
0x224: {  	v13 =	vmul.f32 v19, v13;
	v5 =	vmul.f32 $1.442695020e+00, v5  }
0x225: {  	(erf) = vrcp.f32 v14  }
0x226: {  	v14 =	vld [tilespmem:s20+$0x870];
	(erf) = vpow2.f32 v5;
	v5 =	vadd.f32 v13, v8;
	v8 =	vmul.f32 v12, v9;
	_ =	sdelay $0x1  }
0x227: {  	v7 =	vmul.f32 v15, v7;
	v5 =	vadd.f32 v8, v5;
	_ =	sdelay $0x1  }
0x228: {  	v5 =	vadd.f32 v7, v5  }
0x229: {  	v4 =	vmul.f32 v14, v4;
	_ =	sdelay $0x1  }
0x22a: {  	v4 =	vadd.f32 v4, v5  }
0x22b: {  	v5 =	vpop (erf)  }
0x22c: {  	v4 =	vsub.f32 $0.0e+00, v4;
	v7 =	vpop (erf)  }
0x22d: {  	v7 =	vadd.f32 $1.000000000e+00, v7  }
0x22e: {  	v4 =	vmul.f32 $1.442695020e+00, v4  }
0x22f: {  	(erf) = vrcp.f32 v7  }
0x230: {  	(erf) = vpow2.f32 v4;
	_ =	sdelay $0x2  }
0x231: {  	v4 =	vadd.f32 v11, v11;
	_ =	sdelay $0x1  }
0x232: {  	v4 =	vadd.f32 $-1.000000000e+00, v4;
	_ =	sdelay $0x1  }
0x233: {  	v4 =	vmul.f32 v4, v6  }
0x234: {  	v6 =	vpop (erf)  }
0x235: {  	v4 =	vmul.f32 $-2.000000000e+00, v4;
	v7 =	vpop (erf)  }
0x236: {  	v7 =	vadd.f32 $1.000000000e+00, v7  }
0x237: {  	v4 =	vmul.f32 $1.442695020e+00, v4  }
0x238: {  	(erf) = vrcp.f32 v7  }
0x239: {  	(erf) = vpow2.f32 v4;
	_ =	sdelay $0x2  }
0x23a: {  	v4 =	vadd.f32 v5, v5;
	_ =	sdelay $0x1  }
0x23b: {  	v4 =	vadd.f32 $-1.000000000e+00, v4;
	_ =	sdelay $0x1  }
0x23c: {  	v4 =	vmul.f32 v4, v10  }
0x23d: {  	v5 =	vpop (erf)  }
0x23e: {  	v4 =	vmul.f32 $-2.000000000e+00, v4;
	v7 =	vpop (erf)  }
0x23f: {  	v7 =	vadd.f32 $1.000000000e+00, v7  }
0x240: {  	v4 =	vmul.f32 $1.442695020e+00, v4  }
0x241: {  	(erf) = vrcp.f32 v7  }
0x242: {  	(erf) = vpow2.f32 v4;
	_ =	sdelay $0x7  }
0x243: {  	v4 =	vpop (erf)  }
0x244: {  	v59 =	vld [tilespmem:$0x960];
	v7 =	vpop (erf)  }
0x245: {  	v60 =	vld [tilespmem:$0x8F0];
	v7 =	vadd.f32 $1.000000000e+00, v7  }
0x246: {  	v61 =	vld [tilespmem:$0x970]  }
0x247: {  	v22 =	vld [tilespmem:$0x950];
	(erf) = vrcp.f32 v7  }
0x248: {  	v23 =	vld [tilespmem:$0x8E0]  }
0x249: {  	v15 =	vld [tilespmem:$0x8D0]  }
0x24a: {  	v12 =	vld [tilespmem:$0x890]  }
0x24b: {  	s20 =	simm.s32 $0x34F0;
	v13 =	vld [tilespmem:$0x8C0]  }
0x24c: {  	v62 =	vld [tilespmem:s20+$0xFFFFFF90]  }
0x24d: {  	v63 =	vld [tilespmem:s20+$0xFFFFFFA0]  }
0x24e: {  	v20 =	vld [tilespmem:s20+$0xFFFFF790]  }
0x24f: {  	v21 =	vld [tilespmem:s20+$0xFFFFF7A0]  }
0x250: {  	v8 =	vld [tilespmem:$0x880];
	v9 =	vpop (erf)  }
0x251: {  	v10 =	vld [tilespmem:$0x900];
	v9 =	vadd.f32 v9, v9  }
0x252: {  	v14 =	vld [tilespmem:$0x940];
	v4 =	vadd.f32 v4, v4  }
0x253: {  	v7 =	vld [tilespmem:$0x910];
	v16 =	vadd.f32 $-1.000000000e+00, v9  }
0x254: {  	v19 =	vld [tilespmem:s20+$0xFFFFF7D0];
	v17 =	vadd.f32 $-1.000000000e+00, v4  }
0x255: {  	s21 =	simm.s32 $0x0;
	v11 =	vld [tilespmem:s20+$0xFFFFFFD0];
	v4 =	vmul.f32 v16, v5  }
0x256: {  	v18 =	vadd.f32 v10, v8;
	v10 =	vmov s21;
	v9 =	vld [tilespmem:s20+$0xFFFFFFE0];
	v5 =	vmul.f32 v17, v6  }
0x257: {  	v14 =	vadd.f32 v14, v13;
	v8 =	vadd.f32 v59, v23;
	v17 =	vld [tilespmem:s20+$0xFFFFF7E0];
	v6 =	vperm.xlane v4, v10  }
0x258: {  	v16 =	vadd.f32 v7, v12;
	v12 =	vadd.f32 v22, v15;
	v15 =	vld [tilespmem:s20+$0xFFFFF7F0];
	v10 =	vperm.xlane v5, v10  }
0x259: {  	v13 =	vld [tilespmem:s20+$0xFFFFF800];
	s21 =	simm.s32 $0x1;
	v7 =	vadd.f32 v61, v60;
	v23 =	vmul.f32 v62, v6;
	v22 =	vmul.f32 v63, v6  }
.LBB2_17:
0x25a: {  	p0 =	sne.s32 s21, $0xF;
	v20 =	vmul.f32 v20, v10;
	v21 =	vmul.f32 v21, v10;
	v24 =	vld [tilespmem:s20+$0xFFFFFFF0]  }
0x25b: {  	v25 =	vmul.f32 v11, v6;
	v26 =	vmul.f32 v9, v6;
	v27 =	vld [tilespmem:s20+$0x0];
	s20 =	sadd.s32 $0x80, s20  }
0x25c: {  	v19 =	vmul.f32 v19, v10;
	v28 =	vld [tilespmem:s20+$0xFFFFFF90];
	v9 =	vadd.f32 v20, v18;
	v16 =	vadd.f32 v21, v16  }
0x25d: {  	v17 =	vmul.f32 v17, v10;
	v29 =	vld [tilespmem:s20+$0xFFFFFFA0];
	v15 =	vmul.f32 v15, v10  }
0x25e: {  	v11 =	vld [tilespmem:s20+$0xFFFFFFD0];
	v10 =	vmul.f32 v13, v10;
	v18 =	vadd.f32 v23, v9;
	v16 =	vadd.f32 v22, v16  }
0x25f: {  	v13 =	vadd.f32 v19, v14;
	v12 =	vadd.f32 v17, v12;
	v9 =	vld [tilespmem:s20+$0xFFFFFFE0];
	v17 =	vmul.f32 v24, v6  }
0x260: {  	v8 =	vadd.f32 v15, v8;
	v20 =	vld [tilespmem:s20+$0xFFFFF790];
	v7 =	vadd.f32 v10, v7;
	v6 =	vmul.f32 v27, v6  }
.Ltmp8:
0x261: {  	v14 =	vadd.f32 v25, v13;
	v12 =	vadd.f32 v26, v12;
	v21 =	vld [tilespmem:s20+$0xFFFFF7A0];
	(pc) =	sbr.rel @p0 .LBB2_17-.Ltmp8, $4  }
0x262: {  	v10 =	vmov s21;
	v8 =	vadd.f32 v17, v8;
	v19 =	vld [tilespmem:s20+$0xFFFFF7D0];
	v7 =	vadd.f32 v6, v7  }
0x263: {  	v6 =	vperm.xlane v4, v10;
	v17 =	vld [tilespmem:s20+$0xFFFFF7E0]  }
0x264: {  	v10 =	vperm.xlane v5, v10;
	v15 =	vld [tilespmem:s20+$0xFFFFF7F0]  }
0x265: {  	s21 =	sadd.s32 $0x1, s21;
	v23 =	vmul.f32 v28, v6;
	v22 =	vmul.f32 v29, v6;
	v13 =	vld [tilespmem:s20+$0xFFFFF800]  }
0x266: {  	v20 =	vmul.f32 v20, v10;
	_ =	sdelay $0x1  }
0x267: {  	v18 =	vadd.f32 v20, v18;
	_ =	sdelay $0x1  }
0x268: {  	v18 =	vadd.f32 v23, v18;
	_ =	sdelay $0x1  }
0x269: {  	v18 =	vsub.f32 $0.0e+00, v18;
	_ =	sdelay $0x1  }
0x26a: {  	v18 =	vmul.f32 $1.442695020e+00, v18;
	_ =	sdelay $0x1  }
0x26b: {  	(erf) = vpow2.f32 v18;
	_ =	sdelay $0x2  }
0x26c: {  	v31 =	vmul.f32 v21, v10;
	_ =	sdelay $0x1  }
0x26d: {  	v16 =	vadd.f32 v31, v16;
	_ =	sdelay $0x1  }
0x26e: {  	v16 =	vadd.f32 v22, v16;
	_ =	sdelay $0x1  }
0x26f: {  	v16 =	vsub.f32 $0.0e+00, v16;
	v32 =	vpop (erf)  }
0x270: {  	v18 =	vadd.f32 $1.000000000e+00, v32  }
0x271: {  	v16 =	vmul.f32 $1.442695020e+00, v16  }
0x272: {  	(erf) = vrcp.f32 v18  }
0x273: {  	(erf) = vpow2.f32 v16;
	_ =	sdelay $0x2  }
0x274: {  	v33 =	vmul.f32 v19, v10;
	_ =	sdelay $0x1  }
0x275: {  	v11 =	vmul.f32 v11, v6;
	v14 =	vadd.f32 v33, v14;
	_ =	sdelay $0x1  }
0x276: {  	v11 =	vadd.f32 v11, v14  }
0x277: {  	v34 =	vpop (erf)  }
0x278: {  	v11 =	vmul.f32 $-2.000000000e+00, v11;
	v35 =	vpop (erf)  }
0x279: {  	v16 =	vadd.f32 $1.000000000e+00, v35  }
0x27a: {  	v11 =	vmul.f32 $1.442695020e+00, v11  }
0x27b: {  	(erf) = vrcp.f32 v16  }
0x27c: {  	(erf) = vpow2.f32 v11;
	_ =	sdelay $0x2  }
0x27d: {  	v36 =	vmul.f32 v17, v10;
	_ =	sdelay $0x1  }
0x27e: {  	v9 =	vmul.f32 v9, v6;
	v11 =	vadd.f32 v36, v12;
	_ =	sdelay $0x1  }
0x27f: {  	v9 =	vadd.f32 v9, v11  }
0x280: {  	v37 =	vpop (erf)  }
0x281: {  	v9 =	vmul.f32 $-2.000000000e+00, v9;
	v38 =	vpop (erf)  }
0x282: {  	v12 =	vadd.f32 $1.000000000e+00, v38  }
0x283: {  	v9 =	vmul.f32 $1.442695020e+00, v9  }
0x284: {  	(erf) = vrcp.f32 v12  }
0x285: {  	v39 =	vld [tilespmem:s20+$0xFFFFFFF0];
	(erf) = vpow2.f32 v9;
	_ =	sdelay $0x2  }
0x286: {  	v40 =	vmul.f32 v15, v10;
	_ =	sdelay $0x1  }
0x287: {  	v8 =	vadd.f32 v40, v8;
	v12 =	vmul.f32 v39, v6;
	_ =	sdelay $0x1  }
0x288: {  	v8 =	vadd.f32 v12, v8  }
0x289: {  	v41 =	vpop (erf)  }
0x28a: {  	v8 =	vsub.f32 $0.0e+00, v8;
	v42 =	vpop (erf)  }
0x28b: {  	v12 =	vadd.f32 $1.000000000e+00, v42  }
0x28c: {  	v8 =	vmul.f32 $1.442695020e+00, v8  }
0x28d: {  	(erf) = vrcp.f32 v12  }
0x28e: {  	v43 =	vld [tilespmem:s20+$0x0];
	(erf) = vpow2.f32 v8;
	_ =	sdelay $0x2  }
0x28f: {  	v44 =	vmul.f32 v13, v10;
	_ =	sdelay $0x1  }
0x290: {  	v45 =	vmul.f32 v43, v6;
	v7 =	vadd.f32 v44, v7;
	_ =	sdelay $0x1  }
0x291: {  	v6 =	vadd.f32 v45, v7  }
0x292: {  	v46 =	vpop (erf)  }
0x293: {  	v6 =	vsub.f32 $0.0e+00, v6;
	v47 =	vpop (erf)  }
0x294: {  	v8 =	vadd.f32 $1.000000000e+00, v47  }
0x295: {  	v6 =	vmul.f32 $1.442695020e+00, v6  }
0x296: {  	(erf) = vrcp.f32 v8  }
0x297: {  	(erf) = vpow2.f32 v6;
	_ =	sdelay $0x2  }
0x298: {  	v48 =	vadd.f32 v41, v41;
	_ =	sdelay $0x1  }
0x299: {  	v6 =	vadd.f32 $-1.000000000e+00, v48;
	_ =	sdelay $0x1  }
0x29a: {  	v6 =	vmul.f32 v6, v34  }
0x29b: {  	v8 =	vpop (erf)  }
0x29c: {  	v6 =	vmul.f32 $-2.000000000e+00, v6;
	v49 =	vpop (erf)  }
0x29d: {  	v9 =	vadd.f32 $1.000000000e+00, v49  }
0x29e: {  	v6 =	vmul.f32 $1.442695020e+00, v6  }
0x29f: {  	(erf) = vrcp.f32 v9  }
0x2a0: {  	(erf) = vpow2.f32 v6;
	_ =	sdelay $0x2  }
0x2a1: {  	v50 =	vadd.f32 v46, v46;
	_ =	sdelay $0x1  }
0x2a2: {  	v6 =	vadd.f32 $-1.000000000e+00, v50;
	_ =	sdelay $0x1  }
0x2a3: {  	v6 =	vmul.f32 v6, v37  }
0x2a4: {  	v51 =	vpop (erf)  }
0x2a5: {  	v6 =	vmul.f32 $-2.000000000e+00, v6;
	v52 =	vpop (erf)  }
0x2a6: {  	v9 =	vadd.f32 $1.000000000e+00, v52  }
0x2a7: {  	v6 =	vmul.f32 $1.442695020e+00, v6  }
0x2a8: {  	(erf) = vrcp.f32 v9  }
0x2a9: {  	(erf) = vpow2.f32 v6;
	_ =	sdelay $0x7  }
0x2aa: {  	v53 =	vpop (erf)  }
0x2ab: {  	v54 =	vpop (erf)  }
0x2ac: {  	v9 =	vadd.f32 $1.000000000e+00, v54;
	_ =	sdelay $0x1  }
0x2ad: {  	(erf) = vrcp.f32 v9;
	_ =	sdelay $0x6  }
0x2ae: {  	v55 =	vld [tilespmem:$0x660]  }
0x2af: {  	v56 =	vld [tilespmem:$0x670];
	v6 =	vadd.f32 v53, v53  }
0x2b0: {  	v57 =	vpop (erf)  }
0x2b1: {  	v58 =	vld [tilespmem:$0x680];
	v6 =	vadd.f32 $-1.000000000e+00, v6;
	v11 =	vadd.f32 v57, v57  }
0x2b2: {  	s30 =	sshrl.u32 s6, $0x2;
	v5 =	vmax.f32 v5, $0.0e+00;
	v60 =	vld [tilespmem:$0x690]  }
0x2b3: {  	v4 =	vmax.f32 v4, $0.0e+00;
	v59 =	vld [tilespmem:s30+$0x0];
	v6 =	vmul.f32 v6, v8;
	v11 =	vadd.f32 $-1.000000000e+00, v11  }
0x2b4: {  	v61 =	vld [tilespmem:$0x6A0];
	v5 =	vmul.f32 v55, v5;
	v4 =	vmul.f32 v56, v4  }
0x2b5: {  	v6 =	vmax.f32 v6, $0.0e+00;
	v7 =	vmul.f32 v11, v51  }
0x2b6: {  	v4 =	vadd.f32 v4, v5;
	v5 =	vmul.f32 v58, v6  }
0x2b7: {  	v62 =	vmax.f32 v7, $0.0e+00  }
0x2b8: {  	v63 =	vmax.f32 v59, $0.0e+00;
	v4 =	vadd.f32 v5, v4;
	v5 =	vmul.f32 v60, v62  }
0x2b9: {  	v6 =	vmul.f32 v61, v63  }
0x2ba: {  	vm0 =	vmmov $0xf;
	v4 =	vadd.f32 v5, v4  }
0x2bb: {  	v5 =	vnsel vm0, $0x0, v6  }
0x2bc: {  	v4 =	vadd.f32 v5, v4;
	_ =	sdelay $0x1  }
0x2bd: {  	(xrf2) =	vadd.scan.msk.f32 $0xffff, v4;
	_ =	sdelay $0x6  }
0x2be: {  	v4 =	vld [tilespmem:$0x6B0];
	_ =	sdelay $0x2  }
0x2bf: {  	v5, _, _ =	vpop (xrf2)  }
0x2c0: {  	(v2sf) =	vpush v5, $0xF  }
0x2c1: {  	(v2sf) =	vpush v4, $0x0;
	_ =	sdelay $0xd  }
0x2c2: {  	s31 =	spop (v2sf)  }
0x2c3: {  	s21 =	spop (v2sf)  }
0x2c4: {  	s20 =	sadd.f32 s31, s21;
	_ =	sdelay $0x1  }
0x2c5: {  	v4 =	vmov s20  }
0x2c6: {  	v4 =	vadd.f32 $0.0e+00, v4;
	_ =	sdelay $0x1  }
0x2c7: {  	s19 =	sadd.s32 $0x1, s19;
	v4 =	vbroadcast v4, $0x0  }
0x2c8: {  	p0 =	sne.s32 s19, s10  }
.Ltmp9:
0x2c9: {  	[tilespmem:$0x4600] =	vst v4;
	(pc) =	sbr.rel @p0 .LBB2_2-.Ltmp9, $4  }
0x2ca: {  	[hbm4b:s9+s2] =	stream.linear.scatter [tilespmem:s17], [sflag:$0x3], $0x80, $0x38;
	[tilespmem:$0x4680] =	vst v63  }
0x2cb: {  	_ =	swait.ge [sflag:s18], $0x80  }
0x2cc: {  	[sflag:s18] =	ssyncset.done $0x0  }
0x2cd: {  	[sflag:s18] =	ssyncadd.s32 $0xFFFFFF80  }
.LBB2_19:
0x2ce: {  	_ =	sfence.sel $0x180000  }
0x2cf: {  	[bflag:$0x0] =	sbarrier.arrive $0xFFFF  }
0x2d0: {  	p0 =	sne.s32 s1, $0x0;
	_ =	strace $0x90000047  }
0x2d1: {  	s0 =	sadd.s32 @!p0 $0x100000, s0;
	[bflag:$0x2] =	sbarrier.arrive $0xFFFF  }
0x2d2: {  	[sflag:s0] =	ssyncadd.tile.s32 @!p0 $0x1;
	_ =	shalt  }
.Lfunc_end2:
_tile_overlayer_lowered:
.L_overlay_start_2:
0x2d3: {  	(tag) =	ssettag $0x2  }
0x2d4: {  	s0 =	rddreg [dreg:$0x0];
	s2 =	stileid.u32  }
0x2d5: {  	s1 =	rddreg [dreg:$0x1];
	p0 =	sne.s32 s2, $0x0  }
0x2d6: {  	s3 =	rddreg [dreg:$0x2];
	[bflag:$0x3] =	sbarrier.arrive $0xFFFF;
	s2 =	simm.s32 @!p0 $0x1C03  }
0x2d7: {  	[timem:s3], [sflag:s2] =	dma.local @!p0 [hbm:s0], s1  }
0x2d8: {  	s0 =	simm.s32 @!p0 $0x3  }
0x2d9: {  	_ =	swait.ge @!p0 [sflag:s0], s1  }
0x2da: {  	s1 =	ssub.s32 @!p0 $0x0, s1;
	[sflag:s0] =	ssyncset.done @!p0 $0x0  }
0x2db: {  	[sflag:s0] =	ssyncadd.s32 @!p0 s1  }
0x2dc: {  	[bflag:$0x3] =	sbarrier.arrive $0xFFFF  }
0x2dd: {  	_ =	shalt  }

</sc_bundles>
